<compile_context>
chip_gen: v7x
topology: tpu7x:2x2x1
jax: 0.10.2.dev20260603
libtpu: 0.0.44.dev20260713+nightly
codegen_flags: <defaults>
</compile_context>

<pallas_src>
import functools

import jax
import jax.numpy as jnp
from jax import lax
from jax.experimental import pallas as pl
from jax.experimental.pallas import tpu as pltpu
from jax.experimental.pallas import tpu_sc as plsc

NC = 2
NS = 16
L = 16
CHUNK = 128
GC = 120
DH = 128
PW = DH // 2


def _round_up(a, b):
    return (a + b - 1) // b * b


def _sc_segment_sum(xpk, srcoff, dstr, npad, nchunk):
    mesh = plsc.VectorSubcoreMesh(core_axis_name="c", subcore_axis_name="s")
    rows_per_tile = npad // NS
    nzero = rows_per_tile // GC

    @functools.partial(
        pl.kernel,
        out_type=jax.ShapeDtypeStruct((NC, npad, DH), jnp.float32),
        mesh=mesh,
        scratch_types=[
            pltpu.VMEM((1, GC), jnp.int32),
            pltpu.VMEM((1, GC), jnp.int32),
            pltpu.VMEM((1, GC), jnp.int32),
            pltpu.VMEM((1, GC), jnp.int32),
            pltpu.VMEM((GC, PW), jnp.int32),
            pltpu.VMEM((GC, PW), jnp.int32),
            pltpu.VMEM((GC, DH), jnp.float32),
            pltpu.VMEM((GC, DH), jnp.float32),
            pltpu.VMEM_SHARED((npad, DH), jnp.float32),
            pltpu.SemaphoreType.DMA,
            pltpu.SemaphoreType.DMA,
            pltpu.SemaphoreType.DMA,
            pltpu.SemaphoreType.DMA,
        ],
        compiler_params=pltpu.CompilerParams(use_tc_tiling_on_sc=False),
    )
    def k(xpk_h, srcoff_h, dstr_h, out_h, srcs0, srcs1, dstb0, dstb1,
          raw0, raw1, fbuf0, fbuf1, acc, semg, semd, semsc, sems):
        c = lax.axis_index("c")
        s = lax.axis_index("s")

        def fill_g(i, _):
            for l in range(DH // L):
                fbuf0[i, pl.ds(l * L, L)] = jnp.zeros((L,), jnp.float32)
            return 0
        lax.fori_loop(0, GC, fill_g, 0)

        def zero_acc(j, _):
            base = s * rows_per_tile + j * GC
            pltpu.sync_copy(fbuf0, acc.at[pl.ds(base, GC)])
            return 0
        lax.fori_loop(0, nzero, zero_acc, 0)
        rem = rows_per_tile - nzero * GC
        if rem:
            pltpu.sync_copy(
                fbuf0.at[pl.ds(0, rem)],
                acc.at[pl.ds(s * rows_per_tile + nzero * GC, rem)])

        plsc.subcore_barrier()

        def wait_g(buf):
            pltpu.make_async_copy(xpk_h.at[pl.ds(0, GC)], buf, semg).wait()

        def wait_s(buf):
            pltpu.make_async_copy(
                srcoff_h.at[0, 0, pl.ds(0, 1)], buf, sems).wait()

        def wait_d(buf):
            pltpu.make_async_copy(
                dstr_h.at[0, pl.ds(0, 1)], buf, semd).wait()

        def wait_sc(buf):
            pltpu.make_async_copy(
                buf, acc.at[pl.ds(0, GC)], semsc).wait()

        def fire_src(j, sbuf):
            pltpu.async_copy(srcoff_h.at[c, s, pl.ds(j, 1)], sbuf, sems)

        def convert(raw, fbuf):
            def cv(i2, _):
                for r in range(4):
                    i = 4 * i2 + r
                    for g in range(PW // L):
                        w = raw[i, pl.ds(g * L, L)]
                        a0 = lax.bitcast_convert_type(
                            lax.shift_left(w, 16), jnp.float32)
                        a1 = lax.bitcast_convert_type(
                            w & jnp.int32(-65536), jnp.float32)
                        fbuf[i, pl.ds(L * g, L)] = a0
                        fbuf[i, pl.ds(PW + L * g, L)] = a1
                return 0
            lax.fori_loop(0, GC // 4, cv, 0)

        def stage(jq, srcs, raw, fbuf, dstb, first):
            wait_g(raw)
            if not first:
                wait_sc(fbuf)

            @pl.when(jq + 2 < nchunk)
            def _():
                fire_src(jq + 2, srcs)
            pltpu.async_copy(dstr_h.at[s, pl.ds(jq, 1)], dstb, semd)
            convert(raw, fbuf)

            @pl.when(jq + 2 < nchunk)
            def _():
                wait_s(srcs)
                pltpu.async_copy(xpk_h.at[srcs.at[0]], raw, semg)
            wait_d(dstb)
            pltpu.async_copy(fbuf, acc.at[dstb.at[0]], semsc, add=True)

        fire_src(0, srcs0)
        fire_src(1, srcs1)
        wait_s(srcs0)
        pltpu.async_copy(xpk_h.at[srcs0.at[0]], raw0, semg)
        wait_s(srcs1)
        pltpu.async_copy(xpk_h.at[srcs1.at[0]], raw1, semg)

        stage(0, srcs0, raw0, fbuf0, dstb0, True)
        stage(1, srcs1, raw1, fbuf1, dstb1, True)

        def body(jp, _):
            j0 = 2 * jp + 2
            stage(j0, srcs0, raw0, fbuf0, dstb0, False)
            stage(j0 + 1, srcs1, raw1, fbuf1, dstb1, False)
            return 0
        lax.fori_loop(0, nchunk // 2 - 1, body, 0)

        wait_sc(fbuf0)
        wait_sc(fbuf1)

        plsc.subcore_barrier()

        base = s * rows_per_tile
        pltpu.sync_copy(acc.at[pl.ds(base, rows_per_tile)],
                        out_h.at[c, pl.ds(base, rows_per_tile)])

    return k(xpk, srcoff, dstr)


def _sc_counts(dstr2, npad, nchunk2):
    mesh = plsc.VectorSubcoreMesh(core_axis_name="c", subcore_axis_name="s")
    rows_per_tile = npad // NS
    nzero = rows_per_tile // CHUNK

    @functools.partial(
        pl.kernel,
        out_type=jax.ShapeDtypeStruct((NC, npad, L), jnp.float32),
        mesh=mesh,
        scratch_types=[
            pltpu.VMEM((nchunk2, CHUNK), jnp.int32),
            pltpu.VMEM((CHUNK, L), jnp.float32),
            pltpu.VMEM_SHARED((npad, L), jnp.float32),
            pltpu.SemaphoreType.DMA,
        ],
        compiler_params=pltpu.CompilerParams(use_tc_tiling_on_sc=False),
    )
    def k(dstr_h, cnt_h, dstb, onesb, cacc, sem):
        c = lax.axis_index("c")
        s = lax.axis_index("s")

        def fill(i, _):
            onesb[i, :] = jnp.zeros((L,), jnp.float32)
            return 0
        lax.fori_loop(0, CHUNK, fill, 0)

        def zero_acc(j, _):
            base = s * rows_per_tile + j * CHUNK
            pltpu.sync_copy(onesb, cacc.at[pl.ds(base, CHUNK)])
            return 0
        lax.fori_loop(0, nzero, zero_acc, 0)

        def fill1(i, _):
            onesb[i, :] = jnp.ones((L,), jnp.float32)
            return 0
        lax.fori_loop(0, CHUNK, fill1, 0)

        plsc.subcore_barrier()

        pltpu.sync_copy(dstr_h.at[c, s], dstb)

        def body(j, _):
            pltpu.sync_copy(onesb, cacc.at[dstb.at[j]], add=True)
            return 0
        lax.fori_loop(0, nchunk2, body, 0)

        plsc.subcore_barrier()

        base = s * rows_per_tile
        pltpu.sync_copy(cacc.at[pl.ds(base, rows_per_tile)],
                        cnt_h.at[c, pl.ds(base, rows_per_tile)])

    return k(dstr2)


def _tc_head(summed, counts, x, wlt0, wlt1, bl, wrt, w1t, b1, w2t, b2,
             w3t, b3):
    n, d = x.shape
    blk = 2000

    def body(s0_r, s1_r, c0_r, c1_r, x_r, wlt0_r, wlt1_r, bl_r, wrt_r,
             w1t_r, b1_r, w2t_r, b2_r, w3t_r, b3_r, out_r):
        cnt = c0_r[0][:, 0:1] + c1_r[0][:, 0:1]
        rcp = 1.0 / jnp.maximum(cnt, 1.0)
        m0 = s0_r[0] * rcp
        m1 = s1_r[0] * rcp
        xv = x_r[...]
        conv = (jnp.dot(m0, wlt0_r[...], preferred_element_type=jnp.float32)
                + jnp.dot(m1, wlt1_r[...], preferred_element_type=jnp.float32)
                + bl_r[...]
                + jnp.dot(xv, wrt_r[...], preferred_element_type=jnp.float32))
        h = jnp.maximum(conv, 0.0) + xv
        h = jnp.maximum(jnp.dot(h, w1t_r[...], preferred_element_type=jnp.float32)
                        + b1_r[...], 0.0)
        h = jnp.maximum(jnp.dot(h, w2t_r[...], preferred_element_type=jnp.float32)
                        + b2_r[...], 0.0)
        out_r[...] = jnp.dot(h, w3t_r[...],
                             preferred_element_type=jnp.float32) + b3_r[...]

    full = lambda shape: pl.BlockSpec(shape, lambda i: (0, 0))
    return pl.pallas_call(
        body,
        grid=(n // blk,),
        in_specs=[
            pl.BlockSpec((1, blk, DH), lambda i: (0, i, 0)),
            pl.BlockSpec((1, blk, DH), lambda i: (1, i, 0)),
            pl.BlockSpec((1, blk, L), lambda i: (0, i, 0)),
            pl.BlockSpec((1, blk, L), lambda i: (1, i, 0)),
            pl.BlockSpec((blk, d), lambda i: (i, 0)),
            full(wlt0.shape), full(wlt1.shape), full(bl.shape), full(wrt.shape),
            full(w1t.shape), full(b1.shape), full(w2t.shape), full(b2.shape),
            full(w3t.shape), full(b3.shape),
        ],
        out_specs=pl.BlockSpec((blk, 1), lambda i: (i, 0)),
        out_shape=jax.ShapeDtypeStruct((n, 1), jnp.float32),
    )(summed, summed, counts, counts, x, wlt0, wlt1, bl, wrt,
      w1t, b1, w2t, b2, w3t, b3)


def kernel(x, edge_index, Wl, bl, Wr, W1, b1, W2, b2, W3, b3):
    n, d = x.shape
    e = edge_index.shape[1]
    npad = _round_up(n + 1, NS * CHUNK)
    epad = _round_up(e, 2 * NS * GC)
    nchunk = epad // (NS * GC)
    epad2 = _round_up(e, NC * NS * CHUNK)
    nchunk2 = epad2 // (NC * NS * CHUNK)

    src = edge_index[0]
    dst = edge_index[1]

    xh0 = jnp.pad(x[:, :DH], ((0, npad - n), (0, 0)))
    xh1 = jnp.pad(x[:, DH:], ((0, npad - n), (0, 0)))
    xcomb = jnp.concatenate([xh0, xh1], axis=0)
    u = lax.bitcast_convert_type(xcomb, jnp.uint32)
    r16 = (u + 0x7FFF + ((u >> 16) & 1)) >> 16
    lo = r16[:, :PW]
    hi = r16[:, PW:]
    xpk = lax.bitcast_convert_type(lo | (hi << 16), jnp.int32)

    srcp = jnp.pad(src, (0, epad - e))
    dstp = jnp.pad(dst, (0, epad - e), constant_values=n)
    srcoff = jnp.stack([srcp, srcp + npad]).reshape(NC, NS, nchunk, GC)
    dstr = dstp.reshape(NS, nchunk, GC)

    dstp2 = jnp.pad(dst, (0, epad2 - e), constant_values=n)
    dstr2 = dstp2.reshape(NC, NS, nchunk2, CHUNK)

    summed = _sc_segment_sum(xpk, srcoff, dstr, npad, nchunk)
    counts = _sc_counts(dstr2, npad, nchunk2)

    wlt = Wl.T
    out = _tc_head(
        summed, counts, x,
        wlt[:DH], wlt[DH:], bl.reshape(1, -1), Wr.T,
        W1.T, b1.reshape(1, -1), W2.T, b2.reshape(1, -1),
        W3.T, b3.reshape(1, -1),
    )
    return out

# --- scband reference (transcript-rebuilt; emitter-appended) ---
"""Pipeline reference for scband-gnnactor-23192823398472 (READ-ONLY COPY).

The authoritative reference and input builder live on the scoring server;
editing this copy changes nothing except your own understanding.
"""

import jax, jax.numpy as jnp
import numpy as np

N = 10000
E = 160000
D = 256
OUT = 1


def setup_inputs(seed: int = 0) -> dict:
    key = jax.random.key(seed)
    ks = jax.random.split(key, 12)
    x = jax.random.normal(ks[0], (N, D), dtype=jnp.float32)
    edge_index = jax.random.randint(ks[1], (2, E), 0, N, dtype=jnp.int32)
    # SAGEConv params: lin_l (neighbor agg, with bias), lin_r (root, no bias)
    Wl = jax.random.normal(ks[2], (256, D), dtype=jnp.float32) * (1.0 / np.sqrt(D))
    bl = jnp.zeros((256,), dtype=jnp.float32)
    Wr = jax.random.normal(ks[3], (256, D), dtype=jnp.float32) * (1.0 / np.sqrt(D))
    # MLP head
    W1 = jax.random.normal(ks[4], (128, 256), dtype=jnp.float32) * (1.0 / np.sqrt(256))
    b1 = jnp.zeros((128,), dtype=jnp.float32)
    W2 = jax.random.normal(ks[5], (32, 128), dtype=jnp.float32) * (1.0 / np.sqrt(128))
    b2 = jnp.zeros((32,), dtype=jnp.float32)
    W3 = jax.random.normal(ks[6], (OUT, 32), dtype=jnp.float32) * (1.0 / np.sqrt(32))
    b3 = jnp.zeros((OUT,), dtype=jnp.float32)
    return {"x": x, "edge_index": edge_index, "Wl": Wl, "bl": bl, "Wr": Wr,
            "W1": W1, "b1": b1, "W2": W2, "b2": b2, "W3": W3, "b3": b3}


def reference(x, edge_index, Wl, bl, Wr, W1, b1, W2, b2, W3, b3):
    n = x.shape[0]
    src = edge_index[0]
    dst = edge_index[1]
    # SAGEConv (mean aggregation): out = lin_l(mean_{j in N(i)} x_j) + lin_r(x_i)
    msg = jnp.take(x, src, axis=0)
    summed = jax.ops.segment_sum(msg, dst, num_segments=n)
    counts = jax.ops.segment_sum(jnp.ones((msg.shape[0],), dtype=x.dtype), dst, num_segments=n)
    mean = summed / jnp.clip(counts, 1.0, None)[:, None]
    conv = mean @ Wl.T + bl + x @ Wr.T
    out = jax.nn.relu(conv)
    h = out + x  # residual
    h = jax.nn.relu(h @ W1.T + b1)
    h = jax.nn.relu(h @ W2.T + b2)
    return h @ W3.T + b3

if __name__ == "__main__":
    import jax
    _d = setup_inputs()
    print(jax.jit(kernel)(*tuple(_d.values())))

</pallas_src>

<mosaic_0001>
#map = affine_map<(d0, d1) -> (0, 0, 0, 0)>
#map1 = affine_map<(d0, d1) -> (0, 0, 0)>
module attributes {stable_mosaic.version = 14 : i64} {
  func.func @k(%arg0: i32, %arg1: i32, %arg2: memref<2x16x40x128xi32, #tpu.memory_space<hbm>>, %arg3: memref<2x10240x16xf32, #tpu.memory_space<hbm>>, %arg4: memref<40x128xi32, #tpu.memory_space<vmem>>, %arg5: memref<128x16xf32, #tpu.memory_space<vmem>>, %arg6: memref<10240x16xf32, #tpu.memory_space<vmem_shared>>, %arg7: memref<!tpu.dma_semaphore, #tpu.memory_space<semaphore_mem>>) attributes {dimension_semantics = [#tpu.dimension_semantics<core_parallel>, #tpu.dimension_semantics<subcore_parallel>], iteration_bounds = array<i64: 2, 16>, scalar_prefetch = 0 : i64, scratch_operands = 4 : i64, tpu.core_type = #tpu.core_type<sc_vector_subcore>, window_params = [{transform_indices = #map}, {transform_indices = #map1}]} {
    %scan3A = arith.constant 0 : i32
    %scan3A_0 = arith.constant 0 : i32
    %scan3A_1 = arith.constant 128 : i32
    %scan3A_2 = arith.addi %scan3A_0, %scan3A_1 : i32
    %scan3A_3 = arith.constant 1 : i32
    %scan3A_4 = scf.for %scan3A_29 = %scan3A_0 to %scan3A_2 step %scan3A_3 iter_args(%scan3A_30 = %scan3A) -> (i32)  : i32 {
      %broadcast_in_dim3A = arith.constant 0.000000e+00 : f32
      %broadcast_in_dim3A_31 = vector.broadcast %broadcast_in_dim3A : f32 to vector<16xf32>
      %swap3A = arith.index_cast %scan3A_29 : i32 to index
      %swap3A_32 = arith.constant 0 : index
      %swap3A_33 = tpu.vector_load %arg5[%swap3A, %swap3A_32] {strides = array<i32>} : memref<128x16xf32, #tpu.memory_space<vmem>>, vector<1x16xf32>,
      %swap3A_34 = vector.shape_cast %swap3A_33 : vector<1x16xf32> to vector<16xf32>
      %swap3A_35 = vector.shape_cast %broadcast_in_dim3A_31 : vector<16xf32> to vector<1x16xf32>
      tpu.vector_store %arg5[%swap3A, %swap3A_32], %swap3A_35 {strides = array<i32>} : memref<128x16xf32, #tpu.memory_space<vmem>>, vector<1x16xf32>,
      %scan3A_36 = arith.constant 0 : i32
      scf.yield %scan3A_36 : i32
    }
    %scan3A_5 = arith.constant 128 : i32
    %scan3A_6 = arith.constant 0 : i32
    %scan3A_7 = arith.constant 0 : i32
    %scan3A_8 = arith.constant 5 : i32
    %scan3A_9 = arith.addi %scan3A_7, %scan3A_8 : i32
    %scan3A_10 = arith.constant 1 : i32
    %scan3A_11 = scf.for %scan3A_29 = %scan3A_7 to %scan3A_9 step %scan3A_10 iter_args(%scan3A_30 = %scan3A_6) -> (i32)  : i32 {
      %mul3A_31 = arith.constant 640 : i32
      %mul3A_32 = arith.muli %arg1, %mul3A_31 : i32
      %mul3A_33 = arith.constant 128 : i32
      %mul3A_34 = arith.muli %scan3A_29, %mul3A_33 : i32
      %add3A = arith.addi %mul3A_32, %mul3A_34 : i32
      "tpu.region"() ({
        %run_scoped3A = tpu.sem_alloc : memref<!tpu.dma_semaphore, #tpu.memory_space<semaphore_mem>>
        %dma_start3A = arith.constant 0 : i32
        %dma_start3A_36 = tpu.memref_slice %arg6[%add3A, %dma_start3A] : memref<10240x16xf32, #tpu.memory_space<vmem_shared>> -> memref<128x16xf32, #tpu.memory_space<vmem_shared>>
        %dma_start3A_37 = arith.constant 0 : i32
        %dma_start3A_38 = tpu.memref_slice %arg6[%add3A, %dma_start3A_37] : memref<10240x16xf32, #tpu.memory_space<vmem_shared>> -> memref<128x16xf32, #tpu.memory_space<vmem_shared>>
        tpu.enqueue_dma source(%arg5 : memref<128x16xf32, #tpu.memory_space<vmem>>) target(%dma_start3A_38 : memref<128x16xf32, #tpu.memory_space<vmem_shared>>) target_semaphore(%run_scoped3A : memref<!tpu.dma_semaphore, #tpu.memory_space<semaphore_mem>>)
        %dma_wait3A = arith.constant 0 : i32
        %dma_wait3A_39 = tpu.memref_slice %arg6[%add3A, %dma_wait3A] : memref<10240x16xf32, #tpu.memory_space<vmem_shared>> -> memref<128x16xf32, #tpu.memory_space<vmem_shared>>
        %dma_wait3A_40 = arith.constant 0 : i32
        %dma_wait3A_41 = tpu.memref_slice %arg6[%add3A, %dma_wait3A_40] : memref<10240x16xf32, #tpu.memory_space<vmem_shared>> -> memref<128x16xf32, #tpu.memory_space<vmem_shared>>
        tpu.wait_dma2 semaphore(%run_scoped3A : memref<!tpu.dma_semaphore, #tpu.memory_space<semaphore_mem>>) src(%arg5 : memref<128x16xf32, #tpu.memory_space<vmem>>) dst(%dma_wait3A_41 : memref<128x16xf32, #tpu.memory_space<vmem_shared>>)
        tpu.yield
      }) : () -> ()
      %scan3A_35 = arith.constant 0 : i32
      scf.yield %scan3A_35 : i32
    }
    %scan3A_12 = arith.constant 5 : i32
    %scan3A_13 = arith.constant 0 : i32
    %scan3A_14 = arith.constant 0 : i32
    %scan3A_15 = arith.constant 128 : i32
    %scan3A_16 = arith.addi %scan3A_14, %scan3A_15 : i32
    %scan3A_17 = arith.constant 1 : i32
    %scan3A_18 = scf.for %scan3A_29 = %scan3A_14 to %scan3A_16 step %scan3A_17 iter_args(%scan3A_30 = %scan3A_13) -> (i32)  : i32 {
      %broadcast_in_dim3A = arith.constant 1.000000e+00 : f32
      %broadcast_in_dim3A_31 = vector.broadcast %broadcast_in_dim3A : f32 to vector<16xf32>
      %swap3A = arith.index_cast %scan3A_29 : i32 to index
      %swap3A_32 = arith.constant 0 : index
      %swap3A_33 = tpu.vector_load %arg5[%swap3A, %swap3A_32] {strides = array<i32>} : memref<128x16xf32, #tpu.memory_space<vmem>>, vector<1x16xf32>,
      %swap3A_34 = vector.shape_cast %swap3A_33 : vector<1x16xf32> to vector<16xf32>
      %swap3A_35 = vector.shape_cast %broadcast_in_dim3A_31 : vector<16xf32> to vector<1x16xf32>
      tpu.vector_store %arg5[%swap3A, %swap3A_32], %swap3A_35 {strides = array<i32>} : memref<128x16xf32, #tpu.memory_space<vmem>>, vector<1x16xf32>,
      %scan3A_36 = arith.constant 0 : i32
      scf.yield %scan3A_36 : i32
    }
    %scan3A_19 = arith.constant 128 : i32
    %barrier3A = arith.constant 0 : index
    tpu.barrier barrier_id(%barrier3A)
    "tpu.region"() ({
      %run_scoped3A = tpu.sem_alloc : memref<!tpu.dma_semaphore, #tpu.memory_space<semaphore_mem>>
      %dma_start3A = arith.constant 0 : i32
      %dma_start3A_29 = arith.constant 0 : i32
      %dma_start3A_30 = tpu.memref_slice %arg2[%arg0, %arg1, %dma_start3A, %dma_start3A_29] : memref<2x16x40x128xi32, #tpu.memory_space<hbm>> -> memref<1x1x40x128xi32, #tpu.memory_space<hbm>>
      %dma_start3A_31 = tpu.memref_squeeze %dma_start3A_30 : memref<1x1x40x128xi32, #tpu.memory_space<hbm>> -> memref<40x128xi32, #tpu.memory_space<hbm>>
      %dma_start3A_32 = arith.constant 0 : i32
      %dma_start3A_33 = arith.constant 0 : i32
      %dma_start3A_34 = tpu.memref_slice %arg2[%arg0, %arg1, %dma_start3A_32, %dma_start3A_33] : memref<2x16x40x128xi32, #tpu.memory_space<hbm>> -> memref<1x1x40x128xi32, #tpu.memory_space<hbm>>
      %dma_start3A_35 = tpu.memref_squeeze %dma_start3A_34 : memref<1x1x40x128xi32, #tpu.memory_space<hbm>> -> memref<40x128xi32, #tpu.memory_space<hbm>>
      tpu.enqueue_dma source(%dma_start3A_35 : memref<40x128xi32, #tpu.memory_space<hbm>>) target(%arg4 : memref<40x128xi32, #tpu.memory_space<vmem>>) target_semaphore(%run_scoped3A : memref<!tpu.dma_semaphore, #tpu.memory_space<semaphore_mem>>)
      %dma_wait3A = arith.constant 0 : i32
      %dma_wait3A_36 = arith.constant 0 : i32
      %dma_wait3A_37 = tpu.memref_slice %arg2[%arg0, %arg1, %dma_wait3A, %dma_wait3A_36] : memref<2x16x40x128xi32, #tpu.memory_space<hbm>> -> memref<1x1x40x128xi32, #tpu.memory_space<hbm>>
      %dma_wait3A_38 = tpu.memref_squeeze %dma_wait3A_37 : memref<1x1x40x128xi32, #tpu.memory_space<hbm>> -> memref<40x128xi32, #tpu.memory_space<hbm>>
      %dma_wait3A_39 = arith.constant 0 : i32
      %dma_wait3A_40 = arith.constant 0 : i32
      %dma_wait3A_41 = tpu.memref_slice %arg2[%arg0, %arg1, %dma_wait3A_39, %dma_wait3A_40] : memref<2x16x40x128xi32, #tpu.memory_space<hbm>> -> memref<1x1x40x128xi32, #tpu.memory_space<hbm>>
      %dma_wait3A_42 = tpu.memref_squeeze %dma_wait3A_41 : memref<1x1x40x128xi32, #tpu.memory_space<hbm>> -> memref<40x128xi32, #tpu.memory_space<hbm>>
      tpu.wait_dma2 semaphore(%run_scoped3A : memref<!tpu.dma_semaphore, #tpu.memory_space<semaphore_mem>>) src(%dma_wait3A_42 : memref<40x128xi32, #tpu.memory_space<hbm>>) dst(%arg4 : memref<40x128xi32, #tpu.memory_space<vmem>>)
      tpu.yield
    }) : () -> ()
    %scan3A_20 = arith.constant 0 : i32
    %scan3A_21 = arith.constant 0 : i32
    %scan3A_22 = arith.constant 40 : i32
    %scan3A_23 = arith.addi %scan3A_21, %scan3A_22 : i32
    %scan3A_24 = arith.constant 1 : i32
    %scan3A_25 = scf.for %scan3A_29 = %scan3A_21 to %scan3A_23 step %scan3A_24 iter_args(%scan3A_30 = %scan3A_20) -> (i32)  : i32 {
      "tpu.region"() ({
        %run_scoped3A = tpu.sem_alloc : memref<!tpu.dma_semaphore, #tpu.memory_space<semaphore_mem>>
        %dma_start3A = arith.constant 0 : i32
        %dma_start3A_32 = tpu.memref_slice %arg4[%scan3A_29, %dma_start3A] : memref<40x128xi32, #tpu.memory_space<vmem>> -> memref<1x128xi32, #tpu.memory_space<vmem>>
        %dma_start3A_33 = tpu.memref_squeeze %dma_start3A_32 : memref<1x128xi32, #tpu.memory_space<vmem>> -> memref<128xi32, #tpu.memory_space<vmem>>
        %dma_start3A_34 = arith.constant 0 : i32
        %dma_start3A_35 = arith.constant 0 : i32
        %dma_start3A_36 = tpu.memref_slice %arg6[%dma_start3A_34, %dma_start3A_35] : memref<10240x16xf32, #tpu.memory_space<vmem_shared>> -> memref<10240x16xf32, #tpu.memory_space<vmem_shared>>
        tpu.enqueue_indirect_dma source(%arg5 : memref<128x16xf32, #tpu.memory_space<vmem>>) target(%dma_start3A_36 : memref<10240x16xf32, #tpu.memory_space<vmem_shared>>) offsets(%dma_start3A_33 : memref<128xi32, #tpu.memory_space<vmem>>) semaphore(%run_scoped3A : memref<!tpu.dma_semaphore, #tpu.memory_space<semaphore_mem>>) {add = true}
        %dma_wait3A = arith.constant 0 : i32
        %dma_wait3A_37 = tpu.memref_slice %arg4[%scan3A_29, %dma_wait3A] : memref<40x128xi32, #tpu.memory_space<vmem>> -> memref<1x128xi32, #tpu.memory_space<vmem>>
        %dma_wait3A_38 = tpu.memref_squeeze %dma_wait3A_37 : memref<1x128xi32, #tpu.memory_space<vmem>> -> memref<128xi32, #tpu.memory_space<vmem>>
        %dma_wait3A_39 = arith.constant 0 : i32
        %dma_wait3A_40 = arith.constant 0 : i32
        %dma_wait3A_41 = tpu.memref_slice %arg6[%dma_wait3A_39, %dma_wait3A_40] : memref<10240x16xf32, #tpu.memory_space<vmem_shared>> -> memref<10240x16xf32, #tpu.memory_space<vmem_shared>>
        tpu.wait_indirect_dma semaphore(%run_scoped3A : memref<!tpu.dma_semaphore, #tpu.memory_space<semaphore_mem>>) src(%arg5 : memref<128x16xf32, #tpu.memory_space<vmem>>) dst(%dma_wait3A_41 : memref<10240x16xf32, #tpu.memory_space<vmem_shared>>)
        tpu.yield
      }) : () -> ()
      %scan3A_31 = arith.constant 0 : i32
      scf.yield %scan3A_31 : i32
    }
    %scan3A_26 = arith.constant 40 : i32
    %barrier3A_27 = arith.constant 0 : index
    tpu.barrier barrier_id(%barrier3A_27)
    %mul3A = arith.constant 640 : i32
    %mul3A_28 = arith.muli %arg1, %mul3A : i32
    "tpu.region"() ({
      %run_scoped3A = tpu.sem_alloc : memref<!tpu.dma_semaphore, #tpu.memory_space<semaphore_mem>>
      %dma_start3A = arith.constant 0 : i32
      %dma_start3A_29 = tpu.memref_slice %arg3[%arg0, %mul3A_28, %dma_start3A] : memref<2x10240x16xf32, #tpu.memory_space<hbm>> -> memref<1x640x16xf32, #tpu.memory_space<hbm>>
      %dma_start3A_30 = tpu.memref_squeeze %dma_start3A_29 : memref<1x640x16xf32, #tpu.memory_space<hbm>> -> memref<640x16xf32, #tpu.memory_space<hbm>>
      %dma_start3A_31 = arith.constant 0 : i32
      %dma_start3A_32 = tpu.memref_slice %arg6[%mul3A_28, %dma_start3A_31] : memref<10240x16xf32, #tpu.memory_space<vmem_shared>> -> memref<640x16xf32, #tpu.memory_space<vmem_shared>>
      tpu.enqueue_dma source(%dma_start3A_32 : memref<640x16xf32, #tpu.memory_space<vmem_shared>>) target(%dma_start3A_30 : memref<640x16xf32, #tpu.memory_space<hbm>>) target_semaphore(%run_scoped3A : memref<!tpu.dma_semaphore, #tpu.memory_space<semaphore_mem>>)
      %dma_wait3A = arith.constant 0 : i32
      %dma_wait3A_33 = tpu.memref_slice %arg3[%arg0, %mul3A_28, %dma_wait3A] : memref<2x10240x16xf32, #tpu.memory_space<hbm>> -> memref<1x640x16xf32, #tpu.memory_space<hbm>>
      %dma_wait3A_34 = tpu.memref_squeeze %dma_wait3A_33 : memref<1x640x16xf32, #tpu.memory_space<hbm>> -> memref<640x16xf32, #tpu.memory_space<hbm>>
      %dma_wait3A_35 = arith.constant 0 : i32
      %dma_wait3A_36 = tpu.memref_slice %arg6[%mul3A_28, %dma_wait3A_35] : memref<10240x16xf32, #tpu.memory_space<vmem_shared>> -> memref<640x16xf32, #tpu.memory_space<vmem_shared>>
      tpu.wait_dma2 semaphore(%run_scoped3A : memref<!tpu.dma_semaphore, #tpu.memory_space<semaphore_mem>>) src(%dma_wait3A_36 : memref<640x16xf32, #tpu.memory_space<vmem_shared>>) dst(%dma_wait3A_34 : memref<640x16xf32, #tpu.memory_space<hbm>>)
      tpu.yield
    }) : () -> ()
    return
  }
}

#map = affine_map<(d0, d1) -> (0, 0)>
#map1 = affine_map<(d0, d1) -> (0, 0, 0, 0)>
#map2 = affine_map<(d0, d1) -> (0, 0, 0)>
module attributes {stable_mosaic.version = 14 : i64} {
  func.func @k(%arg0: i32, %arg1: i32, %arg2: memref<20480x64xi32, #tpu.memory_space<hbm>>, %arg3: memref<2x16x84x120xi32, #tpu.memory_space<hbm>>, %arg4: memref<16x84x120xi32, #tpu.memory_space<hbm>>, %arg5: memref<2x10240x128xf32, #tpu.memory_space<hbm>>, %arg6: memref<1x120xi32, #tpu.memory_space<vmem>>, %arg7: memref<1x120xi32, #tpu.memory_space<vmem>>, %arg8: memref<1x120xi32, #tpu.memory_space<vmem>>, %arg9: memref<1x120xi32, #tpu.memory_space<vmem>>, %arg10: memref<120x64xi32, #tpu.memory_space<vmem>>, %arg11: memref<120x64xi32, #tpu.memory_space<vmem>>, %arg12: memref<120x128xf32, #tpu.memory_space<vmem>>, %arg13: memref<120x128xf32, #tpu.memory_space<vmem>>, %arg14: memref<10240x128xf32, #tpu.memory_space<vmem_shared>>, %arg15: memref<!tpu.dma_semaphore, #tpu.memory_space<semaphore_mem>>, %arg16: memref<!tpu.dma_semaphore, #tpu.memory_space<semaphore_mem>>, %arg17: memref<!tpu.dma_semaphore, #tpu.memory_space<semaphore_mem>>, %arg18: memref<!tpu.dma_semaphore, #tpu.memory_space<semaphore_mem>>) attributes {dimension_semantics = [#tpu.dimension_semantics<core_parallel>, #tpu.dimension_semantics<subcore_parallel>], iteration_bounds = array<i64: 2, 16>, scalar_prefetch = 0 : i64, scratch_operands = 13 : i64, tpu.core_type = #tpu.core_type<sc_vector_subcore>, window_params = [{transform_indices = #map}, {transform_indices = #map1}, {transform_indices = #map2}, {transform_indices = #map2}]} {
    %scan3A = arith.constant 0 : i32
    %scan3A_0 = arith.constant 0 : i32
    %scan3A_1 = arith.constant 120 : i32
    %scan3A_2 = arith.addi %scan3A_0, %scan3A_1 : i32
    %scan3A_3 = arith.constant 1 : i32
    %scan3A_4 = scf.for %scan3A_209 = %scan3A_0 to %scan3A_2 step %scan3A_3 iter_args(%scan3A_210 = %scan3A) -> (i32)  : i32 {
      %broadcast_in_dim3A = arith.constant 0.000000e+00 : f32
      %broadcast_in_dim3A_211 = vector.broadcast %broadcast_in_dim3A : f32 to vector<16xf32>
      %swap3A = arith.index_cast %scan3A_209 : i32 to index
      %swap3A_212 = arith.constant 0 : index
      %swap3A_213 = tpu.vector_load %arg12[%swap3A, %swap3A_212] {strides = array<i32>} : memref<120x128xf32, #tpu.memory_space<vmem>>, vector<1x16xf32>,
      %swap3A_214 = vector.shape_cast %swap3A_213 : vector<1x16xf32> to vector<16xf32>
      %swap3A_215 = vector.shape_cast %broadcast_in_dim3A_211 : vector<16xf32> to vector<1x16xf32>
      tpu.vector_store %arg12[%swap3A, %swap3A_212], %swap3A_215 {strides = array<i32>} : memref<120x128xf32, #tpu.memory_space<vmem>>, vector<1x16xf32>,
      %broadcast_in_dim3A_216 = arith.constant 0.000000e+00 : f32
      %broadcast_in_dim3A_217 = vector.broadcast %broadcast_in_dim3A_216 : f32 to vector<16xf32>
      %swap3A_218 = arith.index_cast %scan3A_209 : i32 to index
      %swap3A_219 = arith.constant 16 : index
      %swap3A_220 = tpu.vector_load %arg12[%swap3A_218, %swap3A_219] {strides = array<i32>} : memref<120x128xf32, #tpu.memory_space<vmem>>, vector<1x16xf32>,
      %swap3A_221 = vector.shape_cast %swap3A_220 : vector<1x16xf32> to vector<16xf32>
      %swap3A_222 = vector.shape_cast %broadcast_in_dim3A_217 : vector<16xf32> to vector<1x16xf32>
      tpu.vector_store %arg12[%swap3A_218, %swap3A_219], %swap3A_222 {strides = array<i32>} : memref<120x128xf32, #tpu.memory_space<vmem>>, vector<1x16xf32>,
      %broadcast_in_dim3A_223 = arith.constant 0.000000e+00 : f32
      %broadcast_in_dim3A_224 = vector.broadcast %broadcast_in_dim3A_223 : f32 to vector<16xf32>
      %swap3A_225 = arith.index_cast %scan3A_209 : i32 to index
      %swap3A_226 = arith.constant 32 : index
      %swap3A_227 = tpu.vector_load %arg12[%swap3A_225, %swap3A_226] {strides = array<i32>} : memref<120x128xf32, #tpu.memory_space<vmem>>, vector<1x16xf32>,
      %swap3A_228 = vector.shape_cast %swap3A_227 : vector<1x16xf32> to vector<16xf32>
      %swap3A_229 = vector.shape_cast %broadcast_in_dim3A_224 : vector<16xf32> to vector<1x16xf32>
      tpu.vector_store %arg12[%swap3A_225, %swap3A_226], %swap3A_229 {strides = array<i32>} : memref<120x128xf32, #tpu.memory_space<vmem>>, vector<1x16xf32>,
      %broadcast_in_dim3A_230 = arith.constant 0.000000e+00 : f32
      %broadcast_in_dim3A_231 = vector.broadcast %broadcast_in_dim3A_230 : f32 to vector<16xf32>
      %swap3A_232 = arith.index_cast %scan3A_209 : i32 to index
      %swap3A_233 = arith.constant 48 : index
      %swap3A_234 = tpu.vector_load %arg12[%swap3A_232, %swap3A_233] {strides = array<i32>} : memref<120x128xf32, #tpu.memory_space<vmem>>, vector<1x16xf32>,
      %swap3A_235 = vector.shape_cast %swap3A_234 : vector<1x16xf32> to vector<16xf32>
      %swap3A_236 = vector.shape_cast %broadcast_in_dim3A_231 : vector<16xf32> to vector<1x16xf32>
      tpu.vector_store %arg12[%swap3A_232, %swap3A_233], %swap3A_236 {strides = array<i32>} : memref<120x128xf32, #tpu.memory_space<vmem>>, vector<1x16xf32>,
      %broadcast_in_dim3A_237 = arith.constant 0.000000e+00 : f32
      %broadcast_in_dim3A_238 = vector.broadcast %broadcast_in_dim3A_237 : f32 to vector<16xf32>
      %swap3A_239 = arith.index_cast %scan3A_209 : i32 to index
      %swap3A_240 = arith.constant 64 : index
      %swap3A_241 = tpu.vector_load %arg12[%swap3A_239, %swap3A_240] {strides = array<i32>} : memref<120x128xf32, #tpu.memory_space<vmem>>, vector<1x16xf32>,
      %swap3A_242 = vector.shape_cast %swap3A_241 : vector<1x16xf32> to vector<16xf32>
      %swap3A_243 = vector.shape_cast %broadcast_in_dim3A_238 : vector<16xf32> to vector<1x16xf32>
      tpu.vector_store %arg12[%swap3A_239, %swap3A_240], %swap3A_243 {strides = array<i32>} : memref<120x128xf32, #tpu.memory_space<vmem>>, vector<1x16xf32>,
      %broadcast_in_dim3A_244 = arith.constant 0.000000e+00 : f32
      %broadcast_in_dim3A_245 = vector.broadcast %broadcast_in_dim3A_244 : f32 to vector<16xf32>
      %swap3A_246 = arith.index_cast %scan3A_209 : i32 to index
      %swap3A_247 = arith.constant 80 : index
      %swap3A_248 = tpu.vector_load %arg12[%swap3A_246, %swap3A_247] {strides = array<i32>} : memref<120x128xf32, #tpu.memory_space<vmem>>, vector<1x16xf32>,
      %swap3A_249 = vector.shape_cast %swap3A_248 : vector<1x16xf32> to vector<16xf32>
      %swap3A_250 = vector.shape_cast %broadcast_in_dim3A_245 : vector<16xf32> to vector<1x16xf32>
      tpu.vector_store %arg12[%swap3A_246, %swap3A_247], %swap3A_250 {strides = array<i32>} : memref<120x128xf32, #tpu.memory_space<vmem>>, vector<1x16xf32>,
      %broadcast_in_dim3A_251 = arith.constant 0.000000e+00 : f32
      %broadcast_in_dim3A_252 = vector.broadcast %broadcast_in_dim3A_251 : f32 to vector<16xf32>
      %swap3A_253 = arith.index_cast %scan3A_209 : i32 to index
      %swap3A_254 = arith.constant 96 : index
      %swap3A_255 = tpu.vector_load %arg12[%swap3A_253, %swap3A_254] {strides = array<i32>} : memref<120x128xf32, #tpu.memory_space<vmem>>, vector<1x16xf32>,
      %swap3A_256 = vector.shape_cast %swap3A_255 : vector<1x16xf32> to vector<16xf32>
      %swap3A_257 = vector.shape_cast %broadcast_in_dim3A_252 : vector<16xf32> to vector<1x16xf32>
      tpu.vector_store %arg12[%swap3A_253, %swap3A_254], %swap3A_257 {strides = array<i32>} : memref<120x128xf32, #tpu.memory_space<vmem>>, vector<1x16xf32>,
      %broadcast_in_dim3A_258 = arith.constant 0.000000e+00 : f32
      %broadcast_in_dim3A_259 = vector.broadcast %broadcast_in_dim3A_258 : f32 to vector<16xf32>
      %swap3A_260 = arith.index_cast %scan3A_209 : i32 to index
      %swap3A_261 = arith.constant 112 : index
      %swap3A_262 = tpu.vector_load %arg12[%swap3A_260, %swap3A_261] {strides = array<i32>} : memref<120x128xf32, #tpu.memory_space<vmem>>, vector<1x16xf32>,
      %swap3A_263 = vector.shape_cast %swap3A_262 : vector<1x16xf32> to vector<16xf32>
      %swap3A_264 = vector.shape_cast %broadcast_in_dim3A_259 : vector<16xf32> to vector<1x16xf32>
      tpu.vector_store %arg12[%swap3A_260, %swap3A_261], %swap3A_264 {strides = array<i32>} : memref<120x128xf32, #tpu.memory_space<vmem>>, vector<1x16xf32>,
      %scan3A_265 = arith.constant 0 : i32
      scf.yield %scan3A_265 : i32
    }
    %scan3A_5 = arith.constant 120 : i32
    %scan3A_6 = arith.constant 0 : i32
    %scan3A_7 = arith.constant 0 : i32
    %scan3A_8 = arith.constant 5 : i32
    %scan3A_9 = arith.addi %scan3A_7, %scan3A_8 : i32
    %scan3A_10 = arith.constant 1 : i32
    %scan3A_11 = scf.for %scan3A_209 = %scan3A_7 to %scan3A_9 step %scan3A_10 iter_args(%scan3A_210 = %scan3A_6) -> (i32)  : i32 {
      %mul3A_211 = arith.constant 640 : i32
      %mul3A_212 = arith.muli %arg1, %mul3A_211 : i32
      %mul3A_213 = arith.constant 120 : i32
      %mul3A_214 = arith.muli %scan3A_209, %mul3A_213 : i32
      %add3A_215 = arith.addi %mul3A_212, %mul3A_214 : i32
      "tpu.region"() ({
        %run_scoped3A = tpu.sem_alloc : memref<!tpu.dma_semaphore, #tpu.memory_space<semaphore_mem>>
        %dma_start3A_217 = arith.constant 0 : i32
        %dma_start3A_218 = tpu.memref_slice %arg14[%add3A_215, %dma_start3A_217] : memref<10240x128xf32, #tpu.memory_space<vmem_shared>> -> memref<120x128xf32, #tpu.memory_space<vmem_shared>>
        %dma_start3A_219 = arith.constant 0 : i32
        %dma_start3A_220 = tpu.memref_slice %arg14[%add3A_215, %dma_start3A_219] : memref<10240x128xf32, #tpu.memory_space<vmem_shared>> -> memref<120x128xf32, #tpu.memory_space<vmem_shared>>
        tpu.enqueue_dma source(%arg12 : memref<120x128xf32, #tpu.memory_space<vmem>>) target(%dma_start3A_220 : memref<120x128xf32, #tpu.memory_space<vmem_shared>>) target_semaphore(%run_scoped3A : memref<!tpu.dma_semaphore, #tpu.memory_space<semaphore_mem>>)
        %dma_wait3A_221 = arith.constant 0 : i32
        %dma_wait3A_222 = tpu.memref_slice %arg14[%add3A_215, %dma_wait3A_221] : memref<10240x128xf32, #tpu.memory_space<vmem_shared>> -> memref<120x128xf32, #tpu.memory_space<vmem_shared>>
        %dma_wait3A_223 = arith.constant 0 : i32
        %dma_wait3A_224 = tpu.memref_slice %arg14[%add3A_215, %dma_wait3A_223] : memref<10240x128xf32, #tpu.memory_space<vmem_shared>> -> memref<120x128xf32, #tpu.memory_space<vmem_shared>>
        tpu.wait_dma2 semaphore(%run_scoped3A : memref<!tpu.dma_semaphore, #tpu.memory_space<semaphore_mem>>) src(%arg12 : memref<120x128xf32, #tpu.memory_space<vmem>>) dst(%dma_wait3A_224 : memref<120x128xf32, #tpu.memory_space<vmem_shared>>)
        tpu.yield
      }) : () -> ()
      %scan3A_216 = arith.constant 0 : i32
      scf.yield %scan3A_216 : i32
    }
    %scan3A_12 = arith.constant 5 : i32
    %mul3A = arith.constant 640 : i32
    %mul3A_13 = arith.muli %arg1, %mul3A : i32
    %add3A = arith.constant 600 : i32
    %add3A_14 = arith.addi %mul3A_13, %add3A : i32
    "tpu.region"() ({
      %run_scoped3A = tpu.sem_alloc : memref<!tpu.dma_semaphore, #tpu.memory_space<semaphore_mem>>
      %dma_start3A_209 = arith.constant 0 : i32
      %dma_start3A_210 = arith.constant 0 : i32
      %dma_start3A_211 = tpu.memref_slice %arg12[%dma_start3A_209, %dma_start3A_210] : memref<120x128xf32, #tpu.memory_space<vmem>> -> memref<40x128xf32, #tpu.memory_space<vmem>>
      %dma_start3A_212 = arith.constant 0 : i32
      %dma_start3A_213 = tpu.memref_slice %arg14[%add3A_14, %dma_start3A_212] : memref<10240x128xf32, #tpu.memory_space<vmem_shared>> -> memref<40x128xf32, #tpu.memory_space<vmem_shared>>
      %dma_start3A_214 = arith.constant 0 : i32
      %dma_start3A_215 = tpu.memref_slice %arg14[%add3A_14, %dma_start3A_214] : memref<10240x128xf32, #tpu.memory_space<vmem_shared>> -> memref<40x128xf32, #tpu.memory_space<vmem_shared>>
      %dma_start3A_216 = arith.constant 0 : i32
      %dma_start3A_217 = arith.constant 0 : i32
      %dma_start3A_218 = tpu.memref_slice %arg12[%dma_start3A_216, %dma_start3A_217] : memref<120x128xf32, #tpu.memory_space<vmem>> -> memref<40x128xf32, #tpu.memory_space<vmem>>
      tpu.enqueue_dma source(%dma_start3A_218 : memref<40x128xf32, #tpu.memory_space<vmem>>) target(%dma_start3A_215 : memref<40x128xf32, #tpu.memory_space<vmem_shared>>) target_semaphore(%run_scoped3A : memref<!tpu.dma_semaphore, #tpu.memory_space<semaphore_mem>>)
      %dma_wait3A_219 = arith.constant 0 : i32
      %dma_wait3A_220 = arith.constant 0 : i32
      %dma_wait3A_221 = tpu.memref_slice %arg12[%dma_wait3A_219, %dma_wait3A_220] : memref<120x128xf32, #tpu.memory_space<vmem>> -> memref<40x128xf32, #tpu.memory_space<vmem>>
      %dma_wait3A_222 = arith.constant 0 : i32
      %dma_wait3A_223 = tpu.memref_slice %arg14[%add3A_14, %dma_wait3A_222] : memref<10240x128xf32, #tpu.memory_space<vmem_shared>> -> memref<40x128xf32, #tpu.memory_space<vmem_shared>>
      %dma_wait3A_224 = arith.constant 0 : i32
      %dma_wait3A_225 = tpu.memref_slice %arg14[%add3A_14, %dma_wait3A_224] : memref<10240x128xf32, #tpu.memory_space<vmem_shared>> -> memref<40x128xf32, #tpu.memory_space<vmem_shared>>
      %dma_wait3A_226 = arith.constant 0 : i32
      %dma_wait3A_227 = arith.constant 0 : i32
      %dma_wait3A_228 = tpu.memref_slice %arg12[%dma_wait3A_226, %dma_wait3A_227] : memref<120x128xf32, #tpu.memory_space<vmem>> -> memref<40x128xf32, #tpu.memory_space<vmem>>
      tpu.wait_dma2 semaphore(%run_scoped3A : memref<!tpu.dma_semaphore, #tpu.memory_space<semaphore_mem>>) src(%dma_wait3A_228 : memref<40x128xf32, #tpu.memory_space<vmem>>) dst(%dma_wait3A_225 : memref<40x128xf32, #tpu.memory_space<vmem_shared>>)
      tpu.yield
    }) : () -> ()
    %barrier3A = arith.constant 0 : index
    tpu.barrier barrier_id(%barrier3A)
    %dma_start3A = arith.constant 0 : i32
    %dma_start3A_15 = arith.constant 0 : i32
    %dma_start3A_16 = tpu.memref_slice %arg3[%arg0, %arg1, %dma_start3A, %dma_start3A_15] : memref<2x16x84x120xi32, #tpu.memory_space<hbm>> -> memref<1x1x1x120xi32, #tpu.memory_space<hbm>>
    %dma_start3A_17 = tpu.memref_squeeze %dma_start3A_16 : memref<1x1x1x120xi32, #tpu.memory_space<hbm>> -> memref<1x120xi32, #tpu.memory_space<hbm>>
    %dma_start3A_18 = arith.constant 0 : i32
    %dma_start3A_19 = arith.constant 0 : i32
    %dma_start3A_20 = tpu.memref_slice %arg3[%arg0, %arg1, %dma_start3A_18, %dma_start3A_19] : memref<2x16x84x120xi32, #tpu.memory_space<hbm>> -> memref<1x1x1x120xi32, #tpu.memory_space<hbm>>
    %dma_start3A_21 = tpu.memref_squeeze %dma_start3A_20 : memref<1x1x1x120xi32, #tpu.memory_space<hbm>> -> memref<1x120xi32, #tpu.memory_space<hbm>>
    tpu.enqueue_dma source(%dma_start3A_21 : memref<1x120xi32, #tpu.memory_space<hbm>>) target(%arg6 : memref<1x120xi32, #tpu.memory_space<vmem>>) target_semaphore(%arg18 : memref<!tpu.dma_semaphore, #tpu.memory_space<semaphore_mem>>)
    %dma_start3A_22 = arith.constant 1 : i32
    %dma_start3A_23 = arith.constant 0 : i32
    %dma_start3A_24 = tpu.memref_slice %arg3[%arg0, %arg1, %dma_start3A_22, %dma_start3A_23] : memref<2x16x84x120xi32, #tpu.memory_space<hbm>> -> memref<1x1x1x120xi32, #tpu.memory_space<hbm>>
    %dma_start3A_25 = tpu.memref_squeeze %dma_start3A_24 : memref<1x1x1x120xi32, #tpu.memory_space<hbm>> -> memref<1x120xi32, #tpu.memory_space<hbm>>
    %dma_start3A_26 = arith.constant 1 : i32
    %dma_start3A_27 = arith.constant 0 : i32
    %dma_start3A_28 = tpu.memref_slice %arg3[%arg0, %arg1, %dma_start3A_26, %dma_start3A_27] : memref<2x16x84x120xi32, #tpu.memory_space<hbm>> -> memref<1x1x1x120xi32, #tpu.memory_space<hbm>>
    %dma_start3A_29 = tpu.memref_squeeze %dma_start3A_28 : memref<1x1x1x120xi32, #tpu.memory_space<hbm>> -> memref<1x120xi32, #tpu.memory_space<hbm>>
    tpu.enqueue_dma source(%dma_start3A_29 : memref<1x120xi32, #tpu.memory_space<hbm>>) target(%arg7 : memref<1x120xi32, #tpu.memory_space<vmem>>) target_semaphore(%arg18 : memref<!tpu.dma_semaphore, #tpu.memory_space<semaphore_mem>>)
    %dma_wait3A = arith.constant 0 : i32
    %dma_wait3A_30 = arith.constant 0 : i32
    %dma_wait3A_31 = arith.constant 0 : i32
    %dma_wait3A_32 = arith.constant 0 : i32
    %dma_wait3A_33 = tpu.memref_slice %arg3[%dma_wait3A, %dma_wait3A_30, %dma_wait3A_31, %dma_wait3A_32] : memref<2x16x84x120xi32, #tpu.memory_space<hbm>> -> memref<1x1x1x120xi32, #tpu.memory_space<hbm>>
    %dma_wait3A_34 = tpu.memref_squeeze %dma_wait3A_33 : memref<1x1x1x120xi32, #tpu.memory_space<hbm>> -> memref<1x120xi32, #tpu.memory_space<hbm>>
    %dma_wait3A_35 = arith.constant 0 : i32
    %dma_wait3A_36 = arith.constant 0 : i32
    %dma_wait3A_37 = tpu.memref_slice %arg3[%dma_wait3A, %dma_wait3A_30, %dma_wait3A_35, %dma_wait3A_36] : memref<2x16x84x120xi32, #tpu.memory_space<hbm>> -> memref<1x1x1x120xi32, #tpu.memory_space<hbm>>
    %dma_wait3A_38 = tpu.memref_squeeze %dma_wait3A_37 : memref<1x1x1x120xi32, #tpu.memory_space<hbm>> -> memref<1x120xi32, #tpu.memory_space<hbm>>
    tpu.wait_dma2 semaphore(%arg18 : memref<!tpu.dma_semaphore, #tpu.memory_space<semaphore_mem>>) src(%dma_wait3A_38 : memref<1x120xi32, #tpu.memory_space<hbm>>) dst(%arg6 : memref<1x120xi32, #tpu.memory_space<vmem>>)
    %dma_start3A_39 = arith.constant 0 : i32
    %dma_start3A_40 = arith.constant 0 : i32
    %dma_start3A_41 = tpu.memref_slice %arg6[%dma_start3A_39, %dma_start3A_40] : memref<1x120xi32, #tpu.memory_space<vmem>> -> memref<1x120xi32, #tpu.memory_space<vmem>>
    %dma_start3A_42 = tpu.memref_squeeze %dma_start3A_41 : memref<1x120xi32, #tpu.memory_space<vmem>> -> memref<120xi32, #tpu.memory_space<vmem>>
    %dma_start3A_43 = arith.constant 0 : i32
    %dma_start3A_44 = arith.constant 0 : i32
    %dma_start3A_45 = tpu.memref_slice %arg2[%dma_start3A_43, %dma_start3A_44] : memref<20480x64xi32, #tpu.memory_space<hbm>> -> memref<20480x64xi32, #tpu.memory_space<hbm>>
    tpu.enqueue_indirect_dma source(%dma_start3A_45 : memref<20480x64xi32, #tpu.memory_space<hbm>>) target(%arg10 : memref<120x64xi32, #tpu.memory_space<vmem>>) offsets(%dma_start3A_42 : memref<120xi32, #tpu.memory_space<vmem>>) semaphore(%arg15 : memref<!tpu.dma_semaphore, #tpu.memory_space<semaphore_mem>>)
    %dma_wait3A_46 = arith.constant 0 : i32
    %dma_wait3A_47 = arith.constant 0 : i32
    %dma_wait3A_48 = arith.constant 0 : i32
    %dma_wait3A_49 = arith.constant 0 : i32
    %dma_wait3A_50 = tpu.memref_slice %arg3[%dma_wait3A_46, %dma_wait3A_47, %dma_wait3A_48, %dma_wait3A_49] : memref<2x16x84x120xi32, #tpu.memory_space<hbm>> -> memref<1x1x1x120xi32, #tpu.memory_space<hbm>>
    %dma_wait3A_51 = tpu.memref_squeeze %dma_wait3A_50 : memref<1x1x1x120xi32, #tpu.memory_space<hbm>> -> memref<1x120xi32, #tpu.memory_space<hbm>>
    %dma_wait3A_52 = arith.constant 0 : i32
    %dma_wait3A_53 = arith.constant 0 : i32
    %dma_wait3A_54 = tpu.memref_slice %arg3[%dma_wait3A_46, %dma_wait3A_47, %dma_wait3A_52, %dma_wait3A_53] : memref<2x16x84x120xi32, #tpu.memory_space<hbm>> -> memref<1x1x1x120xi32, #tpu.memory_space<hbm>>
    %dma_wait3A_55 = tpu.memref_squeeze %dma_wait3A_54 : memref<1x1x1x120xi32, #tpu.memory_space<hbm>> -> memref<1x120xi32, #tpu.memory_space<hbm>>
    tpu.wait_dma2 semaphore(%arg18 : memref<!tpu.dma_semaphore, #tpu.memory_space<semaphore_mem>>) src(%dma_wait3A_55 : memref<1x120xi32, #tpu.memory_space<hbm>>) dst(%arg7 : memref<1x120xi32, #tpu.memory_space<vmem>>)
    %dma_start3A_56 = arith.constant 0 : i32
    %dma_start3A_57 = arith.constant 0 : i32
    %dma_start3A_58 = tpu.memref_slice %arg7[%dma_start3A_56, %dma_start3A_57] : memref<1x120xi32, #tpu.memory_space<vmem>> -> memref<1x120xi32, #tpu.memory_space<vmem>>
    %dma_start3A_59 = tpu.memref_squeeze %dma_start3A_58 : memref<1x120xi32, #tpu.memory_space<vmem>> -> memref<120xi32, #tpu.memory_space<vmem>>
    %dma_start3A_60 = arith.constant 0 : i32
    %dma_start3A_61 = arith.constant 0 : i32
    %dma_start3A_62 = tpu.memref_slice %arg2[%dma_start3A_60, %dma_start3A_61] : memref<20480x64xi32, #tpu.memory_space<hbm>> -> memref<20480x64xi32, #tpu.memory_space<hbm>>
    tpu.enqueue_indirect_dma source(%dma_start3A_62 : memref<20480x64xi32, #tpu.memory_space<hbm>>) target(%arg11 : memref<120x64xi32, #tpu.memory_space<vmem>>) offsets(%dma_start3A_59 : memref<120xi32, #tpu.memory_space<vmem>>) semaphore(%arg15 : memref<!tpu.dma_semaphore, #tpu.memory_space<semaphore_mem>>)
    %dma_wait3A_63 = arith.constant 0 : i32
    %dma_wait3A_64 = arith.constant 0 : i32
    %dma_wait3A_65 = tpu.memref_slice %arg2[%dma_wait3A_63, %dma_wait3A_64] : memref<20480x64xi32, #tpu.memory_space<hbm>> -> memref<120x64xi32, #tpu.memory_space<hbm>>
    %dma_wait3A_66 = arith.constant 0 : i32
    %dma_wait3A_67 = arith.constant 0 : i32
    %dma_wait3A_68 = tpu.memref_slice %arg2[%dma_wait3A_66, %dma_wait3A_67] : memref<20480x64xi32, #tpu.memory_space<hbm>> -> memref<120x64xi32, #tpu.memory_space<hbm>>
    tpu.wait_dma2 semaphore(%arg15 : memref<!tpu.dma_semaphore, #tpu.memory_space<semaphore_mem>>) src(%dma_wait3A_68 : memref<120x64xi32, #tpu.memory_space<hbm>>) dst(%arg10 : memref<120x64xi32, #tpu.memory_space<vmem>>)
    %dma_start3A_69 = arith.constant 2 : i32
    %dma_start3A_70 = arith.constant 0 : i32
    %dma_start3A_71 = tpu.memref_slice %arg3[%arg0, %arg1, %dma_start3A_69, %dma_start3A_70] : memref<2x16x84x120xi32, #tpu.memory_space<hbm>> -> memref<1x1x1x120xi32, #tpu.memory_space<hbm>>
    %dma_start3A_72 = tpu.memref_squeeze %dma_start3A_71 : memref<1x1x1x120xi32, #tpu.memory_space<hbm>> -> memref<1x120xi32, #tpu.memory_space<hbm>>
    %dma_start3A_73 = arith.constant 2 : i32
    %dma_start3A_74 = arith.constant 0 : i32
    %dma_start3A_75 = tpu.memref_slice %arg3[%arg0, %arg1, %dma_start3A_73, %dma_start3A_74] : memref<2x16x84x120xi32, #tpu.memory_space<hbm>> -> memref<1x1x1x120xi32, #tpu.memory_space<hbm>>
    %dma_start3A_76 = tpu.memref_squeeze %dma_start3A_75 : memref<1x1x1x120xi32, #tpu.memory_space<hbm>> -> memref<1x120xi32, #tpu.memory_space<hbm>>
    tpu.enqueue_dma source(%dma_start3A_76 : memref<1x120xi32, #tpu.memory_space<hbm>>) target(%arg6 : memref<1x120xi32, #tpu.memory_space<vmem>>) target_semaphore(%arg18 : memref<!tpu.dma_semaphore, #tpu.memory_space<semaphore_mem>>)
    %dma_start3A_77 = arith.constant 0 : i32
    %dma_start3A_78 = arith.constant 0 : i32
    %dma_start3A_79 = tpu.memref_slice %arg4[%arg1, %dma_start3A_77, %dma_start3A_78] : memref<16x84x120xi32, #tpu.memory_space<hbm>> -> memref<1x1x120xi32, #tpu.memory_space<hbm>>
    %dma_start3A_80 = tpu.memref_squeeze %dma_start3A_79 : memref<1x1x120xi32, #tpu.memory_space<hbm>> -> memref<1x120xi32, #tpu.memory_space<hbm>>
    %dma_start3A_81 = arith.constant 0 : i32
    %dma_start3A_82 = arith.constant 0 : i32
    %dma_start3A_83 = tpu.memref_slice %arg4[%arg1, %dma_start3A_81, %dma_start3A_82] : memref<16x84x120xi32, #tpu.memory_space<hbm>> -> memref<1x1x120xi32, #tpu.memory_space<hbm>>
    %dma_start3A_84 = tpu.memref_squeeze %dma_start3A_83 : memref<1x1x120xi32, #tpu.memory_space<hbm>> -> memref<1x120xi32, #tpu.memory_space<hbm>>
    tpu.enqueue_dma source(%dma_start3A_84 : memref<1x120xi32, #tpu.memory_space<hbm>>) target(%arg8 : memref<1x120xi32, #tpu.memory_space<vmem>>) target_semaphore(%arg16 : memref<!tpu.dma_semaphore, #tpu.memory_space<semaphore_mem>>)
    %scan3A_85 = arith.constant 0 : i32
    %scan3A_86 = arith.constant 0 : i32
    %scan3A_87 = arith.constant 30 : i32
    %scan3A_88 = arith.addi %scan3A_86, %scan3A_87 : i32
    %scan3A_89 = arith.constant 1 : i32
    %scan3A_90 = scf.for %scan3A_209 = %scan3A_86 to %scan3A_88 step %scan3A_89 iter_args(%scan3A_210 = %scan3A_85) -> (i32)  : i32 {
      %mul3A_211 = arith.constant 4 : i32
      %mul3A_212 = arith.muli %mul3A_211, %scan3A_209 : i32
      %add3A_213 = arith.constant 0 : i32
      %add3A_214 = arith.addi %mul3A_212, %add3A_213 : i32
      %get3A = arith.index_cast %add3A_214 : i32 to index
      %get3A_215 = arith.constant 0 : index
      %get3A_216 = tpu.vector_load %arg10[%get3A, %get3A_215] {strides = array<i32>} : memref<120x64xi32, #tpu.memory_space<vmem>>, vector<1x16xi32>,
      %get3A_217 = vector.shape_cast %get3A_216 : vector<1x16xi32> to vector<16xi32>
      %shift_left3A = arith.constant 16 : i32
      %shift_left3A_218 = vector.broadcast %shift_left3A : i32 to vector<16xi32>
      %shift_left3A_219 = arith.shli %get3A_217, %shift_left3A_218 : vector<16xi32>
      %bitcast_convert_type3A = tpu.bitcast %shift_left3A_219 : vector<16xi32> -> vector<16xf32>
      %and3A = arith.constant -65536 : i32
      %and3A_220 = vector.broadcast %and3A : i32 to vector<16xi32>
      %and3A_221 = arith.andi %get3A_217, %and3A_220 : vector<16xi32>
      %bitcast_convert_type3A_222 = tpu.bitcast %and3A_221 : vector<16xi32> -> vector<16xf32>
      %swap3A = arith.index_cast %add3A_214 : i32 to index
      %swap3A_223 = arith.constant 0 : index
      %swap3A_224 = tpu.vector_load %arg12[%swap3A, %swap3A_223] {strides = array<i32>} : memref<120x128xf32, #tpu.memory_space<vmem>>, vector<1x16xf32>,
      %swap3A_225 = vector.shape_cast %swap3A_224 : vector<1x16xf32> to vector<16xf32>
      %swap3A_226 = vector.shape_cast %bitcast_convert_type3A : vector<16xf32> to vector<1x16xf32>
      tpu.vector_store %arg12[%swap3A, %swap3A_223], %swap3A_226 {strides = array<i32>} : memref<120x128xf32, #tpu.memory_space<vmem>>, vector<1x16xf32>,
      %swap3A_227 = arith.index_cast %add3A_214 : i32 to index
      %swap3A_228 = arith.constant 64 : index
      %swap3A_229 = tpu.vector_load %arg12[%swap3A_227, %swap3A_228] {strides = array<i32>} : memref<120x128xf32, #tpu.memory_space<vmem>>, vector<1x16xf32>,
      %swap3A_230 = vector.shape_cast %swap3A_229 : vector<1x16xf32> to vector<16xf32>
      %swap3A_231 = vector.shape_cast %bitcast_convert_type3A_222 : vector<16xf32> to vector<1x16xf32>
      tpu.vector_store %arg12[%swap3A_227, %swap3A_228], %swap3A_231 {strides = array<i32>} : memref<120x128xf32, #tpu.memory_space<vmem>>, vector<1x16xf32>,
      %get3A_232 = arith.index_cast %add3A_214 : i32 to index
      %get3A_233 = arith.constant 16 : index
      %get3A_234 = tpu.vector_load %arg10[%get3A_232, %get3A_233] {strides = array<i32>} : memref<120x64xi32, #tpu.memory_space<vmem>>, vector<1x16xi32>,
      %get3A_235 = vector.shape_cast %get3A_234 : vector<1x16xi32> to vector<16xi32>
      %shift_left3A_236 = arith.constant 16 : i32
      %shift_left3A_237 = vector.broadcast %shift_left3A_236 : i32 to vector<16xi32>
      %shift_left3A_238 = arith.shli %get3A_235, %shift_left3A_237 : vector<16xi32>
      %bitcast_convert_type3A_239 = tpu.bitcast %shift_left3A_238 : vector<16xi32> -> vector<16xf32>
      %and3A_240 = arith.constant -65536 : i32
      %and3A_241 = vector.broadcast %and3A_240 : i32 to vector<16xi32>
      %and3A_242 = arith.andi %get3A_235, %and3A_241 : vector<16xi32>
      %bitcast_convert_type3A_243 = tpu.bitcast %and3A_242 : vector<16xi32> -> vector<16xf32>
      %swap3A_244 = arith.index_cast %add3A_214 : i32 to index
      %swap3A_245 = arith.constant 16 : index
      %swap3A_246 = tpu.vector_load %arg12[%swap3A_244, %swap3A_245] {strides = array<i32>} : memref<120x128xf32, #tpu.memory_space<vmem>>, vector<1x16xf32>,
      %swap3A_247 = vector.shape_cast %swap3A_246 : vector<1x16xf32> to vector<16xf32>
      %swap3A_248 = vector.shape_cast %bitcast_convert_type3A_239 : vector<16xf32> to vector<1x16xf32>
      tpu.vector_store %arg12[%swap3A_244, %swap3A_245], %swap3A_248 {strides = array<i32>} : memref<120x128xf32, #tpu.memory_space<vmem>>, vector<1x16xf32>,
      %swap3A_249 = arith.index_cast %add3A_214 : i32 to index
      %swap3A_250 = arith.constant 80 : index
      %swap3A_251 = tpu.vector_load %arg12[%swap3A_249, %swap3A_250] {strides = array<i32>} : memref<120x128xf32, #tpu.memory_space<vmem>>, vector<1x16xf32>,
      %swap3A_252 = vector.shape_cast %swap3A_251 : vector<1x16xf32> to vector<16xf32>
      %swap3A_253 = vector.shape_cast %bitcast_convert_type3A_243 : vector<16xf32> to vector<1x16xf32>
      tpu.vector_store %arg12[%swap3A_249, %swap3A_250], %swap3A_253 {strides = array<i32>} : memref<120x128xf32, #tpu.memory_space<vmem>>, vector<1x16xf32>,
      %get3A_254 = arith.index_cast %add3A_214 : i32 to index
      %get3A_255 = arith.constant 32 : index
      %get3A_256 = tpu.vector_load %arg10[%get3A_254, %get3A_255] {strides = array<i32>} : memref<120x64xi32, #tpu.memory_space<vmem>>, vector<1x16xi32>,
      %get3A_257 = vector.shape_cast %get3A_256 : vector<1x16xi32> to vector<16xi32>
      %shift_left3A_258 = arith.constant 16 : i32
      %shift_left3A_259 = vector.broadcast %shift_left3A_258 : i32 to vector<16xi32>
      %shift_left3A_260 = arith.shli %get3A_257, %shift_left3A_259 : vector<16xi32>
      %bitcast_convert_type3A_261 = tpu.bitcast %shift_left3A_260 : vector<16xi32> -> vector<16xf32>
      %and3A_262 = arith.constant -65536 : i32
      %and3A_263 = vector.broadcast %and3A_262 : i32 to vector<16xi32>
      %and3A_264 = arith.andi %get3A_257, %and3A_263 : vector<16xi32>
      %bitcast_convert_type3A_265 = tpu.bitcast %and3A_264 : vector<16xi32> -> vector<16xf32>
      %swap3A_266 = arith.index_cast %add3A_214 : i32 to index
      %swap3A_267 = arith.constant 32 : index
      %swap3A_268 = tpu.vector_load %arg12[%swap3A_266, %swap3A_267] {strides = array<i32>} : memref<120x128xf32, #tpu.memory_space<vmem>>, vector<1x16xf32>,
      %swap3A_269 = vector.shape_cast %swap3A_268 : vector<1x16xf32> to vector<16xf32>
      %swap3A_270 = vector.shape_cast %bitcast_convert_type3A_261 : vector<16xf32> to vector<1x16xf32>
      tpu.vector_store %arg12[%swap3A_266, %swap3A_267], %swap3A_270 {strides = array<i32>} : memref<120x128xf32, #tpu.memory_space<vmem>>, vector<1x16xf32>,
      %swap3A_271 = arith.index_cast %add3A_214 : i32 to index
      %swap3A_272 = arith.constant 96 : index
      %swap3A_273 = tpu.vector_load %arg12[%swap3A_271, %swap3A_272] {strides = array<i32>} : memref<120x128xf32, #tpu.memory_space<vmem>>, vector<1x16xf32>,
      %swap3A_274 = vector.shape_cast %swap3A_273 : vector<1x16xf32> to vector<16xf32>
      %swap3A_275 = vector.shape_cast %bitcast_convert_type3A_265 : vector<16xf32> to vector<1x16xf32>
      tpu.vector_store %arg12[%swap3A_271, %swap3A_272], %swap3A_275 {strides = array<i32>} : memref<120x128xf32, #tpu.memory_space<vmem>>, vector<1x16xf32>,
      %get3A_276 = arith.index_cast %add3A_214 : i32 to index
      %get3A_277 = arith.constant 48 : index
      %get3A_278 = tpu.vector_load %arg10[%get3A_276, %get3A_277] {strides = array<i32>} : memref<120x64xi32, #tpu.memory_space<vmem>>, vector<1x16xi32>,
      %get3A_279 = vector.shape_cast %get3A_278 : vector<1x16xi32> to vector<16xi32>
      %shift_left3A_280 = arith.constant 16 : i32
      %shift_left3A_281 = vector.broadcast %shift_left3A_280 : i32 to vector<16xi32>
      %shift_left3A_282 = arith.shli %get3A_279, %shift_left3A_281 : vector<16xi32>
      %bitcast_convert_type3A_283 = tpu.bitcast %shift_left3A_282 : vector<16xi32> -> vector<16xf32>
      %and3A_284 = arith.constant -65536 : i32
      %and3A_285 = vector.broadcast %and3A_284 : i32 to vector<16xi32>
      %and3A_286 = arith.andi %get3A_279, %and3A_285 : vector<16xi32>
      %bitcast_convert_type3A_287 = tpu.bitcast %and3A_286 : vector<16xi32> -> vector<16xf32>
      %swap3A_288 = arith.index_cast %add3A_214 : i32 to index
      %swap3A_289 = arith.constant 48 : index
      %swap3A_290 = tpu.vector_load %arg12[%swap3A_288, %swap3A_289] {strides = array<i32>} : memref<120x128xf32, #tpu.memory_space<vmem>>, vector<1x16xf32>,
      %swap3A_291 = vector.shape_cast %swap3A_290 : vector<1x16xf32> to vector<16xf32>
      %swap3A_292 = vector.shape_cast %bitcast_convert_type3A_283 : vector<16xf32> to vector<1x16xf32>
      tpu.vector_store %arg12[%swap3A_288, %swap3A_289], %swap3A_292 {strides = array<i32>} : memref<120x128xf32, #tpu.memory_space<vmem>>, vector<1x16xf32>,
      %swap3A_293 = arith.index_cast %add3A_214 : i32 to index
      %swap3A_294 = arith.constant 112 : index
      %swap3A_295 = tpu.vector_load %arg12[%swap3A_293, %swap3A_294] {strides = array<i32>} : memref<120x128xf32, #tpu.memory_space<vmem>>, vector<1x16xf32>,
      %swap3A_296 = vector.shape_cast %swap3A_295 : vector<1x16xf32> to vector<16xf32>
      %swap3A_297 = vector.shape_cast %bitcast_convert_type3A_287 : vector<16xf32> to vector<1x16xf32>
      tpu.vector_store %arg12[%swap3A_293, %swap3A_294], %swap3A_297 {strides = array<i32>} : memref<120x128xf32, #tpu.memory_space<vmem>>, vector<1x16xf32>,
      %mul3A_298 = arith.constant 4 : i32
      %mul3A_299 = arith.muli %mul3A_298, %scan3A_209 : i32
      %add3A_300 = arith.constant 1 : i32
      %add3A_301 = arith.addi %mul3A_299, %add3A_300 : i32
      %get3A_302 = arith.index_cast %add3A_301 : i32 to index
      %get3A_303 = arith.constant 0 : index
      %get3A_304 = tpu.vector_load %arg10[%get3A_302, %get3A_303] {strides = array<i32>} : memref<120x64xi32, #tpu.memory_space<vmem>>, vector<1x16xi32>,
      %get3A_305 = vector.shape_cast %get3A_304 : vector<1x16xi32> to vector<16xi32>
      %shift_left3A_306 = arith.constant 16 : i32
      %shift_left3A_307 = vector.broadcast %shift_left3A_306 : i32 to vector<16xi32>
      %shift_left3A_308 = arith.shli %get3A_305, %shift_left3A_307 : vector<16xi32>
      %bitcast_convert_type3A_309 = tpu.bitcast %shift_left3A_308 : vector<16xi32> -> vector<16xf32>
      %and3A_310 = arith.constant -65536 : i32
      %and3A_311 = vector.broadcast %and3A_310 : i32 to vector<16xi32>
      %and3A_312 = arith.andi %get3A_305, %and3A_311 : vector<16xi32>
      %bitcast_convert_type3A_313 = tpu.bitcast %and3A_312 : vector<16xi32> -> vector<16xf32>
      %swap3A_314 = arith.index_cast %add3A_301 : i32 to index
      %swap3A_315 = arith.constant 0 : index
      %swap3A_316 = tpu.vector_load %arg12[%swap3A_314, %swap3A_315] {strides = array<i32>} : memref<120x128xf32, #tpu.memory_space<vmem>>, vector<1x16xf32>,
      %swap3A_317 = vector.shape_cast %swap3A_316 : vector<1x16xf32> to vector<16xf32>
      %swap3A_318 = vector.shape_cast %bitcast_convert_type3A_309 : vector<16xf32> to vector<1x16xf32>
      tpu.vector_store %arg12[%swap3A_314, %swap3A_315], %swap3A_318 {strides = array<i32>} : memref<120x128xf32, #tpu.memory_space<vmem>>, vector<1x16xf32>,
      %swap3A_319 = arith.index_cast %add3A_301 : i32 to index
      %swap3A_320 = arith.constant 64 : index
      %swap3A_321 = tpu.vector_load %arg12[%swap3A_319, %swap3A_320] {strides = array<i32>} : memref<120x128xf32, #tpu.memory_space<vmem>>, vector<1x16xf32>,
      %swap3A_322 = vector.shape_cast %swap3A_321 : vector<1x16xf32> to vector<16xf32>
      %swap3A_323 = vector.shape_cast %bitcast_convert_type3A_313 : vector<16xf32> to vector<1x16xf32>
      tpu.vector_store %arg12[%swap3A_319, %swap3A_320], %swap3A_323 {strides = array<i32>} : memref<120x128xf32, #tpu.memory_space<vmem>>, vector<1x16xf32>,
      %get3A_324 = arith.index_cast %add3A_301 : i32 to index
      %get3A_325 = arith.constant 16 : index
      %get3A_326 = tpu.vector_load %arg10[%get3A_324, %get3A_325] {strides = array<i32>} : memref<120x64xi32, #tpu.memory_space<vmem>>, vector<1x16xi32>,
      %get3A_327 = vector.shape_cast %get3A_326 : vector<1x16xi32> to vector<16xi32>
      %shift_left3A_328 = arith.constant 16 : i32
      %shift_left3A_329 = vector.broadcast %shift_left3A_328 : i32 to vector<16xi32>
      %shift_left3A_330 = arith.shli %get3A_327, %shift_left3A_329 : vector<16xi32>
      %bitcast_convert_type3A_331 = tpu.bitcast %shift_left3A_330 : vector<16xi32> -> vector<16xf32>
      %and3A_332 = arith.constant -65536 : i32
      %and3A_333 = vector.broadcast %and3A_332 : i32 to vector<16xi32>
      %and3A_334 = arith.andi %get3A_327, %and3A_333 : vector<16xi32>
      %bitcast_convert_type3A_335 = tpu.bitcast %and3A_334 : vector<16xi32> -> vector<16xf32>
      %swap3A_336 = arith.index_cast %add3A_301 : i32 to index
      %swap3A_337 = arith.constant 16 : index
      %swap3A_338 = tpu.vector_load %arg12[%swap3A_336, %swap3A_337] {strides = array<i32>} : memref<120x128xf32, #tpu.memory_space<vmem>>, vector<1x16xf32>,
      %swap3A_339 = vector.shape_cast %swap3A_338 : vector<1x16xf32> to vector<16xf32>
      %swap3A_340 = vector.shape_cast %bitcast_convert_type3A_331 : vector<16xf32> to vector<1x16xf32>
      tpu.vector_store %arg12[%swap3A_336, %swap3A_337], %swap3A_340 {strides = array<i32>} : memref<120x128xf32, #tpu.memory_space<vmem>>, vector<1x16xf32>,
      %swap3A_341 = arith.index_cast %add3A_301 : i32 to index
      %swap3A_342 = arith.constant 80 : index
      %swap3A_343 = tpu.vector_load %arg12[%swap3A_341, %swap3A_342] {strides = array<i32>} : memref<120x128xf32, #tpu.memory_space<vmem>>, vector<1x16xf32>,
      %swap3A_344 = vector.shape_cast %swap3A_343 : vector<1x16xf32> to vector<16xf32>
      %swap3A_345 = vector.shape_cast %bitcast_convert_type3A_335 : vector<16xf32> to vector<1x16xf32>
      tpu.vector_store %arg12[%swap3A_341, %swap3A_342], %swap3A_345 {strides = array<i32>} : memref<120x128xf32, #tpu.memory_space<vmem>>, vector<1x16xf32>,
      %get3A_346 = arith.index_cast %add3A_301 : i32 to index
      %get3A_347 = arith.constant 32 : index
      %get3A_348 = tpu.vector_load %arg10[%get3A_346, %get3A_347] {strides = array<i32>} : memref<120x64xi32, #tpu.memory_space<vmem>>, vector<1x16xi32>,
      %get3A_349 = vector.shape_cast %get3A_348 : vector<1x16xi32> to vector<16xi32>
      %shift_left3A_350 = arith.constant 16 : i32
      %shift_left3A_351 = vector.broadcast %shift_left3A_350 : i32 to vector<16xi32>
      %shift_left3A_352 = arith.shli %get3A_349, %shift_left3A_351 : vector<16xi32>
      %bitcast_convert_type3A_353 = tpu.bitcast %shift_left3A_352 : vector<16xi32> -> vector<16xf32>
      %and3A_354 = arith.constant -65536 : i32
      %and3A_355 = vector.broadcast %and3A_354 : i32 to vector<16xi32>
      %and3A_356 = arith.andi %get3A_349, %and3A_355 : vector<16xi32>
      %bitcast_convert_type3A_357 = tpu.bitcast %and3A_356 : vector<16xi32> -> vector<16xf32>
      %swap3A_358 = arith.index_cast %add3A_301 : i32 to index
      %swap3A_359 = arith.constant 32 : index
      %swap3A_360 = tpu.vector_load %arg12[%swap3A_358, %swap3A_359] {strides = array<i32>} : memref<120x128xf32, #tpu.memory_space<vmem>>, vector<1x16xf32>,
      %swap3A_361 = vector.shape_cast %swap3A_360 : vector<1x16xf32> to vector<16xf32>
      %swap3A_362 = vector.shape_cast %bitcast_convert_type3A_353 : vector<16xf32> to vector<1x16xf32>
      tpu.vector_store %arg12[%swap3A_358, %swap3A_359], %swap3A_362 {strides = array<i32>} : memref<120x128xf32, #tpu.memory_space<vmem>>, vector<1x16xf32>,
      %swap3A_363 = arith.index_cast %add3A_301 : i32 to index
      %swap3A_364 = arith.constant 96 : index
      %swap3A_365 = tpu.vector_load %arg12[%swap3A_363, %swap3A_364] {strides = array<i32>} : memref<120x128xf32, #tpu.memory_space<vmem>>, vector<1x16xf32>,
      %swap3A_366 = vector.shape_cast %swap3A_365 : vector<1x16xf32> to vector<16xf32>
      %swap3A_367 = vector.shape_cast %bitcast_convert_type3A_357 : vector<16xf32> to vector<1x16xf32>
      tpu.vector_store %arg12[%swap3A_363, %swap3A_364], %swap3A_367 {strides = array<i32>} : memref<120x128xf32, #tpu.memory_space<vmem>>, vector<1x16xf32>,
      %get3A_368 = arith.index_cast %add3A_301 : i32 to index
      %get3A_369 = arith.constant 48 : index
      %get3A_370 = tpu.vector_load %arg10[%get3A_368, %get3A_369] {strides = array<i32>} : memref<120x64xi32, #tpu.memory_space<vmem>>, vector<1x16xi32>,
      %get3A_371 = vector.shape_cast %get3A_370 : vector<1x16xi32> to vector<16xi32>
      %shift_left3A_372 = arith.constant 16 : i32
      %shift_left3A_373 = vector.broadcast %shift_left3A_372 : i32 to vector<16xi32>
      %shift_left3A_374 = arith.shli %get3A_371, %shift_left3A_373 : vector<16xi32>
      %bitcast_convert_type3A_375 = tpu.bitcast %shift_left3A_374 : vector<16xi32> -> vector<16xf32>
      %and3A_376 = arith.constant -65536 : i32
      %and3A_377 = vector.broadcast %and3A_376 : i32 to vector<16xi32>
      %and3A_378 = arith.andi %get3A_371, %and3A_377 : vector<16xi32>
      %bitcast_convert_type3A_379 = tpu.bitcast %and3A_378 : vector<16xi32> -> vector<16xf32>
      %swap3A_380 = arith.index_cast %add3A_301 : i32 to index
      %swap3A_381 = arith.constant 48 : index
      %swap3A_382 = tpu.vector_load %arg12[%swap3A_380, %swap3A_381] {strides = array<i32>} : memref<120x128xf32, #tpu.memory_space<vmem>>, vector<1x16xf32>,
      %swap3A_383 = vector.shape_cast %swap3A_382 : vector<1x16xf32> to vector<16xf32>
      %swap3A_384 = vector.shape_cast %bitcast_convert_type3A_375 : vector<16xf32> to vector<1x16xf32>
      tpu.vector_store %arg12[%swap3A_380, %swap3A_381], %swap3A_384 {strides = array<i32>} : memref<120x128xf32, #tpu.memory_space<vmem>>, vector<1x16xf32>,
      %swap3A_385 = arith.index_cast %add3A_301 : i32 to index
      %swap3A_386 = arith.constant 112 : index
      %swap3A_387 = tpu.vector_load %arg12[%swap3A_385, %swap3A_386] {strides = array<i32>} : memref<120x128xf32, #tpu.memory_space<vmem>>, vector<1x16xf32>,
      %swap3A_388 = vector.shape_cast %swap3A_387 : vector<1x16xf32> to vector<16xf32>
      %swap3A_389 = vector.shape_cast %bitcast_convert_type3A_379 : vector<16xf32> to vector<1x16xf32>
      tpu.vector_store %arg12[%swap3A_385, %swap3A_386], %swap3A_389 {strides = array<i32>} : memref<120x128xf32, #tpu.memory_space<vmem>>, vector<1x16xf32>,
      %mul3A_390 = arith.constant 4 : i32
      %mul3A_391 = arith.muli %mul3A_390, %scan3A_209 : i32
      %add3A_392 = arith.constant 2 : i32
      %add3A_393 = arith.addi %mul3A_391, %add3A_392 : i32
      %get3A_394 = arith.index_cast %add3A_393 : i32 to index
      %get3A_395 = arith.constant 0 : index
      %get3A_396 = tpu.vector_load %arg10[%get3A_394, %get3A_395] {strides = array<i32>} : memref<120x64xi32, #tpu.memory_space<vmem>>, vector<1x16xi32>,
      %get3A_397 = vector.shape_cast %get3A_396 : vector<1x16xi32> to vector<16xi32>
      %shift_left3A_398 = arith.constant 16 : i32
      %shift_left3A_399 = vector.broadcast %shift_left3A_398 : i32 to vector<16xi32>
      %shift_left3A_400 = arith.shli %get3A_397, %shift_left3A_399 : vector<16xi32>
      %bitcast_convert_type3A_401 = tpu.bitcast %shift_left3A_400 : vector<16xi32> -> vector<16xf32>
      %and3A_402 = arith.constant -65536 : i32
      %and3A_403 = vector.broadcast %and3A_402 : i32 to vector<16xi32>
      %and3A_404 = arith.andi %get3A_397, %and3A_403 : vector<16xi32>
      %bitcast_convert_type3A_405 = tpu.bitcast %and3A_404 : vector<16xi32> -> vector<16xf32>
      %swap3A_406 = arith.index_cast %add3A_393 : i32 to index
      %swap3A_407 = arith.constant 0 : index
      %swap3A_408 = tpu.vector_load %arg12[%swap3A_406, %swap3A_407] {strides = array<i32>} : memref<120x128xf32, #tpu.memory_space<vmem>>, vector<1x16xf32>,
      %swap3A_409 = vector.shape_cast %swap3A_408 : vector<1x16xf32> to vector<16xf32>
      %swap3A_410 = vector.shape_cast %bitcast_convert_type3A_401 : vector<16xf32> to vector<1x16xf32>
      tpu.vector_store %arg12[%swap3A_406, %swap3A_407], %swap3A_410 {strides = array<i32>} : memref<120x128xf32, #tpu.memory_space<vmem>>, vector<1x16xf32>,
      %swap3A_411 = arith.index_cast %add3A_393 : i32 to index
      %swap3A_412 = arith.constant 64 : index
      %swap3A_413 = tpu.vector_load %arg12[%swap3A_411, %swap3A_412] {strides = array<i32>} : memref<120x128xf32, #tpu.memory_space<vmem>>, vector<1x16xf32>,
      %swap3A_414 = vector.shape_cast %swap3A_413 : vector<1x16xf32> to vector<16xf32>
      %swap3A_415 = vector.shape_cast %bitcast_convert_type3A_405 : vector<16xf32> to vector<1x16xf32>
      tpu.vector_store %arg12[%swap3A_411, %swap3A_412], %swap3A_415 {strides = array<i32>} : memref<120x128xf32, #tpu.memory_space<vmem>>, vector<1x16xf32>,
      %get3A_416 = arith.index_cast %add3A_393 : i32 to index
      %get3A_417 = arith.constant 16 : index
      %get3A_418 = tpu.vector_load %arg10[%get3A_416, %get3A_417] {strides = array<i32>} : memref<120x64xi32, #tpu.memory_space<vmem>>, vector<1x16xi32>,
      %get3A_419 = vector.shape_cast %get3A_418 : vector<1x16xi32> to vector<16xi32>
      %shift_left3A_420 = arith.constant 16 : i32
      %shift_left3A_421 = vector.broadcast %shift_left3A_420 : i32 to vector<16xi32>
      %shift_left3A_422 = arith.shli %get3A_419, %shift_left3A_421 : vector<16xi32>
      %bitcast_convert_type3A_423 = tpu.bitcast %shift_left3A_422 : vector<16xi32> -> vector<16xf32>
      %and3A_424 = arith.constant -65536 : i32
      %and3A_425 = vector.broadcast %and3A_424 : i32 to vector<16xi32>
      %and3A_426 = arith.andi %get3A_419, %and3A_425 : vector<16xi32>
      %bitcast_convert_type3A_427 = tpu.bitcast %and3A_426 : vector<16xi32> -> vector<16xf32>
      %swap3A_428 = arith.index_cast %add3A_393 : i32 to index
      %swap3A_429 = arith.constant 16 : index
      %swap3A_430 = tpu.vector_load %arg12[%swap3A_428, %swap3A_429] {strides = array<i32>} : memref<120x128xf32, #tpu.memory_space<vmem>>, vector<1x16xf32>,
      %swap3A_431 = vector.shape_cast %swap3A_430 : vector<1x16xf32> to vector<16xf32>
      %swap3A_432 = vector.shape_cast %bitcast_convert_type3A_423 : vector<16xf32> to vector<1x16xf32>
      tpu.vector_store %arg12[%swap3A_428, %swap3A_429], %swap3A_432 {strides = array<i32>} : memref<120x128xf32, #tpu.memory_space<vmem>>, vector<1x16xf32>,
      %swap3A_433 = arith.index_cast %add3A_393 : i32 to index
      %swap3A_434 = arith.constant 80 : index
      %swap3A_435 = tpu.vector_load %arg12[%swap3A_433, %swap3A_434] {strides = array<i32>} : memref<120x128xf32, #tpu.memory_space<vmem>>, vector<1x16xf32>,
      %swap3A_436 = vector.shape_cast %swap3A_435 : vector<1x16xf32> to vector<16xf32>
      %swap3A_437 = vector.shape_cast %bitcast_convert_type3A_427 : vector<16xf32> to vector<1x16xf32>
      tpu.vector_store %arg12[%swap3A_433, %swap3A_434], %swap3A_437 {strides = array<i32>} : memref<120x128xf32, #tpu.memory_space<vmem>>, vector<1x16xf32>,
      %get3A_438 = arith.index_cast %add3A_393 : i32 to index
      %get3A_439 = arith.constant 32 : index
      %get3A_440 = tpu.vector_load %arg10[%get3A_438, %get3A_439] {strides = array<i32>} : memref<120x64xi32, #tpu.memory_space<vmem>>, vector<1x16xi32>,
      %get3A_441 = vector.shape_cast %get3A_440 : vector<1x16xi32> to vector<16xi32>
      %shift_left3A_442 = arith.constant 16 : i32
      %shift_left3A_443 = vector.broadcast %shift_left3A_442 : i32 to vector<16xi32>
      %shift_left3A_444 = arith.shli %get3A_441, %shift_left3A_443 : vector<16xi32>
      %bitcast_convert_type3A_445 = tpu.bitcast %shift_left3A_444 : vector<16xi32> -> vector<16xf32>
      %and3A_446 = arith.constant -65536 : i32
      %and3A_447 = vector.broadcast %and3A_446 : i32 to vector<16xi32>
      %and3A_448 = arith.andi %get3A_441, %and3A_447 : vector<16xi32>
      %bitcast_convert_type3A_449 = tpu.bitcast %and3A_448 : vector<16xi32> -> vector<16xf32>
      %swap3A_450 = arith.index_cast %add3A_393 : i32 to index
      %swap3A_451 = arith.constant 32 : index
      %swap3A_452 = tpu.vector_load %arg12[%swap3A_450, %swap3A_451] {strides = array<i32>} : memref<120x128xf32, #tpu.memory_space<vmem>>, vector<1x16xf32>,
      %swap3A_453 = vector.shape_cast %swap3A_452 : vector<1x16xf32> to vector<16xf32>
      %swap3A_454 = vector.shape_cast %bitcast_convert_type3A_445 : vector<16xf32> to vector<1x16xf32>
      tpu.vector_store %arg12[%swap3A_450, %swap3A_451], %swap3A_454 {strides = array<i32>} : memref<120x128xf32, #tpu.memory_space<vmem>>, vector<1x16xf32>,
      %swap3A_455 = arith.index_cast %add3A_393 : i32 to index
      %swap3A_456 = arith.constant 96 : index
      %swap3A_457 = tpu.vector_load %arg12[%swap3A_455, %swap3A_456] {strides = array<i32>} : memref<120x128xf32, #tpu.memory_space<vmem>>, vector<1x16xf32>,
      %swap3A_458 = vector.shape_cast %swap3A_457 : vector<1x16xf32> to vector<16xf32>
      %swap3A_459 = vector.shape_cast %bitcast_convert_type3A_449 : vector<16xf32> to vector<1x16xf32>
      tpu.vector_store %arg12[%swap3A_455, %swap3A_456], %swap3A_459 {strides = array<i32>} : memref<120x128xf32, #tpu.memory_space<vmem>>, vector<1x16xf32>,
      %get3A_460 = arith.index_cast %add3A_393 : i32 to index
      %get3A_461 = arith.constant 48 : index
      %get3A_462 = tpu.vector_load %arg10[%get3A_460, %get3A_461] {strides = array<i32>} : memref<120x64xi32, #tpu.memory_space<vmem>>, vector<1x16xi32>,
      %get3A_463 = vector.shape_cast %get3A_462 : vector<1x16xi32> to vector<16xi32>
      %shift_left3A_464 = arith.constant 16 : i32
      %shift_left3A_465 = vector.broadcast %shift_left3A_464 : i32 to vector<16xi32>
      %shift_left3A_466 = arith.shli %get3A_463, %shift_left3A_465 : vector<16xi32>
      %bitcast_convert_type3A_467 = tpu.bitcast %shift_left3A_466 : vector<16xi32> -> vector<16xf32>
      %and3A_468 = arith.constant -65536 : i32
      %and3A_469 = vector.broadcast %and3A_468 : i32 to vector<16xi32>
      %and3A_470 = arith.andi %get3A_463, %and3A_469 : vector<16xi32>
      %bitcast_convert_type3A_471 = tpu.bitcast %and3A_470 : vector<16xi32> -> vector<16xf32>
      %swap3A_472 = arith.index_cast %add3A_393 : i32 to index
      %swap3A_473 = arith.constant 48 : index
      %swap3A_474 = tpu.vector_load %arg12[%swap3A_472, %swap3A_473] {strides = array<i32>} : memref<120x128xf32, #tpu.memory_space<vmem>>, vector<1x16xf32>,
      %swap3A_475 = vector.shape_cast %swap3A_474 : vector<1x16xf32> to vector<16xf32>
      %swap3A_476 = vector.shape_cast %bitcast_convert_type3A_467 : vector<16xf32> to vector<1x16xf32>
      tpu.vector_store %arg12[%swap3A_472, %swap3A_473], %swap3A_476 {strides = array<i32>} : memref<120x128xf32, #tpu.memory_space<vmem>>, vector<1x16xf32>,
      %swap3A_477 = arith.index_cast %add3A_393 : i32 to index
      %swap3A_478 = arith.constant 112 : index
      %swap3A_479 = tpu.vector_load %arg12[%swap3A_477, %swap3A_478] {strides = array<i32>} : memref<120x128xf32, #tpu.memory_space<vmem>>, vector<1x16xf32>,
      %swap3A_480 = vector.shape_cast %swap3A_479 : vector<1x16xf32> to vector<16xf32>
      %swap3A_481 = vector.shape_cast %bitcast_convert_type3A_471 : vector<16xf32> to vector<1x16xf32>
      tpu.vector_store %arg12[%swap3A_477, %swap3A_478], %swap3A_481 {strides = array<i32>} : memref<120x128xf32, #tpu.memory_space<vmem>>, vector<1x16xf32>,
      %mul3A_482 = arith.constant 4 : i32
      %mul3A_483 = arith.muli %mul3A_482, %scan3A_209 : i32
      %add3A_484 = arith.constant 3 : i32
      %add3A_485 = arith.addi %mul3A_483, %add3A_484 : i32
      %get3A_486 = arith.index_cast %add3A_485 : i32 to index
      %get3A_487 = arith.constant 0 : index
      %get3A_488 = tpu.vector_load %arg10[%get3A_486, %get3A_487] {strides = array<i32>} : memref<120x64xi32, #tpu.memory_space<vmem>>, vector<1x16xi32>,
      %get3A_489 = vector.shape_cast %get3A_488 : vector<1x16xi32> to vector<16xi32>
      %shift_left3A_490 = arith.constant 16 : i32
      %shift_left3A_491 = vector.broadcast %shift_left3A_490 : i32 to vector<16xi32>
      %shift_left3A_492 = arith.shli %get3A_489, %shift_left3A_491 : vector<16xi32>
      %bitcast_convert_type3A_493 = tpu.bitcast %shift_left3A_492 : vector<16xi32> -> vector<16xf32>
      %and3A_494 = arith.constant -65536 : i32
      %and3A_495 = vector.broadcast %and3A_494 : i32 to vector<16xi32>
      %and3A_496 = arith.andi %get3A_489, %and3A_495 : vector<16xi32>
      %bitcast_convert_type3A_497 = tpu.bitcast %and3A_496 : vector<16xi32> -> vector<16xf32>
      %swap3A_498 = arith.index_cast %add3A_485 : i32 to index
      %swap3A_499 = arith.constant 0 : index
      %swap3A_500 = tpu.vector_load %arg12[%swap3A_498, %swap3A_499] {strides = array<i32>} : memref<120x128xf32, #tpu.memory_space<vmem>>, vector<1x16xf32>,
      %swap3A_501 = vector.shape_cast %swap3A_500 : vector<1x16xf32> to vector<16xf32>
      %swap3A_502 = vector.shape_cast %bitcast_convert_type3A_493 : vector<16xf32> to vector<1x16xf32>
      tpu.vector_store %arg12[%swap3A_498, %swap3A_499], %swap3A_502 {strides = array<i32>} : memref<120x128xf32, #tpu.memory_space<vmem>>, vector<1x16xf32>,
      %swap3A_503 = arith.index_cast %add3A_485 : i32 to index
      %swap3A_504 = arith.constant 64 : index
      %swap3A_505 = tpu.vector_load %arg12[%swap3A_503, %swap3A_504] {strides = array<i32>} : memref<120x128xf32, #tpu.memory_space<vmem>>, vector<1x16xf32>,
      %swap3A_506 = vector.shape_cast %swap3A_505 : vector<1x16xf32> to vector<16xf32>
      %swap3A_507 = vector.shape_cast %bitcast_convert_type3A_497 : vector<16xf32> to vector<1x16xf32>
      tpu.vector_store %arg12[%swap3A_503, %swap3A_504], %swap3A_507 {strides = array<i32>} : memref<120x128xf32, #tpu.memory_space<vmem>>, vector<1x16xf32>,
      %get3A_508 = arith.index_cast %add3A_485 : i32 to index
      %get3A_509 = arith.constant 16 : index
      %get3A_510 = tpu.vector_load %arg10[%get3A_508, %get3A_509] {strides = array<i32>} : memref<120x64xi32, #tpu.memory_space<vmem>>, vector<1x16xi32>,
      %get3A_511 = vector.shape_cast %get3A_510 : vector<1x16xi32> to vector<16xi32>
      %shift_left3A_512 = arith.constant 16 : i32
      %shift_left3A_513 = vector.broadcast %shift_left3A_512 : i32 to vector<16xi32>
      %shift_left3A_514 = arith.shli %get3A_511, %shift_left3A_513 : vector<16xi32>
      %bitcast_convert_type3A_515 = tpu.bitcast %shift_left3A_514 : vector<16xi32> -> vector<16xf32>
      %and3A_516 = arith.constant -65536 : i32
      %and3A_517 = vector.broadcast %and3A_516 : i32 to vector<16xi32>
      %and3A_518 = arith.andi %get3A_511, %and3A_517 : vector<16xi32>
      %bitcast_convert_type3A_519 = tpu.bitcast %and3A_518 : vector<16xi32> -> vector<16xf32>
      %swap3A_520 = arith.index_cast %add3A_485 : i32 to index
      %swap3A_521 = arith.constant 16 : index
      %swap3A_522 = tpu.vector_load %arg12[%swap3A_520, %swap3A_521] {strides = array<i32>} : memref<120x128xf32, #tpu.memory_space<vmem>>, vector<1x16xf32>,
      %swap3A_523 = vector.shape_cast %swap3A_522 : vector<1x16xf32> to vector<16xf32>
      %swap3A_524 = vector.shape_cast %bitcast_convert_type3A_515 : vector<16xf32> to vector<1x16xf32>
      tpu.vector_store %arg12[%swap3A_520, %swap3A_521], %swap3A_524 {strides = array<i32>} : memref<120x128xf32, #tpu.memory_space<vmem>>, vector<1x16xf32>,
      %swap3A_525 = arith.index_cast %add3A_485 : i32 to index
      %swap3A_526 = arith.constant 80 : index
      %swap3A_527 = tpu.vector_load %arg12[%swap3A_525, %swap3A_526] {strides = array<i32>} : memref<120x128xf32, #tpu.memory_space<vmem>>, vector<1x16xf32>,
      %swap3A_528 = vector.shape_cast %swap3A_527 : vector<1x16xf32> to vector<16xf32>
      %swap3A_529 = vector.shape_cast %bitcast_convert_type3A_519 : vector<16xf32> to vector<1x16xf32>
      tpu.vector_store %arg12[%swap3A_525, %swap3A_526], %swap3A_529 {strides = array<i32>} : memref<120x128xf32, #tpu.memory_space<vmem>>, vector<1x16xf32>,
      %get3A_530 = arith.index_cast %add3A_485 : i32 to index
      %get3A_531 = arith.constant 32 : index
      %get3A_532 = tpu.vector_load %arg10[%get3A_530, %get3A_531] {strides = array<i32>} : memref<120x64xi32, #tpu.memory_space<vmem>>, vector<1x16xi32>,
      %get3A_533 = vector.shape_cast %get3A_532 : vector<1x16xi32> to vector<16xi32>
      %shift_left3A_534 = arith.constant 16 : i32
      %shift_left3A_535 = vector.broadcast %shift_left3A_534 : i32 to vector<16xi32>
      %shift_left3A_536 = arith.shli %get3A_533, %shift_left3A_535 : vector<16xi32>
      %bitcast_convert_type3A_537 = tpu.bitcast %shift_left3A_536 : vector<16xi32> -> vector<16xf32>
      %and3A_538 = arith.constant -65536 : i32
      %and3A_539 = vector.broadcast %and3A_538 : i32 to vector<16xi32>
      %and3A_540 = arith.andi %get3A_533, %and3A_539 : vector<16xi32>
      %bitcast_convert_type3A_541 = tpu.bitcast %and3A_540 : vector<16xi32> -> vector<16xf32>
      %swap3A_542 = arith.index_cast %add3A_485 : i32 to index
      %swap3A_543 = arith.constant 32 : index
      %swap3A_544 = tpu.vector_load %arg12[%swap3A_542, %swap3A_543] {strides = array<i32>} : memref<120x128xf32, #tpu.memory_space<vmem>>, vector<1x16xf32>,
      %swap3A_545 = vector.shape_cast %swap3A_544 : vector<1x16xf32> to vector<16xf32>
      %swap3A_546 = vector.shape_cast %bitcast_convert_type3A_537 : vector<16xf32> to vector<1x16xf32>
      tpu.vector_store %arg12[%swap3A_542, %swap3A_543], %swap3A_546 {strides = array<i32>} : memref<120x128xf32, #tpu.memory_space<vmem>>, vector<1x16xf32>,
      %swap3A_547 = arith.index_cast %add3A_485 : i32 to index
      %swap3A_548 = arith.constant 96 : index
      %swap3A_549 = tpu.vector_load %arg12[%swap3A_547, %swap3A_548] {strides = array<i32>} : memref<120x128xf32, #tpu.memory_space<vmem>>, vector<1x16xf32>,
      %swap3A_550 = vector.shape_cast %swap3A_549 : vector<1x16xf32> to vector<16xf32>
      %swap3A_551 = vector.shape_cast %bitcast_convert_type3A_541 : vector<16xf32> to vector<1x16xf32>
      tpu.vector_store %arg12[%swap3A_547, %swap3A_548], %swap3A_551 {strides = array<i32>} : memref<120x128xf32, #tpu.memory_space<vmem>>, vector<1x16xf32>,
      %get3A_552 = arith.index_cast %add3A_485 : i32 to index
      %get3A_553 = arith.constant 48 : index
      %get3A_554 = tpu.vector_load %arg10[%get3A_552, %get3A_553] {strides = array<i32>} : memref<120x64xi32, #tpu.memory_space<vmem>>, vector<1x16xi32>,
      %get3A_555 = vector.shape_cast %get3A_554 : vector<1x16xi32> to vector<16xi32>
      %shift_left3A_556 = arith.constant 16 : i32
      %shift_left3A_557 = vector.broadcast %shift_left3A_556 : i32 to vector<16xi32>
      %shift_left3A_558 = arith.shli %get3A_555, %shift_left3A_557 : vector<16xi32>
      %bitcast_convert_type3A_559 = tpu.bitcast %shift_left3A_558 : vector<16xi32> -> vector<16xf32>
      %and3A_560 = arith.constant -65536 : i32
      %and3A_561 = vector.broadcast %and3A_560 : i32 to vector<16xi32>
      %and3A_562 = arith.andi %get3A_555, %and3A_561 : vector<16xi32>
      %bitcast_convert_type3A_563 = tpu.bitcast %and3A_562 : vector<16xi32> -> vector<16xf32>
      %swap3A_564 = arith.index_cast %add3A_485 : i32 to index
      %swap3A_565 = arith.constant 48 : index
      %swap3A_566 = tpu.vector_load %arg12[%swap3A_564, %swap3A_565] {strides = array<i32>} : memref<120x128xf32, #tpu.memory_space<vmem>>, vector<1x16xf32>,
      %swap3A_567 = vector.shape_cast %swap3A_566 : vector<1x16xf32> to vector<16xf32>
      %swap3A_568 = vector.shape_cast %bitcast_convert_type3A_559 : vector<16xf32> to vector<1x16xf32>
      tpu.vector_store %arg12[%swap3A_564, %swap3A_565], %swap3A_568 {strides = array<i32>} : memref<120x128xf32, #tpu.memory_space<vmem>>, vector<1x16xf32>,
      %swap3A_569 = arith.index_cast %add3A_485 : i32 to index
      %swap3A_570 = arith.constant 112 : index
      %swap3A_571 = tpu.vector_load %arg12[%swap3A_569, %swap3A_570] {strides = array<i32>} : memref<120x128xf32, #tpu.memory_space<vmem>>, vector<1x16xf32>,
      %swap3A_572 = vector.shape_cast %swap3A_571 : vector<1x16xf32> to vector<16xf32>
      %swap3A_573 = vector.shape_cast %bitcast_convert_type3A_563 : vector<16xf32> to vector<1x16xf32>
      tpu.vector_store %arg12[%swap3A_569, %swap3A_570], %swap3A_573 {strides = array<i32>} : memref<120x128xf32, #tpu.memory_space<vmem>>, vector<1x16xf32>,
      %scan3A_574 = arith.constant 0 : i32
      scf.yield %scan3A_574 : i32
    }
    %scan3A_91 = arith.constant 30 : i32
    %dma_wait3A_92 = arith.constant 0 : i32
    %dma_wait3A_93 = arith.constant 0 : i32
    %dma_wait3A_94 = arith.constant 0 : i32
    %dma_wait3A_95 = arith.constant 0 : i32
    %dma_wait3A_96 = tpu.memref_slice %arg3[%dma_wait3A_92, %dma_wait3A_93, %dma_wait3A_94, %dma_wait3A_95] : memref<2x16x84x120xi32, #tpu.memory_space<hbm>> -> memref<1x1x1x120xi32, #tpu.memory_space<hbm>>
    %dma_wait3A_97 = tpu.memref_squeeze %dma_wait3A_96 : memref<1x1x1x120xi32, #tpu.memory_space<hbm>> -> memref<1x120xi32, #tpu.memory_space<hbm>>
    %dma_wait3A_98 = arith.constant 0 : i32
    %dma_wait3A_99 = arith.constant 0 : i32
    %dma_wait3A_100 = tpu.memref_slice %arg3[%dma_wait3A_92, %dma_wait3A_93, %dma_wait3A_98, %dma_wait3A_99] : memref<2x16x84x120xi32, #tpu.memory_space<hbm>> -> memref<1x1x1x120xi32, #tpu.memory_space<hbm>>
    %dma_wait3A_101 = tpu.memref_squeeze %dma_wait3A_100 : memref<1x1x1x120xi32, #tpu.memory_space<hbm>> -> memref<1x120xi32, #tpu.memory_space<hbm>>
    tpu.wait_dma2 semaphore(%arg18 : memref<!tpu.dma_semaphore, #tpu.memory_space<semaphore_mem>>) src(%dma_wait3A_101 : memref<1x120xi32, #tpu.memory_space<hbm>>) dst(%arg6 : memref<1x120xi32, #tpu.memory_space<vmem>>)
    %dma_start3A_102 = arith.constant 0 : i32
    %dma_start3A_103 = arith.constant 0 : i32
    %dma_start3A_104 = tpu.memref_slice %arg6[%dma_start3A_102, %dma_start3A_103] : memref<1x120xi32, #tpu.memory_space<vmem>> -> memref<1x120xi32, #tpu.memory_space<vmem>>
    %dma_start3A_105 = tpu.memref_squeeze %dma_start3A_104 : memref<1x120xi32, #tpu.memory_space<vmem>> -> memref<120xi32, #tpu.memory_space<vmem>>
    %dma_start3A_106 = arith.constant 0 : i32
    %dma_start3A_107 = arith.constant 0 : i32
    %dma_start3A_108 = tpu.memref_slice %arg2[%dma_start3A_106, %dma_start3A_107] : memref<20480x64xi32, #tpu.memory_space<hbm>> -> memref<20480x64xi32, #tpu.memory_space<hbm>>
    tpu.enqueue_indirect_dma source(%dma_start3A_108 : memref<20480x64xi32, #tpu.memory_space<hbm>>) target(%arg10 : memref<120x64xi32, #tpu.memory_space<vmem>>) offsets(%dma_start3A_105 : memref<120xi32, #tpu.memory_space<vmem>>) semaphore(%arg15 : memref<!tpu.dma_semaphore, #tpu.memory_space<semaphore_mem>>)
    %dma_wait3A_109 = arith.constant 0 : i32
    %dma_wait3A_110 = arith.constant 0 : i32
    %dma_wait3A_111 = arith.constant 0 : i32
    %dma_wait3A_112 = tpu.memref_slice %arg4[%dma_wait3A_109, %dma_wait3A_110, %dma_wait3A_111] : memref<16x84x120xi32, #tpu.memory_space<hbm>> -> memref<1x1x120xi32, #tpu.memory_space<hbm>>
    %dma_wait3A_113 = tpu.memref_squeeze %dma_wait3A_112 : memref<1x1x120xi32, #tpu.memory_space<hbm>> -> memref<1x120xi32, #tpu.memory_space<hbm>>
    %dma_wait3A_114 = arith.constant 0 : i32
    %dma_wait3A_115 = arith.constant 0 : i32
    %dma_wait3A_116 = tpu.memref_slice %arg4[%dma_wait3A_109, %dma_wait3A_114, %dma_wait3A_115] : memref<16x84x120xi32, #tpu.memory_space<hbm>> -> memref<1x1x120xi32, #tpu.memory_space<hbm>>
    %dma_wait3A_117 = tpu.memref_squeeze %dma_wait3A_116 : memref<1x1x120xi32, #tpu.memory_space<hbm>> -> memref<1x120xi32, #tpu.memory_space<hbm>>
    tpu.wait_dma2 semaphore(%arg16 : memref<!tpu.dma_semaphore, #tpu.memory_space<semaphore_mem>>) src(%dma_wait3A_117 : memref<1x120xi32, #tpu.memory_space<hbm>>) dst(%arg8 : memref<1x120xi32, #tpu.memory_space<vmem>>)
    %dma_start3A_118 = arith.constant 0 : i32
    %dma_start3A_119 = arith.constant 0 : i32
    %dma_start3A_120 = tpu.memref_slice %arg8[%dma_start3A_118, %dma_start3A_119] : memref<1x120xi32, #tpu.memory_space<vmem>> -> memref<1x120xi32, #tpu.memory_space<vmem>>
    %dma_start3A_121 = tpu.memref_squeeze %dma_start3A_120 : memref<1x120xi32, #tpu.memory_space<vmem>> -> memref<120xi32, #tpu.memory_space<vmem>>
    %dma_start3A_122 = arith.constant 0 : i32
    %dma_start3A_123 = arith.constant 0 : i32
    %dma_start3A_124 = tpu.memref_slice %arg14[%dma_start3A_122, %dma_start3A_123] : memref<10240x128xf32, #tpu.memory_space<vmem_shared>> -> memref<10240x128xf32, #tpu.memory_space<vmem_shared>>
    tpu.enqueue_indirect_dma source(%arg12 : memref<120x128xf32, #tpu.memory_space<vmem>>) target(%dma_start3A_124 : memref<10240x128xf32, #tpu.memory_space<vmem_shared>>) offsets(%dma_start3A_121 : memref<120xi32, #tpu.memory_space<vmem>>) semaphore(%arg17 : memref<!tpu.dma_semaphore, #tpu.memory_space<semaphore_mem>>) {add = true}
    %dma_wait3A_125 = arith.constant 0 : i32
    %dma_wait3A_126 = arith.constant 0 : i32
    %dma_wait3A_127 = tpu.memref_slice %arg2[%dma_wait3A_125, %dma_wait3A_126] : memref<20480x64xi32, #tpu.memory_space<hbm>> -> memref<120x64xi32, #tpu.memory_space<hbm>>
    %dma_wait3A_128 = arith.constant 0 : i32
    %dma_wait3A_129 = arith.constant 0 : i32
    %dma_wait3A_130 = tpu.memref_slice %arg2[%dma_wait3A_128, %dma_wait3A_129] : memref<20480x64xi32, #tpu.memory_space<hbm>> -> memref<120x64xi32, #tpu.memory_space<hbm>>
    tpu.wait_dma2 semaphore(%arg15 : memref<!tpu.dma_semaphore, #tpu.memory_space<semaphore_mem>>) src(%dma_wait3A_130 : memref<120x64xi32, #tpu.memory_space<hbm>>) dst(%arg11 : memref<120x64xi32, #tpu.memory_space<vmem>>)
    %dma_start3A_131 = arith.constant 3 : i32
    %dma_start3A_132 = arith.constant 0 : i32
    %dma_start3A_133 = tpu.memref_slice %arg3[%arg0, %arg1, %dma_start3A_131, %dma_start3A_132] : memref<2x16x84x120xi32, #tpu.memory_space<hbm>> -> memref<1x1x1x120xi32, #tpu.memory_space<hbm>>
    %dma_start3A_134 = tpu.memref_squeeze %dma_start3A_133 : memref<1x1x1x120xi32, #tpu.memory_space<hbm>> -> memref<1x120xi32, #tpu.memory_space<hbm>>
    %dma_start3A_135 = arith.constant 3 : i32
    %dma_start3A_136 = arith.constant 0 : i32
    %dma_start3A_137 = tpu.memref_slice %arg3[%arg0, %arg1, %dma_start3A_135, %dma_start3A_136] : memref<2x16x84x120xi32, #tpu.memory_space<hbm>> -> memref<1x1x1x120xi32, #tpu.memory_space<hbm>>
    %dma_start3A_138 = tpu.memref_squeeze %dma_start3A_137 : memref<1x1x1x120xi32, #tpu.memory_space<hbm>> -> memref<1x120xi32, #tpu.memory_space<hbm>>
    tpu.enqueue_dma source(%dma_start3A_138 : memref<1x120xi32, #tpu.memory_space<hbm>>) target(%arg7 : memref<1x120xi32, #tpu.memory_space<vmem>>) target_semaphore(%arg18 : memref<!tpu.dma_semaphore, #tpu.memory_space<semaphore_mem>>)
    %dma_start3A_139 = arith.constant 1 : i32
    %dma_start3A_140 = arith.constant 0 : i32
    %dma_start3A_141 = tpu.memref_slice %arg4[%arg1, %dma_start3A_139, %dma_start3A_140] : memref<16x84x120xi32, #tpu.memory_space<hbm>> -> memref<1x1x120xi32, #tpu.memory_space<hbm>>
    %dma_start3A_142 = tpu.memref_squeeze %dma_start3A_141 : memref<1x1x120xi32, #tpu.memory_space<hbm>> -> memref<1x120xi32, #tpu.memory_space<hbm>>
    %dma_start3A_143 = arith.constant 1 : i32
    %dma_start3A_144 = arith.constant 0 : i32
    %dma_start3A_145 = tpu.memref_slice %arg4[%arg1, %dma_start3A_143, %dma_start3A_144] : memref<16x84x120xi32, #tpu.memory_space<hbm>> -> memref<1x1x120xi32, #tpu.memory_space<hbm>>
    %dma_start3A_146 = tpu.memref_squeeze %dma_start3A_145 : memref<1x1x120xi32, #tpu.memory_space<hbm>> -> memref<1x120xi32, #tpu.memory_space<hbm>>
    tpu.enqueue_dma source(%dma_start3A_146 : memref<1x120xi32, #tpu.memory_space<hbm>>) target(%arg9 : memref<1x120xi32, #tpu.memory_space<vmem>>) target_semaphore(%arg16 : memref<!tpu.dma_semaphore, #tpu.memory_space<semaphore_mem>>)
    %scan3A_147 = arith.constant 0 : i32
    %scan3A_148 = arith.constant 0 : i32
    %scan3A_149 = arith.constant 30 : i32
    %scan3A_150 = arith.addi %scan3A_148, %scan3A_149 : i32
    %scan3A_151 = arith.constant 1 : i32
    %scan3A_152 = scf.for %scan3A_209 = %scan3A_148 to %scan3A_150 step %scan3A_151 iter_args(%scan3A_210 = %scan3A_147) -> (i32)  : i32 {
      %mul3A_211 = arith.constant 4 : i32
      %mul3A_212 = arith.muli %mul3A_211, %scan3A_209 : i32
      %add3A_213 = arith.constant 0 : i32
      %add3A_214 = arith.addi %mul3A_212, %add3A_213 : i32
      %get3A = arith.index_cast %add3A_214 : i32 to index
      %get3A_215 = arith.constant 0 : index
      %get3A_216 = tpu.vector_load %arg11[%get3A, %get3A_215] {strides = array<i32>} : memref<120x64xi32, #tpu.memory_space<vmem>>, vector<1x16xi32>,
      %get3A_217 = vector.shape_cast %get3A_216 : vector<1x16xi32> to vector<16xi32>
      %shift_left3A = arith.constant 16 : i32
      %shift_left3A_218 = vector.broadcast %shift_left3A : i32 to vector<16xi32>
      %shift_left3A_219 = arith.shli %get3A_217, %shift_left3A_218 : vector<16xi32>
      %bitcast_convert_type3A = tpu.bitcast %shift_left3A_219 : vector<16xi32> -> vector<16xf32>
      %and3A = arith.constant -65536 : i32
      %and3A_220 = vector.broadcast %and3A : i32 to vector<16xi32>
      %and3A_221 = arith.andi %get3A_217, %and3A_220 : vector<16xi32>
      %bitcast_convert_type3A_222 = tpu.bitcast %and3A_221 : vector<16xi32> -> vector<16xf32>
      %swap3A = arith.index_cast %add3A_214 : i32 to index
      %swap3A_223 = arith.constant 0 : index
      %swap3A_224 = tpu.vector_load %arg13[%swap3A, %swap3A_223] {strides = array<i32>} : memref<120x128xf32, #tpu.memory_space<vmem>>, vector<1x16xf32>,
      %swap3A_225 = vector.shape_cast %swap3A_224 : vector<1x16xf32> to vector<16xf32>
      %swap3A_226 = vector.shape_cast %bitcast_convert_type3A : vector<16xf32> to vector<1x16xf32>
      tpu.vector_store %arg13[%swap3A, %swap3A_223], %swap3A_226 {strides = array<i32>} : memref<120x128xf32, #tpu.memory_space<vmem>>, vector<1x16xf32>,
      %swap3A_227 = arith.index_cast %add3A_214 : i32 to index
      %swap3A_228 = arith.constant 64 : index
      %swap3A_229 = tpu.vector_load %arg13[%swap3A_227, %swap3A_228] {strides = array<i32>} : memref<120x128xf32, #tpu.memory_space<vmem>>, vector<1x16xf32>,
      %swap3A_230 = vector.shape_cast %swap3A_229 : vector<1x16xf32> to vector<16xf32>
      %swap3A_231 = vector.shape_cast %bitcast_convert_type3A_222 : vector<16xf32> to vector<1x16xf32>
      tpu.vector_store %arg13[%swap3A_227, %swap3A_228], %swap3A_231 {strides = array<i32>} : memref<120x128xf32, #tpu.memory_space<vmem>>, vector<1x16xf32>,
      %get3A_232 = arith.index_cast %add3A_214 : i32 to index
      %get3A_233 = arith.constant 16 : index
      %get3A_234 = tpu.vector_load %arg11[%get3A_232, %get3A_233] {strides = array<i32>} : memref<120x64xi32, #tpu.memory_space<vmem>>, vector<1x16xi32>,
      %get3A_235 = vector.shape_cast %get3A_234 : vector<1x16xi32> to vector<16xi32>
      %shift_left3A_236 = arith.constant 16 : i32
      %shift_left3A_237 = vector.broadcast %shift_left3A_236 : i32 to vector<16xi32>
      %shift_left3A_238 = arith.shli %get3A_235, %shift_left3A_237 : vector<16xi32>
      %bitcast_convert_type3A_239 = tpu.bitcast %shift_left3A_238 : vector<16xi32> -> vector<16xf32>
      %and3A_240 = arith.constant -65536 : i32
      %and3A_241 = vector.broadcast %and3A_240 : i32 to vector<16xi32>
      %and3A_242 = arith.andi %get3A_235, %and3A_241 : vector<16xi32>
      %bitcast_convert_type3A_243 = tpu.bitcast %and3A_242 : vector<16xi32> -> vector<16xf32>
      %swap3A_244 = arith.index_cast %add3A_214 : i32 to index
      %swap3A_245 = arith.constant 16 : index
      %swap3A_246 = tpu.vector_load %arg13[%swap3A_244, %swap3A_245] {strides = array<i32>} : memref<120x128xf32, #tpu.memory_space<vmem>>, vector<1x16xf32>,
      %swap3A_247 = vector.shape_cast %swap3A_246 : vector<1x16xf32> to vector<16xf32>
      %swap3A_248 = vector.shape_cast %bitcast_convert_type3A_239 : vector<16xf32> to vector<1x16xf32>
      tpu.vector_store %arg13[%swap3A_244, %swap3A_245], %swap3A_248 {strides = array<i32>} : memref<120x128xf32, #tpu.memory_space<vmem>>, vector<1x16xf32>,
      %swap3A_249 = arith.index_cast %add3A_214 : i32 to index
      %swap3A_250 = arith.constant 80 : index
      %swap3A_251 = tpu.vector_load %arg13[%swap3A_249, %swap3A_250] {strides = array<i32>} : memref<120x128xf32, #tpu.memory_space<vmem>>, vector<1x16xf32>,
      %swap3A_252 = vector.shape_cast %swap3A_251 : vector<1x16xf32> to vector<16xf32>
      %swap3A_253 = vector.shape_cast %bitcast_convert_type3A_243 : vector<16xf32> to vector<1x16xf32>
      tpu.vector_store %arg13[%swap3A_249, %swap3A_250], %swap3A_253 {strides = array<i32>} : memref<120x128xf32, #tpu.memory_space<vmem>>, vector<1x16xf32>,
      %get3A_254 = arith.index_cast %add3A_214 : i32 to index
      %get3A_255 = arith.constant 32 : index
      %get3A_256 = tpu.vector_load %arg11[%get3A_254, %get3A_255] {strides = array<i32>} : memref<120x64xi32, #tpu.memory_space<vmem>>, vector<1x16xi32>,
      %get3A_257 = vector.shape_cast %get3A_256 : vector<1x16xi32> to vector<16xi32>
      %shift_left3A_258 = arith.constant 16 : i32
      %shift_left3A_259 = vector.broadcast %shift_left3A_258 : i32 to vector<16xi32>
      %shift_left3A_260 = arith.shli %get3A_257, %shift_left3A_259 : vector<16xi32>
      %bitcast_convert_type3A_261 = tpu.bitcast %shift_left3A_260 : vector<16xi32> -> vector<16xf32>
      %and3A_262 = arith.constant -65536 : i32
      %and3A_263 = vector.broadcast %and3A_262 : i32 to vector<16xi32>
      %and3A_264 = arith.andi %get3A_257, %and3A_263 : vector<16xi32>
      %bitcast_convert_type3A_265 = tpu.bitcast %and3A_264 : vector<16xi32> -> vector<16xf32>
      %swap3A_266 = arith.index_cast %add3A_214 : i32 to index
      %swap3A_267 = arith.constant 32 : index
      %swap3A_268 = tpu.vector_load %arg13[%swap3A_266, %swap3A_267] {strides = array<i32>} : memref<120x128xf32, #tpu.memory_space<vmem>>, vector<1x16xf32>,
      %swap3A_269 = vector.shape_cast %swap3A_268 : vector<1x16xf32> to vector<16xf32>
      %swap3A_270 = vector.shape_cast %bitcast_convert_type3A_261 : vector<16xf32> to vector<1x16xf32>
      tpu.vector_store %arg13[%swap3A_266, %swap3A_267], %swap3A_270 {strides = array<i32>} : memref<120x128xf32, #tpu.memory_space<vmem>>, vector<1x16xf32>,
      %swap3A_271 = arith.index_cast %add3A_214 : i32 to index
      %swap3A_272 = arith.constant 96 : index
      %swap3A_273 = tpu.vector_load %arg13[%swap3A_271, %swap3A_272] {strides = array<i32>} : memref<120x128xf32, #tpu.memory_space<vmem>>, vector<1x16xf32>,
      %swap3A_274 = vector.shape_cast %swap3A_273 : vector<1x16xf32> to vector<16xf32>
      %swap3A_275 = vector.shape_cast %bitcast_convert_type3A_265 : vector<16xf32> to vector<1x16xf32>
      tpu.vector_store %arg13[%swap3A_271, %swap3A_272], %swap3A_275 {strides = array<i32>} : memref<120x128xf32, #tpu.memory_space<vmem>>, vector<1x16xf32>,
      %get3A_276 = arith.index_cast %add3A_214 : i32 to index
      %get3A_277 = arith.constant 48 : index
      %get3A_278 = tpu.vector_load %arg11[%get3A_276, %get3A_277] {strides = array<i32>} : memref<120x64xi32, #tpu.memory_space<vmem>>, vector<1x16xi32>,
      %get3A_279 = vector.shape_cast %get3A_278 : vector<1x16xi32> to vector<16xi32>
      %shift_left3A_280 = arith.constant 16 : i32
      %shift_left3A_281 = vector.broadcast %shift_left3A_280 : i32 to vector<16xi32>
      %shift_left3A_282 = arith.shli %get3A_279, %shift_left3A_281 : vector<16xi32>
      %bitcast_convert_type3A_283 = tpu.bitcast %shift_left3A_282 : vector<16xi32> -> vector<16xf32>
      %and3A_284 = arith.constant -65536 : i32
      %and3A_285 = vector.broadcast %and3A_284 : i32 to vector<16xi32>
      %and3A_286 = arith.andi %get3A_279, %and3A_285 : vector<16xi32>
      %bitcast_convert_type3A_287 = tpu.bitcast %and3A_286 : vector<16xi32> -> vector<16xf32>
      %swap3A_288 = arith.index_cast %add3A_214 : i32 to index
      %swap3A_289 = arith.constant 48 : index
      %swap3A_290 = tpu.vector_load %arg13[%swap3A_288, %swap3A_289] {strides = array<i32>} : memref<120x128xf32, #tpu.memory_space<vmem>>, vector<1x16xf32>,
      %swap3A_291 = vector.shape_cast %swap3A_290 : vector<1x16xf32> to vector<16xf32>
      %swap3A_292 = vector.shape_cast %bitcast_convert_type3A_283 : vector<16xf32> to vector<1x16xf32>
      tpu.vector_store %arg13[%swap3A_288, %swap3A_289], %swap3A_292 {strides = array<i32>} : memref<120x128xf32, #tpu.memory_space<vmem>>, vector<1x16xf32>,
      %swap3A_293 = arith.index_cast %add3A_214 : i32 to index
      %swap3A_294 = arith.constant 112 : index
      %swap3A_295 = tpu.vector_load %arg13[%swap3A_293, %swap3A_294] {strides = array<i32>} : memref<120x128xf32, #tpu.memory_space<vmem>>, vector<1x16xf32>,
      %swap3A_296 = vector.shape_cast %swap3A_295 : vector<1x16xf32> to vector<16xf32>
      %swap3A_297 = vector.shape_cast %bitcast_convert_type3A_287 : vector<16xf32> to vector<1x16xf32>
      tpu.vector_store %arg13[%swap3A_293, %swap3A_294], %swap3A_297 {strides = array<i32>} : memref<120x128xf32, #tpu.memory_space<vmem>>, vector<1x16xf32>,
      %mul3A_298 = arith.constant 4 : i32
      %mul3A_299 = arith.muli %mul3A_298, %scan3A_209 : i32
      %add3A_300 = arith.constant 1 : i32
      %add3A_301 = arith.addi %mul3A_299, %add3A_300 : i32
      %get3A_302 = arith.index_cast %add3A_301 : i32 to index
      %get3A_303 = arith.constant 0 : index
      %get3A_304 = tpu.vector_load %arg11[%get3A_302, %get3A_303] {strides = array<i32>} : memref<120x64xi32, #tpu.memory_space<vmem>>, vector<1x16xi32>,
      %get3A_305 = vector.shape_cast %get3A_304 : vector<1x16xi32> to vector<16xi32>
      %shift_left3A_306 = arith.constant 16 : i32
      %shift_left3A_307 = vector.broadcast %shift_left3A_306 : i32 to vector<16xi32>
      %shift_left3A_308 = arith.shli %get3A_305, %shift_left3A_307 : vector<16xi32>
      %bitcast_convert_type3A_309 = tpu.bitcast %shift_left3A_308 : vector<16xi32> -> vector<16xf32>
      %and3A_310 = arith.constant -65536 : i32
      %and3A_311 = vector.broadcast %and3A_310 : i32 to vector<16xi32>
      %and3A_312 = arith.andi %get3A_305, %and3A_311 : vector<16xi32>
      %bitcast_convert_type3A_313 = tpu.bitcast %and3A_312 : vector<16xi32> -> vector<16xf32>
      %swap3A_314 = arith.index_cast %add3A_301 : i32 to index
      %swap3A_315 = arith.constant 0 : index
      %swap3A_316 = tpu.vector_load %arg13[%swap3A_314, %swap3A_315] {strides = array<i32>} : memref<120x128xf32, #tpu.memory_space<vmem>>, vector<1x16xf32>,
      %swap3A_317 = vector.shape_cast %swap3A_316 : vector<1x16xf32> to vector<16xf32>
      %swap3A_318 = vector.shape_cast %bitcast_convert_type3A_309 : vector<16xf32> to vector<1x16xf32>
      tpu.vector_store %arg13[%swap3A_314, %swap3A_315], %swap3A_318 {strides = array<i32>} : memref<120x128xf32, #tpu.memory_space<vmem>>, vector<1x16xf32>,
      %swap3A_319 = arith.index_cast %add3A_301 : i32 to index
      %swap3A_320 = arith.constant 64 : index
      %swap3A_321 = tpu.vector_load %arg13[%swap3A_319, %swap3A_320] {strides = array<i32>} : memref<120x128xf32, #tpu.memory_space<vmem>>, vector<1x16xf32>,
      %swap3A_322 = vector.shape_cast %swap3A_321 : vector<1x16xf32> to vector<16xf32>
      %swap3A_323 = vector.shape_cast %bitcast_convert_type3A_313 : vector<16xf32> to vector<1x16xf32>
      tpu.vector_store %arg13[%swap3A_319, %swap3A_320], %swap3A_323 {strides = array<i32>} : memref<120x128xf32, #tpu.memory_space<vmem>>, vector<1x16xf32>,
      %get3A_324 = arith.index_cast %add3A_301 : i32 to index
      %get3A_325 = arith.constant 16 : index
      %get3A_326 = tpu.vector_load %arg11[%get3A_324, %get3A_325] {strides = array<i32>} : memref<120x64xi32, #tpu.memory_space<vmem>>, vector<1x16xi32>,
      %get3A_327 = vector.shape_cast %get3A_326 : vector<1x16xi32> to vector<16xi32>
      %shift_left3A_328 = arith.constant 16 : i32
      %shift_left3A_329 = vector.broadcast %shift_left3A_328 : i32 to vector<16xi32>
      %shift_left3A_330 = arith.shli %get3A_327, %shift_left3A_329 : vector<16xi32>
      %bitcast_convert_type3A_331 = tpu.bitcast %shift_left3A_330 : vector<16xi32> -> vector<16xf32>
      %and3A_332 = arith.constant -65536 : i32
      %and3A_333 = vector.broadcast %and3A_332 : i32 to vector<16xi32>
      %and3A_334 = arith.andi %get3A_327, %and3A_333 : vector<16xi32>
      %bitcast_convert_type3A_335 = tpu.bitcast %and3A_334 : vector<16xi32> -> vector<16xf32>
      %swap3A_336 = arith.index_cast %add3A_301 : i32 to index
      %swap3A_337 = arith.constant 16 : index
      %swap3A_338 = tpu.vector_load %arg13[%swap3A_336, %swap3A_337] {strides = array<i32>} : memref<120x128xf32, #tpu.memory_space<vmem>>, vector<1x16xf32>,
      %swap3A_339 = vector.shape_cast %swap3A_338 : vector<1x16xf32> to vector<16xf32>
      %swap3A_340 = vector.shape_cast %bitcast_convert_type3A_331 : vector<16xf32> to vector<1x16xf32>
      tpu.vector_store %arg13[%swap3A_336, %swap3A_337], %swap3A_340 {strides = array<i32>} : memref<120x128xf32, #tpu.memory_space<vmem>>, vector<1x16xf32>,
      %swap3A_341 = arith.index_cast %add3A_301 : i32 to index
      %swap3A_342 = arith.constant 80 : index
      %swap3A_343 = tpu.vector_load %arg13[%swap3A_341, %swap3A_342] {strides = array<i32>} : memref<120x128xf32, #tpu.memory_space<vmem>>, vector<1x16xf32>,
      %swap3A_344 = vector.shape_cast %swap3A_343 : vector<1x16xf32> to vector<16xf32>
      %swap3A_345 = vector.shape_cast %bitcast_convert_type3A_335 : vector<16xf32> to vector<1x16xf32>
      tpu.vector_store %arg13[%swap3A_341, %swap3A_342], %swap3A_345 {strides = array<i32>} : memref<120x128xf32, #tpu.memory_space<vmem>>, vector<1x16xf32>,
      %get3A_346 = arith.index_cast %add3A_301 : i32 to index
      %get3A_347 = arith.constant 32 : index
      %get3A_348 = tpu.vector_load %arg11[%get3A_346, %get3A_347] {strides = array<i32>} : memref<120x64xi32, #tpu.memory_space<vmem>>, vector<1x16xi32>,
      %get3A_349 = vector.shape_cast %get3A_348 : vector<1x16xi32> to vector<16xi32>
      %shift_left3A_350 = arith.constant 16 : i32
      %shift_left3A_351 = vector.broadcast %shift_left3A_350 : i32 to vector<16xi32>
      %shift_left3A_352 = arith.shli %get3A_349, %shift_left3A_351 : vector<16xi32>
      %bitcast_convert_type3A_353 = tpu.bitcast %shift_left3A_352 : vector<16xi32> -> vector<16xf32>
      %and3A_354 = arith.constant -65536 : i32
      %and3A_355 = vector.broadcast %and3A_354 : i32 to vector<16xi32>
      %and3A_356 = arith.andi %get3A_349, %and3A_355 : vector<16xi32>
      %bitcast_convert_type3A_357 = tpu.bitcast %and3A_356 : vector<16xi32> -> vector<16xf32>
      %swap3A_358 = arith.index_cast %add3A_301 : i32 to index
      %swap3A_359 = arith.constant 32 : index
      %swap3A_360 = tpu.vector_load %arg13[%swap3A_358, %swap3A_359] {strides = array<i32>} : memref<120x128xf32, #tpu.memory_space<vmem>>, vector<1x16xf32>,
      %swap3A_361 = vector.shape_cast %swap3A_360 : vector<1x16xf32> to vector<16xf32>
      %swap3A_362 = vector.shape_cast %bitcast_convert_type3A_353 : vector<16xf32> to vector<1x16xf32>
      tpu.vector_store %arg13[%swap3A_358, %swap3A_359], %swap3A_362 {strides = array<i32>} : memref<120x128xf32, #tpu.memory_space<vmem>>, vector<1x16xf32>,
      %swap3A_363 = arith.index_cast %add3A_301 : i32 to index
      %swap3A_364 = arith.constant 96 : index
      %swap3A_365 = tpu.vector_load %arg13[%swap3A_363, %swap3A_364] {strides = array<i32>} : memref<120x128xf32, #tpu.memory_space<vmem>>, vector<1x16xf32>,
      %swap3A_366 = vector.shape_cast %swap3A_365 : vector<1x16xf32> to vector<16xf32>
      %swap3A_367 = vector.shape_cast %bitcast_convert_type3A_357 : vector<16xf32> to vector<1x16xf32>
      tpu.vector_store %arg13[%swap3A_363, %swap3A_364], %swap3A_367 {strides = array<i32>} : memref<120x128xf32, #tpu.memory_space<vmem>>, vector<1x16xf32>,
      %get3A_368 = arith.index_cast %add3A_301 : i32 to index
      %get3A_369 = arith.constant 48 : index
      %get3A_370 = tpu.vector_load %arg11[%get3A_368, %get3A_369] {strides = array<i32>} : memref<120x64xi32, #tpu.memory_space<vmem>>, vector<1x16xi32>,
      %get3A_371 = vector.shape_cast %get3A_370 : vector<1x16xi32> to vector<16xi32>
      %shift_left3A_372 = arith.constant 16 : i32
      %shift_left3A_373 = vector.broadcast %shift_left3A_372 : i32 to vector<16xi32>
      %shift_left3A_374 = arith.shli %get3A_371, %shift_left3A_373 : vector<16xi32>
      %bitcast_convert_type3A_375 = tpu.bitcast %shift_left3A_374 : vector<16xi32> -> vector<16xf32>
      %and3A_376 = arith.constant -65536 : i32
      %and3A_377 = vector.broadcast %and3A_376 : i32 to vector<16xi32>
      %and3A_378 = arith.andi %get3A_371, %and3A_377 : vector<16xi32>
      %bitcast_convert_type3A_379 = tpu.bitcast %and3A_378 : vector<16xi32> -> vector<16xf32>
      %swap3A_380 = arith.index_cast %add3A_301 : i32 to index
      %swap3A_381 = arith.constant 48 : index
      %swap3A_382 = tpu.vector_load %arg13[%swap3A_380, %swap3A_381] {strides = array<i32>} : memref<120x128xf32, #tpu.memory_space<vmem>>, vector<1x16xf32>,
      %swap3A_383 = vector.shape_cast %swap3A_382 : vector<1x16xf32> to vector<16xf32>
      %swap3A_384 = vector.shape_cast %bitcast_convert_type3A_375 : vector<16xf32> to vector<1x16xf32>
      tpu.vector_store %arg13[%swap3A_380, %swap3A_381], %swap3A_384 {strides = array<i32>} : memref<120x128xf32, #tpu.memory_space<vmem>>, vector<1x16xf32>,
      %swap3A_385 = arith.index_cast %add3A_301 : i32 to index
      %swap3A_386 = arith.constant 112 : index
      %swap3A_387 = tpu.vector_load %arg13[%swap3A_385, %swap3A_386] {strides = array<i32>} : memref<120x128xf32, #tpu.memory_space<vmem>>, vector<1x16xf32>,
      %swap3A_388 = vector.shape_cast %swap3A_387 : vector<1x16xf32> to vector<16xf32>
      %swap3A_389 = vector.shape_cast %bitcast_convert_type3A_379 : vector<16xf32> to vector<1x16xf32>
      tpu.vector_store %arg13[%swap3A_385, %swap3A_386], %swap3A_389 {strides = array<i32>} : memref<120x128xf32, #tpu.memory_space<vmem>>, vector<1x16xf32>,
      %mul3A_390 = arith.constant 4 : i32
      %mul3A_391 = arith.muli %mul3A_390, %scan3A_209 : i32
      %add3A_392 = arith.constant 2 : i32
      %add3A_393 = arith.addi %mul3A_391, %add3A_392 : i32
      %get3A_394 = arith.index_cast %add3A_393 : i32 to index
      %get3A_395 = arith.constant 0 : index
      %get3A_396 = tpu.vector_load %arg11[%get3A_394, %get3A_395] {strides = array<i32>} : memref<120x64xi32, #tpu.memory_space<vmem>>, vector<1x16xi32>,
      %get3A_397 = vector.shape_cast %get3A_396 : vector<1x16xi32> to vector<16xi32>
      %shift_left3A_398 = arith.constant 16 : i32
      %shift_left3A_399 = vector.broadcast %shift_left3A_398 : i32 to vector<16xi32>
      %shift_left3A_400 = arith.shli %get3A_397, %shift_left3A_399 : vector<16xi32>
      %bitcast_convert_type3A_401 = tpu.bitcast %shift_left3A_400 : vector<16xi32> -> vector<16xf32>
      %and3A_402 = arith.constant -65536 : i32
      %and3A_403 = vector.broadcast %and3A_402 : i32 to vector<16xi32>
      %and3A_404 = arith.andi %get3A_397, %and3A_403 : vector<16xi32>
      %bitcast_convert_type3A_405 = tpu.bitcast %and3A_404 : vector<16xi32> -> vector<16xf32>
      %swap3A_406 = arith.index_cast %add3A_393 : i32 to index
      %swap3A_407 = arith.constant 0 : index
      %swap3A_408 = tpu.vector_load %arg13[%swap3A_406, %swap3A_407] {strides = array<i32>} : memref<120x128xf32, #tpu.memory_space<vmem>>, vector<1x16xf32>,
      %swap3A_409 = vector.shape_cast %swap3A_408 : vector<1x16xf32> to vector<16xf32>
      %swap3A_410 = vector.shape_cast %bitcast_convert_type3A_401 : vector<16xf32> to vector<1x16xf32>
      tpu.vector_store %arg13[%swap3A_406, %swap3A_407], %swap3A_410 {strides = array<i32>} : memref<120x128xf32, #tpu.memory_space<vmem>>, vector<1x16xf32>,
      %swap3A_411 = arith.index_cast %add3A_393 : i32 to index
      %swap3A_412 = arith.constant 64 : index
      %swap3A_413 = tpu.vector_load %arg13[%swap3A_411, %swap3A_412] {strides = array<i32>} : memref<120x128xf32, #tpu.memory_space<vmem>>, vector<1x16xf32>,
      %swap3A_414 = vector.shape_cast %swap3A_413 : vector<1x16xf32> to vector<16xf32>
      %swap3A_415 = vector.shape_cast %bitcast_convert_type3A_405 : vector<16xf32> to vector<1x16xf32>
      tpu.vector_store %arg13[%swap3A_411, %swap3A_412], %swap3A_415 {strides = array<i32>} : memref<120x128xf32, #tpu.memory_space<vmem>>, vector<1x16xf32>,
      %get3A_416 = arith.index_cast %add3A_393 : i32 to index
      %get3A_417 = arith.constant 16 : index
      %get3A_418 = tpu.vector_load %arg11[%get3A_416, %get3A_417] {strides = array<i32>} : memref<120x64xi32, #tpu.memory_space<vmem>>, vector<1x16xi32>,
      %get3A_419 = vector.shape_cast %get3A_418 : vector<1x16xi32> to vector<16xi32>
      %shift_left3A_420 = arith.constant 16 : i32
      %shift_left3A_421 = vector.broadcast %shift_left3A_420 : i32 to vector<16xi32>
      %shift_left3A_422 = arith.shli %get3A_419, %shift_left3A_421 : vector<16xi32>
      %bitcast_convert_type3A_423 = tpu.bitcast %shift_left3A_422 : vector<16xi32> -> vector<16xf32>
      %and3A_424 = arith.constant -65536 : i32
      %and3A_425 = vector.broadcast %and3A_424 : i32 to vector<16xi32>
      %and3A_426 = arith.andi %get3A_419, %and3A_425 : vector<16xi32>
      %bitcast_convert_type3A_427 = tpu.bitcast %and3A_426 : vector<16xi32> -> vector<16xf32>
      %swap3A_428 = arith.index_cast %add3A_393 : i32 to index
      %swap3A_429 = arith.constant 16 : index
      %swap3A_430 = tpu.vector_load %arg13[%swap3A_428, %swap3A_429] {strides = array<i32>} : memref<120x128xf32, #tpu.memory_space<vmem>>, vector<1x16xf32>,
      %swap3A_431 = vector.shape_cast %swap3A_430 : vector<1x16xf32> to vector<16xf32>
      %swap3A_432 = vector.shape_cast %bitcast_convert_type3A_423 : vector<16xf32> to vector<1x16xf32>
      tpu.vector_store %arg13[%swap3A_428, %swap3A_429], %swap3A_432 {strides = array<i32>} : memref<120x128xf32, #tpu.memory_space<vmem>>, vector<1x16xf32>,
      %swap3A_433 = arith.index_cast %add3A_393 : i32 to index
      %swap3A_434 = arith.constant 80 : index
      %swap3A_435 = tpu.vector_load %arg13[%swap3A_433, %swap3A_434] {strides = array<i32>} : memref<120x128xf32, #tpu.memory_space<vmem>>, vector<1x16xf32>,
      %swap3A_436 = vector.shape_cast %swap3A_435 : vector<1x16xf32> to vector<16xf32>
      %swap3A_437 = vector.shape_cast %bitcast_convert_type3A_427 : vector<16xf32> to vector<1x16xf32>
      tpu.vector_store %arg13[%swap3A_433, %swap3A_434], %swap3A_437 {strides = array<i32>} : memref<120x128xf32, #tpu.memory_space<vmem>>, vector<1x16xf32>,
      %get3A_438 = arith.index_cast %add3A_393 : i32 to index
      %get3A_439 = arith.constant 32 : index
      %get3A_440 = tpu.vector_load %arg11[%get3A_438, %get3A_439] {strides = array<i32>} : memref<120x64xi32, #tpu.memory_space<vmem>>, vector<1x16xi32>,
      %get3A_441 = vector.shape_cast %get3A_440 : vector<1x16xi32> to vector<16xi32>
      %shift_left3A_442 = arith.constant 16 : i32
      %shift_left3A_443 = vector.broadcast %shift_left3A_442 : i32 to vector<16xi32>
      %shift_left3A_444 = arith.shli %get3A_441, %shift_left3A_443 : vector<16xi32>
      %bitcast_convert_type3A_445 = tpu.bitcast %shift_left3A_444 : vector<16xi32> -> vector<16xf32>
      %and3A_446 = arith.constant -65536 : i32
      %and3A_447 = vector.broadcast %and3A_446 : i32 to vector<16xi32>
      %and3A_448 = arith.andi %get3A_441, %and3A_447 : vector<16xi32>
      %bitcast_convert_type3A_449 = tpu.bitcast %and3A_448 : vector<16xi32> -> vector<16xf32>
      %swap3A_450 = arith.index_cast %add3A_393 : i32 to index
      %swap3A_451 = arith.constant 32 : index
      %swap3A_452 = tpu.vector_load %arg13[%swap3A_450, %swap3A_451] {strides = array<i32>} : memref<120x128xf32, #tpu.memory_space<vmem>>, vector<1x16xf32>,
      %swap3A_453 = vector.shape_cast %swap3A_452 : vector<1x16xf32> to vector<16xf32>
      %swap3A_454 = vector.shape_cast %bitcast_convert_type3A_445 : vector<16xf32> to vector<1x16xf32>
      tpu.vector_store %arg13[%swap3A_450, %swap3A_451], %swap3A_454 {strides = array<i32>} : memref<120x128xf32, #tpu.memory_space<vmem>>, vector<1x16xf32>,
      %swap3A_455 = arith.index_cast %add3A_393 : i32 to index
      %swap3A_456 = arith.constant 96 : index
      %swap3A_457 = tpu.vector_load %arg13[%swap3A_455, %swap3A_456] {strides = array<i32>} : memref<120x128xf32, #tpu.memory_space<vmem>>, vector<1x16xf32>,
      %swap3A_458 = vector.shape_cast %swap3A_457 : vector<1x16xf32> to vector<16xf32>
      %swap3A_459 = vector.shape_cast %bitcast_convert_type3A_449 : vector<16xf32> to vector<1x16xf32>
      tpu.vector_store %arg13[%swap3A_455, %swap3A_456], %swap3A_459 {strides = array<i32>} : memref<120x128xf32, #tpu.memory_space<vmem>>, vector<1x16xf32>,
      %get3A_460 = arith.index_cast %add3A_393 : i32 to index
      %get3A_461 = arith.constant 48 : index
      %get3A_462 = tpu.vector_load %arg11[%get3A_460, %get3A_461] {strides = array<i32>} : memref<120x64xi32, #tpu.memory_space<vmem>>, vector<1x16xi32>,
      %get3A_463 = vector.shape_cast %get3A_462 : vector<1x16xi32> to vector<16xi32>
      %shift_left3A_464 = arith.constant 16 : i32
      %shift_left3A_465 = vector.broadcast %shift_left3A_464 : i32 to vector<16xi32>
      %shift_left3A_466 = arith.shli %get3A_463, %shift_left3A_465 : vector<16xi32>
      %bitcast_convert_type3A_467 = tpu.bitcast %shift_left3A_466 : vector<16xi32> -> vector<16xf32>
      %and3A_468 = arith.constant -65536 : i32
      %and3A_469 = vector.broadcast %and3A_468 : i32 to vector<16xi32>
      %and3A_470 = arith.andi %get3A_463, %and3A_469 : vector<16xi32>
      %bitcast_convert_type3A_471 = tpu.bitcast %and3A_470 : vector<16xi32> -> vector<16xf32>
      %swap3A_472 = arith.index_cast %add3A_393 : i32 to index
      %swap3A_473 = arith.constant 48 : index
      %swap3A_474 = tpu.vector_load %arg13[%swap3A_472, %swap3A_473] {strides = array<i32>} : memref<120x128xf32, #tpu.memory_space<vmem>>, vector<1x16xf32>,
      %swap3A_475 = vector.shape_cast %swap3A_474 : vector<1x16xf32> to vector<16xf32>
      %swap3A_476 = vector.shape_cast %bitcast_convert_type3A_467 : vector<16xf32> to vector<1x16xf32>
      tpu.vector_store %arg13[%swap3A_472, %swap3A_473], %swap3A_476 {strides = array<i32>} : memref<120x128xf32, #tpu.memory_space<vmem>>, vector<1x16xf32>,
      %swap3A_477 = arith.index_cast %add3A_393 : i32 to index
      %swap3A_478 = arith.constant 112 : index
      %swap3A_479 = tpu.vector_load %arg13[%swap3A_477, %swap3A_478] {strides = array<i32>} : memref<120x128xf32, #tpu.memory_space<vmem>>, vector<1x16xf32>,
      %swap3A_480 = vector.shape_cast %swap3A_479 : vector<1x16xf32> to vector<16xf32>
      %swap3A_481 = vector.shape_cast %bitcast_convert_type3A_471 : vector<16xf32> to vector<1x16xf32>
      tpu.vector_store %arg13[%swap3A_477, %swap3A_478], %swap3A_481 {strides = array<i32>} : memref<120x128xf32, #tpu.memory_space<vmem>>, vector<1x16xf32>,
      %mul3A_482 = arith.constant 4 : i32
      %mul3A_483 = arith.muli %mul3A_482, %scan3A_209 : i32
      %add3A_484 = arith.constant 3 : i32
      %add3A_485 = arith.addi %mul3A_483, %add3A_484 : i32
      %get3A_486 = arith.index_cast %add3A_485 : i32 to index
      %get3A_487 = arith.constant 0 : index
      %get3A_488 = tpu.vector_load %arg11[%get3A_486, %get3A_487] {strides = array<i32>} : memref<120x64xi32, #tpu.memory_space<vmem>>, vector<1x16xi32>,
      %get3A_489 = vector.shape_cast %get3A_488 : vector<1x16xi32> to vector<16xi32>
      %shift_left3A_490 = arith.constant 16 : i32
      %shift_left3A_491 = vector.broadcast %shift_left3A_490 : i32 to vector<16xi32>
      %shift_left3A_492 = arith.shli %get3A_489, %shift_left3A_491 : vector<16xi32>
      %bitcast_convert_type3A_493 = tpu.bitcast %shift_left3A_492 : vector<16xi32> -> vector<16xf32>
      %and3A_494 = arith.constant -65536 : i32
      %and3A_495 = vector.broadcast %and3A_494 : i32 to vector<16xi32>
      %and3A_496 = arith.andi %get3A_489, %and3A_495 : vector<16xi32>
      %bitcast_convert_type3A_497 = tpu.bitcast %and3A_496 : vector<16xi32> -> vector<16xf32>
      %swap3A_498 = arith.index_cast %add3A_485 : i32 to index
      %swap3A_499 = arith.constant 0 : index
      %swap3A_500 = tpu.vector_load %arg13[%swap3A_498, %swap3A_499] {strides = array<i32>} : memref<120x128xf32, #tpu.memory_space<vmem>>, vector<1x16xf32>,
      %swap3A_501 = vector.shape_cast %swap3A_500 : vector<1x16xf32> to vector<16xf32>
      %swap3A_502 = vector.shape_cast %bitcast_convert_type3A_493 : vector<16xf32> to vector<1x16xf32>
      tpu.vector_store %arg13[%swap3A_498, %swap3A_499], %swap3A_502 {strides = array<i32>} : memref<120x128xf32, #tpu.memory_space<vmem>>, vector<1x16xf32>,
      %swap3A_503 = arith.index_cast %add3A_485 : i32 to index
      %swap3A_504 = arith.constant 64 : index
      %swap3A_505 = tpu.vector_load %arg13[%swap3A_503, %swap3A_504] {strides = array<i32>} : memref<120x128xf32, #tpu.memory_space<vmem>>, vector<1x16xf32>,
      %swap3A_506 = vector.shape_cast %swap3A_505 : vector<1x16xf32> to vector<16xf32>
      %swap3A_507 = vector.shape_cast %bitcast_convert_type3A_497 : vector<16xf32> to vector<1x16xf32>
      tpu.vector_store %arg13[%swap3A_503, %swap3A_504], %swap3A_507 {strides = array<i32>} : memref<120x128xf32, #tpu.memory_space<vmem>>, vector<1x16xf32>,
      %get3A_508 = arith.index_cast %add3A_485 : i32 to index
      %get3A_509 = arith.constant 16 : index
      %get3A_510 = tpu.vector_load %arg11[%get3A_508, %get3A_509] {strides = array<i32>} : memref<120x64xi32, #tpu.memory_space<vmem>>, vector<1x16xi32>,
      %get3A_511 = vector.shape_cast %get3A_510 : vector<1x16xi32> to vector<16xi32>
      %shift_left3A_512 = arith.constant 16 : i32
      %shift_left3A_513 = vector.broadcast %shift_left3A_512 : i32 to vector<16xi32>
      %shift_left3A_514 = arith.shli %get3A_511, %shift_left3A_513 : vector<16xi32>
      %bitcast_convert_type3A_515 = tpu.bitcast %shift_left3A_514 : vector<16xi32> -> vector<16xf32>
      %and3A_516 = arith.constant -65536 : i32
      %and3A_517 = vector.broadcast %and3A_516 : i32 to vector<16xi32>
      %and3A_518 = arith.andi %get3A_511, %and3A_517 : vector<16xi32>
      %bitcast_convert_type3A_519 = tpu.bitcast %and3A_518 : vector<16xi32> -> vector<16xf32>
      %swap3A_520 = arith.index_cast %add3A_485 : i32 to index
      %swap3A_521 = arith.constant 16 : index
      %swap3A_522 = tpu.vector_load %arg13[%swap3A_520, %swap3A_521] {strides = array<i32>} : memref<120x128xf32, #tpu.memory_space<vmem>>, vector<1x16xf32>,
      %swap3A_523 = vector.shape_cast %swap3A_522 : vector<1x16xf32> to vector<16xf32>
      %swap3A_524 = vector.shape_cast %bitcast_convert_type3A_515 : vector<16xf32> to vector<1x16xf32>
      tpu.vector_store %arg13[%swap3A_520, %swap3A_521], %swap3A_524 {strides = array<i32>} : memref<120x128xf32, #tpu.memory_space<vmem>>, vector<1x16xf32>,
      %swap3A_525 = arith.index_cast %add3A_485 : i32 to index
      %swap3A_526 = arith.constant 80 : index
      %swap3A_527 = tpu.vector_load %arg13[%swap3A_525, %swap3A_526] {strides = array<i32>} : memref<120x128xf32, #tpu.memory_space<vmem>>, vector<1x16xf32>,
      %swap3A_528 = vector.shape_cast %swap3A_527 : vector<1x16xf32> to vector<16xf32>
      %swap3A_529 = vector.shape_cast %bitcast_convert_type3A_519 : vector<16xf32> to vector<1x16xf32>
      tpu.vector_store %arg13[%swap3A_525, %swap3A_526], %swap3A_529 {strides = array<i32>} : memref<120x128xf32, #tpu.memory_space<vmem>>, vector<1x16xf32>,
      %get3A_530 = arith.index_cast %add3A_485 : i32 to index
      %get3A_531 = arith.constant 32 : index
      %get3A_532 = tpu.vector_load %arg11[%get3A_530, %get3A_531] {strides = array<i32>} : memref<120x64xi32, #tpu.memory_space<vmem>>, vector<1x16xi32>,
      %get3A_533 = vector.shape_cast %get3A_532 : vector<1x16xi32> to vector<16xi32>
      %shift_left3A_534 = arith.constant 16 : i32
      %shift_left3A_535 = vector.broadcast %shift_left3A_534 : i32 to vector<16xi32>
      %shift_left3A_536 = arith.shli %get3A_533, %shift_left3A_535 : vector<16xi32>
      %bitcast_convert_type3A_537 = tpu.bitcast %shift_left3A_536 : vector<16xi32> -> vector<16xf32>
      %and3A_538 = arith.constant -65536 : i32
      %and3A_539 = vector.broadcast %and3A_538 : i32 to vector<16xi32>
      %and3A_540 = arith.andi %get3A_533, %and3A_539 : vector<16xi32>
      %bitcast_convert_type3A_541 = tpu.bitcast %and3A_540 : vector<16xi32> -> vector<16xf32>
      %swap3A_542 = arith.index_cast %add3A_485 : i32 to index
      %swap3A_543 = arith.constant 32 : index
      %swap3A_544 = tpu.vector_load %arg13[%swap3A_542, %swap3A_543] {strides = array<i32>} : memref<120x128xf32, #tpu.memory_space<vmem>>, vector<1x16xf32>,
      %swap3A_545 = vector.shape_cast %swap3A_544 : vector<1x16xf32> to vector<16xf32>
      %swap3A_546 = vector.shape_cast %bitcast_convert_type3A_537 : vector<16xf32> to vector<1x16xf32>
      tpu.vector_store %arg13[%swap3A_542, %swap3A_543], %swap3A_546 {strides = array<i32>} : memref<120x128xf32, #tpu.memory_space<vmem>>, vector<1x16xf32>,
      %swap3A_547 = arith.index_cast %add3A_485 : i32 to index
      %swap3A_548 = arith.constant 96 : index
      %swap3A_549 = tpu.vector_load %arg13[%swap3A_547, %swap3A_548] {strides = array<i32>} : memref<120x128xf32, #tpu.memory_space<vmem>>, vector<1x16xf32>,
      %swap3A_550 = vector.shape_cast %swap3A_549 : vector<1x16xf32> to vector<16xf32>
      %swap3A_551 = vector.shape_cast %bitcast_convert_type3A_541 : vector<16xf32> to vector<1x16xf32>
      tpu.vector_store %arg13[%swap3A_547, %swap3A_548], %swap3A_551 {strides = array<i32>} : memref<120x128xf32, #tpu.memory_space<vmem>>, vector<1x16xf32>,
      %get3A_552 = arith.index_cast %add3A_485 : i32 to index
      %get3A_553 = arith.constant 48 : index
      %get3A_554 = tpu.vector_load %arg11[%get3A_552, %get3A_553] {strides = array<i32>} : memref<120x64xi32, #tpu.memory_space<vmem>>, vector<1x16xi32>,
      %get3A_555 = vector.shape_cast %get3A_554 : vector<1x16xi32> to vector<16xi32>
      %shift_left3A_556 = arith.constant 16 : i32
      %shift_left3A_557 = vector.broadcast %shift_left3A_556 : i32 to vector<16xi32>
      %shift_left3A_558 = arith.shli %get3A_555, %shift_left3A_557 : vector<16xi32>
      %bitcast_convert_type3A_559 = tpu.bitcast %shift_left3A_558 : vector<16xi32> -> vector<16xf32>
      %and3A_560 = arith.constant -65536 : i32
      %and3A_561 = vector.broadcast %and3A_560 : i32 to vector<16xi32>
      %and3A_562 = arith.andi %get3A_555, %and3A_561 : vector<16xi32>
      %bitcast_convert_type3A_563 = tpu.bitcast %and3A_562 : vector<16xi32> -> vector<16xf32>
      %swap3A_564 = arith.index_cast %add3A_485 : i32 to index
      %swap3A_565 = arith.constant 48 : index
      %swap3A_566 = tpu.vector_load %arg13[%swap3A_564, %swap3A_565] {strides = array<i32>} : memref<120x128xf32, #tpu.memory_space<vmem>>, vector<1x16xf32>,
      %swap3A_567 = vector.shape_cast %swap3A_566 : vector<1x16xf32> to vector<16xf32>
      %swap3A_568 = vector.shape_cast %bitcast_convert_type3A_559 : vector<16xf32> to vector<1x16xf32>
      tpu.vector_store %arg13[%swap3A_564, %swap3A_565], %swap3A_568 {strides = array<i32>} : memref<120x128xf32, #tpu.memory_space<vmem>>, vector<1x16xf32>,
      %swap3A_569 = arith.index_cast %add3A_485 : i32 to index
      %swap3A_570 = arith.constant 112 : index
      %swap3A_571 = tpu.vector_load %arg13[%swap3A_569, %swap3A_570] {strides = array<i32>} : memref<120x128xf32, #tpu.memory_space<vmem>>, vector<1x16xf32>,
      %swap3A_572 = vector.shape_cast %swap3A_571 : vector<1x16xf32> to vector<16xf32>
      %swap3A_573 = vector.shape_cast %bitcast_convert_type3A_563 : vector<16xf32> to vector<1x16xf32>
      tpu.vector_store %arg13[%swap3A_569, %swap3A_570], %swap3A_573 {strides = array<i32>} : memref<120x128xf32, #tpu.memory_space<vmem>>, vector<1x16xf32>,
      %scan3A_574 = arith.constant 0 : i32
      scf.yield %scan3A_574 : i32
    }
    %scan3A_153 = arith.constant 30 : i32
    %dma_wait3A_154 = arith.constant 0 : i32
    %dma_wait3A_155 = arith.constant 0 : i32
    %dma_wait3A_156 = arith.constant 0 : i32
    %dma_wait3A_157 = arith.constant 0 : i32
    %dma_wait3A_158 = tpu.memref_slice %arg3[%dma_wait3A_154, %dma_wait3A_155, %dma_wait3A_156, %dma_wait3A_157] : memref<2x16x84x120xi32, #tpu.memory_space<hbm>> -> memref<1x1x1x120xi32, #tpu.memory_space<hbm>>
    %dma_wait3A_159 = tpu.memref_squeeze %dma_wait3A_158 : memref<1x1x1x120xi32, #tpu.memory_space<hbm>> -> memref<1x120xi32, #tpu.memory_space<hbm>>
    %dma_wait3A_160 = arith.constant 0 : i32
    %dma_wait3A_161 = arith.constant 0 : i32
    %dma_wait3A_162 = tpu.memref_slice %arg3[%dma_wait3A_154, %dma_wait3A_155, %dma_wait3A_160, %dma_wait3A_161] : memref<2x16x84x120xi32, #tpu.memory_space<hbm>> -> memref<1x1x1x120xi32, #tpu.memory_space<hbm>>
    %dma_wait3A_163 = tpu.memref_squeeze %dma_wait3A_162 : memref<1x1x1x120xi32, #tpu.memory_space<hbm>> -> memref<1x120xi32, #tpu.memory_space<hbm>>
    tpu.wait_dma2 semaphore(%arg18 : memref<!tpu.dma_semaphore, #tpu.memory_space<semaphore_mem>>) src(%dma_wait3A_163 : memref<1x120xi32, #tpu.memory_space<hbm>>) dst(%arg7 : memref<1x120xi32, #tpu.memory_space<vmem>>)
    %dma_start3A_164 = arith.constant 0 : i32
    %dma_start3A_165 = arith.constant 0 : i32
    %dma_start3A_166 = tpu.memref_slice %arg7[%dma_start3A_164, %dma_start3A_165] : memref<1x120xi32, #tpu.memory_space<vmem>> -> memref<1x120xi32, #tpu.memory_space<vmem>>
    %dma_start3A_167 = tpu.memref_squeeze %dma_start3A_166 : memref<1x120xi32, #tpu.memory_space<vmem>> -> memref<120xi32, #tpu.memory_space<vmem>>
    %dma_start3A_168 = arith.constant 0 : i32
    %dma_start3A_169 = arith.constant 0 : i32
    %dma_start3A_170 = tpu.memref_slice %arg2[%dma_start3A_168, %dma_start3A_169] : memref<20480x64xi32, #tpu.memory_space<hbm>> -> memref<20480x64xi32, #tpu.memory_space<hbm>>
    tpu.enqueue_indirect_dma source(%dma_start3A_170 : memref<20480x64xi32, #tpu.memory_space<hbm>>) target(%arg11 : memref<120x64xi32, #tpu.memory_space<vmem>>) offsets(%dma_start3A_167 : memref<120xi32, #tpu.memory_space<vmem>>) semaphore(%arg15 : memref<!tpu.dma_semaphore, #tpu.memory_space<semaphore_mem>>)
    %dma_wait3A_171 = arith.constant 0 : i32
    %dma_wait3A_172 = arith.constant 0 : i32
    %dma_wait3A_173 = arith.constant 0 : i32
    %dma_wait3A_174 = tpu.memref_slice %arg4[%dma_wait3A_171, %dma_wait3A_172, %dma_wait3A_173] : memref<16x84x120xi32, #tpu.memory_space<hbm>> -> memref<1x1x120xi32, #tpu.memory_space<hbm>>
    %dma_wait3A_175 = tpu.memref_squeeze %dma_wait3A_174 : memref<1x1x120xi32, #tpu.memory_space<hbm>> -> memref<1x120xi32, #tpu.memory_space<hbm>>
    %dma_wait3A_176 = arith.constant 0 : i32
    %dma_wait3A_177 = arith.constant 0 : i32
    %dma_wait3A_178 = tpu.memref_slice %arg4[%dma_wait3A_171, %dma_wait3A_176, %dma_wait3A_177] : memref<16x84x120xi32, #tpu.memory_space<hbm>> -> memref<1x1x120xi32, #tpu.memory_space<hbm>>
    %dma_wait3A_179 = tpu.memref_squeeze %dma_wait3A_178 : memref<1x1x120xi32, #tpu.memory_space<hbm>> -> memref<1x120xi32, #tpu.memory_space<hbm>>
    tpu.wait_dma2 semaphore(%arg16 : memref<!tpu.dma_semaphore, #tpu.memory_space<semaphore_mem>>) src(%dma_wait3A_179 : memref<1x120xi32, #tpu.memory_space<hbm>>) dst(%arg9 : memref<1x120xi32, #tpu.memory_space<vmem>>)
    %dma_start3A_180 = arith.constant 0 : i32
    %dma_start3A_181 = arith.constant 0 : i32
    %dma_start3A_182 = tpu.memref_slice %arg9[%dma_start3A_180, %dma_start3A_181] : memref<1x120xi32, #tpu.memory_space<vmem>> -> memref<1x120xi32, #tpu.memory_space<vmem>>
    %dma_start3A_183 = tpu.memref_squeeze %dma_start3A_182 : memref<1x120xi32, #tpu.memory_space<vmem>> -> memref<120xi32, #tpu.memory_space<vmem>>
    %dma_start3A_184 = arith.constant 0 : i32
    %dma_start3A_185 = arith.constant 0 : i32
    %dma_start3A_186 = tpu.memref_slice %arg14[%dma_start3A_184, %dma_start3A_185] : memref<10240x128xf32, #tpu.memory_space<vmem_shared>> -> memref<10240x128xf32, #tpu.memory_space<vmem_shared>>
    tpu.enqueue_indirect_dma source(%arg13 : memref<120x128xf32, #tpu.memory_space<vmem>>) target(%dma_start3A_186 : memref<10240x128xf32, #tpu.memory_space<vmem_shared>>) offsets(%dma_start3A_183 : memref<120xi32, #tpu.memory_space<vmem>>) semaphore(%arg17 : memref<!tpu.dma_semaphore, #tpu.memory_space<semaphore_mem>>) {add = true}
    %scan3A_187 = arith.constant 0 : i32
    %scan3A_188 = arith.constant 0 : i32
    %scan3A_189 = arith.constant 41 : i32
    %scan3A_190 = arith.addi %scan3A_188, %scan3A_189 : i32
    %scan3A_191 = arith.constant 1 : i32
    %scan3A_192 = scf.for %scan3A_209 = %scan3A_188 to %scan3A_190 step %scan3A_191 iter_args(%scan3A_210 = %scan3A_187) -> (i32)  : i32 {
      %mul3A_211 = arith.constant 2 : i32
      %mul3A_212 = arith.muli %mul3A_211, %scan3A_209 : i32
      %add3A_213 = arith.constant 2 : i32
      %add3A_214 = arith.addi %mul3A_212, %add3A_213 : i32
      %dma_wait3A_215 = arith.constant 0 : i32
      %dma_wait3A_216 = arith.constant 0 : i32
      %dma_wait3A_217 = tpu.memref_slice %arg2[%dma_wait3A_215, %dma_wait3A_216] : memref<20480x64xi32, #tpu.memory_space<hbm>> -> memref<120x64xi32, #tpu.memory_space<hbm>>
      %dma_wait3A_218 = arith.constant 0 : i32
      %dma_wait3A_219 = arith.constant 0 : i32
      %dma_wait3A_220 = tpu.memref_slice %arg2[%dma_wait3A_218, %dma_wait3A_219] : memref<20480x64xi32, #tpu.memory_space<hbm>> -> memref<120x64xi32, #tpu.memory_space<hbm>>
      tpu.wait_dma2 semaphore(%arg15 : memref<!tpu.dma_semaphore, #tpu.memory_space<semaphore_mem>>) src(%dma_wait3A_220 : memref<120x64xi32, #tpu.memory_space<hbm>>) dst(%arg10 : memref<120x64xi32, #tpu.memory_space<vmem>>)
      %dma_wait3A_221 = arith.constant 0 : i32
      %dma_wait3A_222 = arith.constant 0 : i32
      %dma_wait3A_223 = tpu.memref_slice %arg14[%dma_wait3A_221, %dma_wait3A_222] : memref<10240x128xf32, #tpu.memory_space<vmem_shared>> -> memref<120x128xf32, #tpu.memory_space<vmem_shared>>
      %dma_wait3A_224 = arith.constant 0 : i32
      %dma_wait3A_225 = arith.constant 0 : i32
      %dma_wait3A_226 = tpu.memref_slice %arg14[%dma_wait3A_224, %dma_wait3A_225] : memref<10240x128xf32, #tpu.memory_space<vmem_shared>> -> memref<120x128xf32, #tpu.memory_space<vmem_shared>>
      tpu.wait_dma2 semaphore(%arg17 : memref<!tpu.dma_semaphore, #tpu.memory_space<semaphore_mem>>) src(%arg12 : memref<120x128xf32, #tpu.memory_space<vmem>>) dst(%dma_wait3A_226 : memref<120x128xf32, #tpu.memory_space<vmem_shared>>)
      %add3A_227 = arith.constant 2 : i32
      %add3A_228 = arith.addi %add3A_214, %add3A_227 : i32
      %lt3A = arith.constant 84 : i32
      %lt3A_229 = arith.cmpi slt, %add3A_228, %lt3A : i32
      %convert_element_type3A = arith.extui %lt3A_229 : i1 to i32
      %cond3A = arith.constant 0 : i32
      %cond3A_230 = arith.cmpi ne, %convert_element_type3A, %cond3A : i32
      scf.if %cond3A_230 {
        %add3A_325 = arith.constant 2 : i32
        %add3A_326 = arith.addi %add3A_214, %add3A_325 : i32
        %dma_start3A_327 = arith.constant 0 : i32
        %dma_start3A_328 = tpu.memref_slice %arg3[%arg0, %arg1, %add3A_326, %dma_start3A_327] : memref<2x16x84x120xi32, #tpu.memory_space<hbm>> -> memref<1x1x1x120xi32, #tpu.memory_space<hbm>>
        %dma_start3A_329 = tpu.memref_squeeze %dma_start3A_328 : memref<1x1x1x120xi32, #tpu.memory_space<hbm>> -> memref<1x120xi32, #tpu.memory_space<hbm>>
        %dma_start3A_330 = arith.constant 0 : i32
        %dma_start3A_331 = tpu.memref_slice %arg3[%arg0, %arg1, %add3A_326, %dma_start3A_330] : memref<2x16x84x120xi32, #tpu.memory_space<hbm>> -> memref<1x1x1x120xi32, #tpu.memory_space<hbm>>
        %dma_start3A_332 = tpu.memref_squeeze %dma_start3A_331 : memref<1x1x1x120xi32, #tpu.memory_space<hbm>> -> memref<1x120xi32, #tpu.memory_space<hbm>>
        tpu.enqueue_dma source(%dma_start3A_332 : memref<1x120xi32, #tpu.memory_space<hbm>>) target(%arg6 : memref<1x120xi32, #tpu.memory_space<vmem>>) target_semaphore(%arg18 : memref<!tpu.dma_semaphore, #tpu.memory_space<semaphore_mem>>)
      } else {
      }
      %dma_start3A_231 = arith.constant 0 : i32
      %dma_start3A_232 = tpu.memref_slice %arg4[%arg1, %add3A_214, %dma_start3A_231] : memref<16x84x120xi32, #tpu.memory_space<hbm>> -> memref<1x1x120xi32, #tpu.memory_space<hbm>>
      %dma_start3A_233 = tpu.memref_squeeze %dma_start3A_232 : memref<1x1x120xi32, #tpu.memory_space<hbm>> -> memref<1x120xi32, #tpu.memory_space<hbm>>
      %dma_start3A_234 = arith.constant 0 : i32
      %dma_start3A_235 = tpu.memref_slice %arg4[%arg1, %add3A_214, %dma_start3A_234] : memref<16x84x120xi32, #tpu.memory_space<hbm>> -> memref<1x1x120xi32, #tpu.memory_space<hbm>>
      %dma_start3A_236 = tpu.memref_squeeze %dma_start3A_235 : memref<1x1x120xi32, #tpu.memory_space<hbm>> -> memref<1x120xi32, #tpu.memory_space<hbm>>
      tpu.enqueue_dma source(%dma_start3A_236 : memref<1x120xi32, #tpu.memory_space<hbm>>) target(%arg8 : memref<1x120xi32, #tpu.memory_space<vmem>>) target_semaphore(%arg16 : memref<!tpu.dma_semaphore, #tpu.memory_space<semaphore_mem>>)
      %scan3A_237 = arith.constant 0 : i32
      %scan3A_238 = arith.constant 0 : i32
      %scan3A_239 = arith.constant 30 : i32
      %scan3A_240 = arith.addi %scan3A_238, %scan3A_239 : i32
      %scan3A_241 = arith.constant 1 : i32
      %scan3A_242 = scf.for %scan3A_325 = %scan3A_238 to %scan3A_240 step %scan3A_241 iter_args(%scan3A_326 = %scan3A_237) -> (i32)  : i32 {
        %mul3A_327 = arith.constant 4 : i32
        %mul3A_328 = arith.muli %mul3A_327, %scan3A_325 : i32
        %add3A_329 = arith.constant 0 : i32
        %add3A_330 = arith.addi %mul3A_328, %add3A_329 : i32
        %get3A = arith.index_cast %add3A_330 : i32 to index
        %get3A_331 = arith.constant 0 : index
        %get3A_332 = tpu.vector_load %arg10[%get3A, %get3A_331] {strides = array<i32>} : memref<120x64xi32, #tpu.memory_space<vmem>>, vector<1x16xi32>,
        %get3A_333 = vector.shape_cast %get3A_332 : vector<1x16xi32> to vector<16xi32>
        %shift_left3A = arith.constant 16 : i32
        %shift_left3A_334 = vector.broadcast %shift_left3A : i32 to vector<16xi32>
        %shift_left3A_335 = arith.shli %get3A_333, %shift_left3A_334 : vector<16xi32>
        %bitcast_convert_type3A = tpu.bitcast %shift_left3A_335 : vector<16xi32> -> vector<16xf32>
        %and3A = arith.constant -65536 : i32
        %and3A_336 = vector.broadcast %and3A : i32 to vector<16xi32>
        %and3A_337 = arith.andi %get3A_333, %and3A_336 : vector<16xi32>
        %bitcast_convert_type3A_338 = tpu.bitcast %and3A_337 : vector<16xi32> -> vector<16xf32>
        %swap3A = arith.index_cast %add3A_330 : i32 to index
        %swap3A_339 = arith.constant 0 : index
        %swap3A_340 = tpu.vector_load %arg12[%swap3A, %swap3A_339] {strides = array<i32>} : memref<120x128xf32, #tpu.memory_space<vmem>>, vector<1x16xf32>,
        %swap3A_341 = vector.shape_cast %swap3A_340 : vector<1x16xf32> to vector<16xf32>
        %swap3A_342 = vector.shape_cast %bitcast_convert_type3A : vector<16xf32> to vector<1x16xf32>
        tpu.vector_store %arg12[%swap3A, %swap3A_339], %swap3A_342 {strides = array<i32>} : memref<120x128xf32, #tpu.memory_space<vmem>>, vector<1x16xf32>,
        %swap3A_343 = arith.index_cast %add3A_330 : i32 to index
        %swap3A_344 = arith.constant 64 : index
        %swap3A_345 = tpu.vector_load %arg12[%swap3A_343, %swap3A_344] {strides = array<i32>} : memref<120x128xf32, #tpu.memory_space<vmem>>, vector<1x16xf32>,
        %swap3A_346 = vector.shape_cast %swap3A_345 : vector<1x16xf32> to vector<16xf32>
        %swap3A_347 = vector.shape_cast %bitcast_convert_type3A_338 : vector<16xf32> to vector<1x16xf32>
        tpu.vector_store %arg12[%swap3A_343, %swap3A_344], %swap3A_347 {strides = array<i32>} : memref<120x128xf32, #tpu.memory_space<vmem>>, vector<1x16xf32>,
        %get3A_348 = arith.index_cast %add3A_330 : i32 to index
        %get3A_349 = arith.constant 16 : index
        %get3A_350 = tpu.vector_load %arg10[%get3A_348, %get3A_349] {strides = array<i32>} : memref<120x64xi32, #tpu.memory_space<vmem>>, vector<1x16xi32>,
        %get3A_351 = vector.shape_cast %get3A_350 : vector<1x16xi32> to vector<16xi32>
        %shift_left3A_352 = arith.constant 16 : i32
        %shift_left3A_353 = vector.broadcast %shift_left3A_352 : i32 to vector<16xi32>
        %shift_left3A_354 = arith.shli %get3A_351, %shift_left3A_353 : vector<16xi32>
        %bitcast_convert_type3A_355 = tpu.bitcast %shift_left3A_354 : vector<16xi32> -> vector<16xf32>
        %and3A_356 = arith.constant -65536 : i32
        %and3A_357 = vector.broadcast %and3A_356 : i32 to vector<16xi32>
        %and3A_358 = arith.andi %get3A_351, %and3A_357 : vector<16xi32>
        %bitcast_convert_type3A_359 = tpu.bitcast %and3A_358 : vector<16xi32> -> vector<16xf32>
        %swap3A_360 = arith.index_cast %add3A_330 : i32 to index
        %swap3A_361 = arith.constant 16 : index
        %swap3A_362 = tpu.vector_load %arg12[%swap3A_360, %swap3A_361] {strides = array<i32>} : memref<120x128xf32, #tpu.memory_space<vmem>>, vector<1x16xf32>,
        %swap3A_363 = vector.shape_cast %swap3A_362 : vector<1x16xf32> to vector<16xf32>
        %swap3A_364 = vector.shape_cast %bitcast_convert_type3A_355 : vector<16xf32> to vector<1x16xf32>
        tpu.vector_store %arg12[%swap3A_360, %swap3A_361], %swap3A_364 {strides = array<i32>} : memref<120x128xf32, #tpu.memory_space<vmem>>, vector<1x16xf32>,
        %swap3A_365 = arith.index_cast %add3A_330 : i32 to index
        %swap3A_366 = arith.constant 80 : index
        %swap3A_367 = tpu.vector_load %arg12[%swap3A_365, %swap3A_366] {strides = array<i32>} : memref<120x128xf32, #tpu.memory_space<vmem>>, vector<1x16xf32>,
        %swap3A_368 = vector.shape_cast %swap3A_367 : vector<1x16xf32> to vector<16xf32>
        %swap3A_369 = vector.shape_cast %bitcast_convert_type3A_359 : vector<16xf32> to vector<1x16xf32>
        tpu.vector_store %arg12[%swap3A_365, %swap3A_366], %swap3A_369 {strides = array<i32>} : memref<120x128xf32, #tpu.memory_space<vmem>>, vector<1x16xf32>,
        %get3A_370 = arith.index_cast %add3A_330 : i32 to index
        %get3A_371 = arith.constant 32 : index
        %get3A_372 = tpu.vector_load %arg10[%get3A_370, %get3A_371] {strides = array<i32>} : memref<120x64xi32, #tpu.memory_space<vmem>>, vector<1x16xi32>,
        %get3A_373 = vector.shape_cast %get3A_372 : vector<1x16xi32> to vector<16xi32>
        %shift_left3A_374 = arith.constant 16 : i32
        %shift_left3A_375 = vector.broadcast %shift_left3A_374 : i32 to vector<16xi32>
        %shift_left3A_376 = arith.shli %get3A_373, %shift_left3A_375 : vector<16xi32>
        %bitcast_convert_type3A_377 = tpu.bitcast %shift_left3A_376 : vector<16xi32> -> vector<16xf32>
        %and3A_378 = arith.constant -65536 : i32
        %and3A_379 = vector.broadcast %and3A_378 : i32 to vector<16xi32>
        %and3A_380 = arith.andi %get3A_373, %and3A_379 : vector<16xi32>
        %bitcast_convert_type3A_381 = tpu.bitcast %and3A_380 : vector<16xi32> -> vector<16xf32>
        %swap3A_382 = arith.index_cast %add3A_330 : i32 to index
        %swap3A_383 = arith.constant 32 : index
        %swap3A_384 = tpu.vector_load %arg12[%swap3A_382, %swap3A_383] {strides = array<i32>} : memref<120x128xf32, #tpu.memory_space<vmem>>, vector<1x16xf32>,
        %swap3A_385 = vector.shape_cast %swap3A_384 : vector<1x16xf32> to vector<16xf32>
        %swap3A_386 = vector.shape_cast %bitcast_convert_type3A_377 : vector<16xf32> to vector<1x16xf32>
        tpu.vector_store %arg12[%swap3A_382, %swap3A_383], %swap3A_386 {strides = array<i32>} : memref<120x128xf32, #tpu.memory_space<vmem>>, vector<1x16xf32>,
        %swap3A_387 = arith.index_cast %add3A_330 : i32 to index
        %swap3A_388 = arith.constant 96 : index
        %swap3A_389 = tpu.vector_load %arg12[%swap3A_387, %swap3A_388] {strides = array<i32>} : memref<120x128xf32, #tpu.memory_space<vmem>>, vector<1x16xf32>,
        %swap3A_390 = vector.shape_cast %swap3A_389 : vector<1x16xf32> to vector<16xf32>
        %swap3A_391 = vector.shape_cast %bitcast_convert_type3A_381 : vector<16xf32> to vector<1x16xf32>
        tpu.vector_store %arg12[%swap3A_387, %swap3A_388], %swap3A_391 {strides = array<i32>} : memref<120x128xf32, #tpu.memory_space<vmem>>, vector<1x16xf32>,
        %get3A_392 = arith.index_cast %add3A_330 : i32 to index
        %get3A_393 = arith.constant 48 : index
        %get3A_394 = tpu.vector_load %arg10[%get3A_392, %get3A_393] {strides = array<i32>} : memref<120x64xi32, #tpu.memory_space<vmem>>, vector<1x16xi32>,
        %get3A_395 = vector.shape_cast %get3A_394 : vector<1x16xi32> to vector<16xi32>
        %shift_left3A_396 = arith.constant 16 : i32
        %shift_left3A_397 = vector.broadcast %shift_left3A_396 : i32 to vector<16xi32>
        %shift_left3A_398 = arith.shli %get3A_395, %shift_left3A_397 : vector<16xi32>
        %bitcast_convert_type3A_399 = tpu.bitcast %shift_left3A_398 : vector<16xi32> -> vector<16xf32>
        %and3A_400 = arith.constant -65536 : i32
        %and3A_401 = vector.broadcast %and3A_400 : i32 to vector<16xi32>
        %and3A_402 = arith.andi %get3A_395, %and3A_401 : vector<16xi32>
        %bitcast_convert_type3A_403 = tpu.bitcast %and3A_402 : vector<16xi32> -> vector<16xf32>
        %swap3A_404 = arith.index_cast %add3A_330 : i32 to index
        %swap3A_405 = arith.constant 48 : index
        %swap3A_406 = tpu.vector_load %arg12[%swap3A_404, %swap3A_405] {strides = array<i32>} : memref<120x128xf32, #tpu.memory_space<vmem>>, vector<1x16xf32>,
        %swap3A_407 = vector.shape_cast %swap3A_406 : vector<1x16xf32> to vector<16xf32>
        %swap3A_408 = vector.shape_cast %bitcast_convert_type3A_399 : vector<16xf32> to vector<1x16xf32>
        tpu.vector_store %arg12[%swap3A_404, %swap3A_405], %swap3A_408 {strides = array<i32>} : memref<120x128xf32, #tpu.memory_space<vmem>>, vector<1x16xf32>,
        %swap3A_409 = arith.index_cast %add3A_330 : i32 to index
        %swap3A_410 = arith.constant 112 : index
        %swap3A_411 = tpu.vector_load %arg12[%swap3A_409, %swap3A_410] {strides = array<i32>} : memref<120x128xf32, #tpu.memory_space<vmem>>, vector<1x16xf32>,
        %swap3A_412 = vector.shape_cast %swap3A_411 : vector<1x16xf32> to vector<16xf32>
        %swap3A_413 = vector.shape_cast %bitcast_convert_type3A_403 : vector<16xf32> to vector<1x16xf32>
        tpu.vector_store %arg12[%swap3A_409, %swap3A_410], %swap3A_413 {strides = array<i32>} : memref<120x128xf32, #tpu.memory_space<vmem>>, vector<1x16xf32>,
        %mul3A_414 = arith.constant 4 : i32
        %mul3A_415 = arith.muli %mul3A_414, %scan3A_325 : i32
        %add3A_416 = arith.constant 1 : i32
        %add3A_417 = arith.addi %mul3A_415, %add3A_416 : i32
        %get3A_418 = arith.index_cast %add3A_417 : i32 to index
        %get3A_419 = arith.constant 0 : index
        %get3A_420 = tpu.vector_load %arg10[%get3A_418, %get3A_419] {strides = array<i32>} : memref<120x64xi32, #tpu.memory_space<vmem>>, vector<1x16xi32>,
        %get3A_421 = vector.shape_cast %get3A_420 : vector<1x16xi32> to vector<16xi32>
        %shift_left3A_422 = arith.constant 16 : i32
        %shift_left3A_423 = vector.broadcast %shift_left3A_422 : i32 to vector<16xi32>
        %shift_left3A_424 = arith.shli %get3A_421, %shift_left3A_423 : vector<16xi32>
        %bitcast_convert_type3A_425 = tpu.bitcast %shift_left3A_424 : vector<16xi32> -> vector<16xf32>
        %and3A_426 = arith.constant -65536 : i32
        %and3A_427 = vector.broadcast %and3A_426 : i32 to vector<16xi32>
        %and3A_428 = arith.andi %get3A_421, %and3A_427 : vector<16xi32>
        %bitcast_convert_type3A_429 = tpu.bitcast %and3A_428 : vector<16xi32> -> vector<16xf32>
        %swap3A_430 = arith.index_cast %add3A_417 : i32 to index
        %swap3A_431 = arith.constant 0 : index
        %swap3A_432 = tpu.vector_load %arg12[%swap3A_430, %swap3A_431] {strides = array<i32>} : memref<120x128xf32, #tpu.memory_space<vmem>>, vector<1x16xf32>,
        %swap3A_433 = vector.shape_cast %swap3A_432 : vector<1x16xf32> to vector<16xf32>
        %swap3A_434 = vector.shape_cast %bitcast_convert_type3A_425 : vector<16xf32> to vector<1x16xf32>
        tpu.vector_store %arg12[%swap3A_430, %swap3A_431], %swap3A_434 {strides = array<i32>} : memref<120x128xf32, #tpu.memory_space<vmem>>, vector<1x16xf32>,
        %swap3A_435 = arith.index_cast %add3A_417 : i32 to index
        %swap3A_436 = arith.constant 64 : index
        %swap3A_437 = tpu.vector_load %arg12[%swap3A_435, %swap3A_436] {strides = array<i32>} : memref<120x128xf32, #tpu.memory_space<vmem>>, vector<1x16xf32>,
        %swap3A_438 = vector.shape_cast %swap3A_437 : vector<1x16xf32> to vector<16xf32>
        %swap3A_439 = vector.shape_cast %bitcast_convert_type3A_429 : vector<16xf32> to vector<1x16xf32>
        tpu.vector_store %arg12[%swap3A_435, %swap3A_436], %swap3A_439 {strides = array<i32>} : memref<120x128xf32, #tpu.memory_space<vmem>>, vector<1x16xf32>,
        %get3A_440 = arith.index_cast %add3A_417 : i32 to index
        %get3A_441 = arith.constant 16 : index
        %get3A_442 = tpu.vector_load %arg10[%get3A_440, %get3A_441] {strides = array<i32>} : memref<120x64xi32, #tpu.memory_space<vmem>>, vector<1x16xi32>,
        %get3A_443 = vector.shape_cast %get3A_442 : vector<1x16xi32> to vector<16xi32>
        %shift_left3A_444 = arith.constant 16 : i32
        %shift_left3A_445 = vector.broadcast %shift_left3A_444 : i32 to vector<16xi32>
        %shift_left3A_446 = arith.shli %get3A_443, %shift_left3A_445 : vector<16xi32>
        %bitcast_convert_type3A_447 = tpu.bitcast %shift_left3A_446 : vector<16xi32> -> vector<16xf32>
        %and3A_448 = arith.constant -65536 : i32
        %and3A_449 = vector.broadcast %and3A_448 : i32 to vector<16xi32>
        %and3A_450 = arith.andi %get3A_443, %and3A_449 : vector<16xi32>
        %bitcast_convert_type3A_451 = tpu.bitcast %and3A_450 : vector<16xi32> -> vector<16xf32>
        %swap3A_452 = arith.index_cast %add3A_417 : i32 to index
        %swap3A_453 = arith.constant 16 : index
        %swap3A_454 = tpu.vector_load %arg12[%swap3A_452, %swap3A_453] {strides = array<i32>} : memref<120x128xf32, #tpu.memory_space<vmem>>, vector<1x16xf32>,
        %swap3A_455 = vector.shape_cast %swap3A_454 : vector<1x16xf32> to vector<16xf32>
        %swap3A_456 = vector.shape_cast %bitcast_convert_type3A_447 : vector<16xf32> to vector<1x16xf32>
        tpu.vector_store %arg12[%swap3A_452, %swap3A_453], %swap3A_456 {strides = array<i32>} : memref<120x128xf32, #tpu.memory_space<vmem>>, vector<1x16xf32>,
        %swap3A_457 = arith.index_cast %add3A_417 : i32 to index
        %swap3A_458 = arith.constant 80 : index
        %swap3A_459 = tpu.vector_load %arg12[%swap3A_457, %swap3A_458] {strides = array<i32>} : memref<120x128xf32, #tpu.memory_space<vmem>>, vector<1x16xf32>,
        %swap3A_460 = vector.shape_cast %swap3A_459 : vector<1x16xf32> to vector<16xf32>
        %swap3A_461 = vector.shape_cast %bitcast_convert_type3A_451 : vector<16xf32> to vector<1x16xf32>
        tpu.vector_store %arg12[%swap3A_457, %swap3A_458], %swap3A_461 {strides = array<i32>} : memref<120x128xf32, #tpu.memory_space<vmem>>, vector<1x16xf32>,
        %get3A_462 = arith.index_cast %add3A_417 : i32 to index
        %get3A_463 = arith.constant 32 : index
        %get3A_464 = tpu.vector_load %arg10[%get3A_462, %get3A_463] {strides = array<i32>} : memref<120x64xi32, #tpu.memory_space<vmem>>, vector<1x16xi32>,
        %get3A_465 = vector.shape_cast %get3A_464 : vector<1x16xi32> to vector<16xi32>
        %shift_left3A_466 = arith.constant 16 : i32
        %shift_left3A_467 = vector.broadcast %shift_left3A_466 : i32 to vector<16xi32>
        %shift_left3A_468 = arith.shli %get3A_465, %shift_left3A_467 : vector<16xi32>
        %bitcast_convert_type3A_469 = tpu.bitcast %shift_left3A_468 : vector<16xi32> -> vector<16xf32>
        %and3A_470 = arith.constant -65536 : i32
        %and3A_471 = vector.broadcast %and3A_470 : i32 to vector<16xi32>
        %and3A_472 = arith.andi %get3A_465, %and3A_471 : vector<16xi32>
        %bitcast_convert_type3A_473 = tpu.bitcast %and3A_472 : vector<16xi32> -> vector<16xf32>
        %swap3A_474 = arith.index_cast %add3A_417 : i32 to index
        %swap3A_475 = arith.constant 32 : index
        %swap3A_476 = tpu.vector_load %arg12[%swap3A_474, %swap3A_475] {strides = array<i32>} : memref<120x128xf32, #tpu.memory_space<vmem>>, vector<1x16xf32>,
        %swap3A_477 = vector.shape_cast %swap3A_476 : vector<1x16xf32> to vector<16xf32>
        %swap3A_478 = vector.shape_cast %bitcast_convert_type3A_469 : vector<16xf32> to vector<1x16xf32>
        tpu.vector_store %arg12[%swap3A_474, %swap3A_475], %swap3A_478 {strides = array<i32>} : memref<120x128xf32, #tpu.memory_space<vmem>>, vector<1x16xf32>,
        %swap3A_479 = arith.index_cast %add3A_417 : i32 to index
        %swap3A_480 = arith.constant 96 : index
        %swap3A_481 = tpu.vector_load %arg12[%swap3A_479, %swap3A_480] {strides = array<i32>} : memref<120x128xf32, #tpu.memory_space<vmem>>, vector<1x16xf32>,
        %swap3A_482 = vector.shape_cast %swap3A_481 : vector<1x16xf32> to vector<16xf32>
        %swap3A_483 = vector.shape_cast %bitcast_convert_type3A_473 : vector<16xf32> to vector<1x16xf32>
        tpu.vector_store %arg12[%swap3A_479, %swap3A_480], %swap3A_483 {strides = array<i32>} : memref<120x128xf32, #tpu.memory_space<vmem>>, vector<1x16xf32>,
        %get3A_484 = arith.index_cast %add3A_417 : i32 to index
        %get3A_485 = arith.constant 48 : index
        %get3A_486 = tpu.vector_load %arg10[%get3A_484, %get3A_485] {strides = array<i32>} : memref<120x64xi32, #tpu.memory_space<vmem>>, vector<1x16xi32>,
        %get3A_487 = vector.shape_cast %get3A_486 : vector<1x16xi32> to vector<16xi32>
        %shift_left3A_488 = arith.constant 16 : i32
        %shift_left3A_489 = vector.broadcast %shift_left3A_488 : i32 to vector<16xi32>
        %shift_left3A_490 = arith.shli %get3A_487, %shift_left3A_489 : vector<16xi32>
        %bitcast_convert_type3A_491 = tpu.bitcast %shift_left3A_490 : vector<16xi32> -> vector<16xf32>
        %and3A_492 = arith.constant -65536 : i32
        %and3A_493 = vector.broadcast %and3A_492 : i32 to vector<16xi32>
        %and3A_494 = arith.andi %get3A_487, %and3A_493 : vector<16xi32>
        %bitcast_convert_type3A_495 = tpu.bitcast %and3A_494 : vector<16xi32> -> vector<16xf32>
        %swap3A_496 = arith.index_cast %add3A_417 : i32 to index
        %swap3A_497 = arith.constant 48 : index
        %swap3A_498 = tpu.vector_load %arg12[%swap3A_496, %swap3A_497] {strides = array<i32>} : memref<120x128xf32, #tpu.memory_space<vmem>>, vector<1x16xf32>,
        %swap3A_499 = vector.shape_cast %swap3A_498 : vector<1x16xf32> to vector<16xf32>
        %swap3A_500 = vector.shape_cast %bitcast_convert_type3A_491 : vector<16xf32> to vector<1x16xf32>
        tpu.vector_store %arg12[%swap3A_496, %swap3A_497], %swap3A_500 {strides = array<i32>} : memref<120x128xf32, #tpu.memory_space<vmem>>, vector<1x16xf32>,
        %swap3A_501 = arith.index_cast %add3A_417 : i32 to index
        %swap3A_502 = arith.constant 112 : index
        %swap3A_503 = tpu.vector_load %arg12[%swap3A_501, %swap3A_502] {strides = array<i32>} : memref<120x128xf32, #tpu.memory_space<vmem>>, vector<1x16xf32>,
        %swap3A_504 = vector.shape_cast %swap3A_503 : vector<1x16xf32> to vector<16xf32>
        %swap3A_505 = vector.shape_cast %bitcast_convert_type3A_495 : vector<16xf32> to vector<1x16xf32>
        tpu.vector_store %arg12[%swap3A_501, %swap3A_502], %swap3A_505 {strides = array<i32>} : memref<120x128xf32, #tpu.memory_space<vmem>>, vector<1x16xf32>,
        %mul3A_506 = arith.constant 4 : i32
        %mul3A_507 = arith.muli %mul3A_506, %scan3A_325 : i32
        %add3A_508 = arith.constant 2 : i32
        %add3A_509 = arith.addi %mul3A_507, %add3A_508 : i32
        %get3A_510 = arith.index_cast %add3A_509 : i32 to index
        %get3A_511 = arith.constant 0 : index
        %get3A_512 = tpu.vector_load %arg10[%get3A_510, %get3A_511] {strides = array<i32>} : memref<120x64xi32, #tpu.memory_space<vmem>>, vector<1x16xi32>,
        %get3A_513 = vector.shape_cast %get3A_512 : vector<1x16xi32> to vector<16xi32>
        %shift_left3A_514 = arith.constant 16 : i32
        %shift_left3A_515 = vector.broadcast %shift_left3A_514 : i32 to vector<16xi32>
        %shift_left3A_516 = arith.shli %get3A_513, %shift_left3A_515 : vector<16xi32>
        %bitcast_convert_type3A_517 = tpu.bitcast %shift_left3A_516 : vector<16xi32> -> vector<16xf32>
        %and3A_518 = arith.constant -65536 : i32
        %and3A_519 = vector.broadcast %and3A_518 : i32 to vector<16xi32>
        %and3A_520 = arith.andi %get3A_513, %and3A_519 : vector<16xi32>
        %bitcast_convert_type3A_521 = tpu.bitcast %and3A_520 : vector<16xi32> -> vector<16xf32>
        %swap3A_522 = arith.index_cast %add3A_509 : i32 to index
        %swap3A_523 = arith.constant 0 : index
        %swap3A_524 = tpu.vector_load %arg12[%swap3A_522, %swap3A_523] {strides = array<i32>} : memref<120x128xf32, #tpu.memory_space<vmem>>, vector<1x16xf32>,
        %swap3A_525 = vector.shape_cast %swap3A_524 : vector<1x16xf32> to vector<16xf32>
        %swap3A_526 = vector.shape_cast %bitcast_convert_type3A_517 : vector<16xf32> to vector<1x16xf32>
        tpu.vector_store %arg12[%swap3A_522, %swap3A_523], %swap3A_526 {strides = array<i32>} : memref<120x128xf32, #tpu.memory_space<vmem>>, vector<1x16xf32>,
        %swap3A_527 = arith.index_cast %add3A_509 : i32 to index
        %swap3A_528 = arith.constant 64 : index
        %swap3A_529 = tpu.vector_load %arg12[%swap3A_527, %swap3A_528] {strides = array<i32>} : memref<120x128xf32, #tpu.memory_space<vmem>>, vector<1x16xf32>,
        %swap3A_530 = vector.shape_cast %swap3A_529 : vector<1x16xf32> to vector<16xf32>
        %swap3A_531 = vector.shape_cast %bitcast_convert_type3A_521 : vector<16xf32> to vector<1x16xf32>
        tpu.vector_store %arg12[%swap3A_527, %swap3A_528], %swap3A_531 {strides = array<i32>} : memref<120x128xf32, #tpu.memory_space<vmem>>, vector<1x16xf32>,
        %get3A_532 = arith.index_cast %add3A_509 : i32 to index
        %get3A_533 = arith.constant 16 : index
        %get3A_534 = tpu.vector_load %arg10[%get3A_532, %get3A_533] {strides = array<i32>} : memref<120x64xi32, #tpu.memory_space<vmem>>, vector<1x16xi32>,
        %get3A_535 = vector.shape_cast %get3A_534 : vector<1x16xi32> to vector<16xi32>
        %shift_left3A_536 = arith.constant 16 : i32
        %shift_left3A_537 = vector.broadcast %shift_left3A_536 : i32 to vector<16xi32>
        %shift_left3A_538 = arith.shli %get3A_535, %shift_left3A_537 : vector<16xi32>
        %bitcast_convert_type3A_539 = tpu.bitcast %shift_left3A_538 : vector<16xi32> -> vector<16xf32>
        %and3A_540 = arith.constant -65536 : i32
        %and3A_541 = vector.broadcast %and3A_540 : i32 to vector<16xi32>
        %and3A_542 = arith.andi %get3A_535, %and3A_541 : vector<16xi32>
        %bitcast_convert_type3A_543 = tpu.bitcast %and3A_542 : vector<16xi32> -> vector<16xf32>
        %swap3A_544 = arith.index_cast %add3A_509 : i32 to index
        %swap3A_545 = arith.constant 16 : index
        %swap3A_546 = tpu.vector_load %arg12[%swap3A_544, %swap3A_545] {strides = array<i32>} : memref<120x128xf32, #tpu.memory_space<vmem>>, vector<1x16xf32>,
        %swap3A_547 = vector.shape_cast %swap3A_546 : vector<1x16xf32> to vector<16xf32>
        %swap3A_548 = vector.shape_cast %bitcast_convert_type3A_539 : vector<16xf32> to vector<1x16xf32>
        tpu.vector_store %arg12[%swap3A_544, %swap3A_545], %swap3A_548 {strides = array<i32>} : memref<120x128xf32, #tpu.memory_space<vmem>>, vector<1x16xf32>,
        %swap3A_549 = arith.index_cast %add3A_509 : i32 to index
        %swap3A_550 = arith.constant 80 : index
        %swap3A_551 = tpu.vector_load %arg12[%swap3A_549, %swap3A_550] {strides = array<i32>} : memref<120x128xf32, #tpu.memory_space<vmem>>, vector<1x16xf32>,
        %swap3A_552 = vector.shape_cast %swap3A_551 : vector<1x16xf32> to vector<16xf32>
        %swap3A_553 = vector.shape_cast %bitcast_convert_type3A_543 : vector<16xf32> to vector<1x16xf32>
        tpu.vector_store %arg12[%swap3A_549, %swap3A_550], %swap3A_553 {strides = array<i32>} : memref<120x128xf32, #tpu.memory_space<vmem>>, vector<1x16xf32>,
        %get3A_554 = arith.index_cast %add3A_509 : i32 to index
        %get3A_555 = arith.constant 32 : index
        %get3A_556 = tpu.vector_load %arg10[%get3A_554, %get3A_555] {strides = array<i32>} : memref<120x64xi32, #tpu.memory_space<vmem>>, vector<1x16xi32>,
        %get3A_557 = vector.shape_cast %get3A_556 : vector<1x16xi32> to vector<16xi32>
        %shift_left3A_558 = arith.constant 16 : i32
        %shift_left3A_559 = vector.broadcast %shift_left3A_558 : i32 to vector<16xi32>
        %shift_left3A_560 = arith.shli %get3A_557, %shift_left3A_559 : vector<16xi32>
        %bitcast_convert_type3A_561 = tpu.bitcast %shift_left3A_560 : vector<16xi32> -> vector<16xf32>
        %and3A_562 = arith.constant -65536 : i32
        %and3A_563 = vector.broadcast %and3A_562 : i32 to vector<16xi32>
        %and3A_564 = arith.andi %get3A_557, %and3A_563 : vector<16xi32>
        %bitcast_convert_type3A_565 = tpu.bitcast %and3A_564 : vector<16xi32> -> vector<16xf32>
        %swap3A_566 = arith.index_cast %add3A_509 : i32 to index
        %swap3A_567 = arith.constant 32 : index
        %swap3A_568 = tpu.vector_load %arg12[%swap3A_566, %swap3A_567] {strides = array<i32>} : memref<120x128xf32, #tpu.memory_space<vmem>>, vector<1x16xf32>,
        %swap3A_569 = vector.shape_cast %swap3A_568 : vector<1x16xf32> to vector<16xf32>
        %swap3A_570 = vector.shape_cast %bitcast_convert_type3A_561 : vector<16xf32> to vector<1x16xf32>
        tpu.vector_store %arg12[%swap3A_566, %swap3A_567], %swap3A_570 {strides = array<i32>} : memref<120x128xf32, #tpu.memory_space<vmem>>, vector<1x16xf32>,
        %swap3A_571 = arith.index_cast %add3A_509 : i32 to index
        %swap3A_572 = arith.constant 96 : index
        %swap3A_573 = tpu.vector_load %arg12[%swap3A_571, %swap3A_572] {strides = array<i32>} : memref<120x128xf32, #tpu.memory_space<vmem>>, vector<1x16xf32>,
        %swap3A_574 = vector.shape_cast %swap3A_573 : vector<1x16xf32> to vector<16xf32>
        %swap3A_575 = vector.shape_cast %bitcast_convert_type3A_565 : vector<16xf32> to vector<1x16xf32>
        tpu.vector_store %arg12[%swap3A_571, %swap3A_572], %swap3A_575 {strides = array<i32>} : memref<120x128xf32, #tpu.memory_space<vmem>>, vector<1x16xf32>,
        %get3A_576 = arith.index_cast %add3A_509 : i32 to index
        %get3A_577 = arith.constant 48 : index
        %get3A_578 = tpu.vector_load %arg10[%get3A_576, %get3A_577] {strides = array<i32>} : memref<120x64xi32, #tpu.memory_space<vmem>>, vector<1x16xi32>,
        %get3A_579 = vector.shape_cast %get3A_578 : vector<1x16xi32> to vector<16xi32>
        %shift_left3A_580 = arith.constant 16 : i32
        %shift_left3A_581 = vector.broadcast %shift_left3A_580 : i32 to vector<16xi32>
        %shift_left3A_582 = arith.shli %get3A_579, %shift_left3A_581 : vector<16xi32>
        %bitcast_convert_type3A_583 = tpu.bitcast %shift_left3A_582 : vector<16xi32> -> vector<16xf32>
        %and3A_584 = arith.constant -65536 : i32
        %and3A_585 = vector.broadcast %and3A_584 : i32 to vector<16xi32>
        %and3A_586 = arith.andi %get3A_579, %and3A_585 : vector<16xi32>
        %bitcast_convert_type3A_587 = tpu.bitcast %and3A_586 : vector<16xi32> -> vector<16xf32>
        %swap3A_588 = arith.index_cast %add3A_509 : i32 to index
        %swap3A_589 = arith.constant 48 : index
        %swap3A_590 = tpu.vector_load %arg12[%swap3A_588, %swap3A_589] {strides = array<i32>} : memref<120x128xf32, #tpu.memory_space<vmem>>, vector<1x16xf32>,
        %swap3A_591 = vector.shape_cast %swap3A_590 : vector<1x16xf32> to vector<16xf32>
        %swap3A_592 = vector.shape_cast %bitcast_convert_type3A_583 : vector<16xf32> to vector<1x16xf32>
        tpu.vector_store %arg12[%swap3A_588, %swap3A_589], %swap3A_592 {strides = array<i32>} : memref<120x128xf32, #tpu.memory_space<vmem>>, vector<1x16xf32>,
        %swap3A_593 = arith.index_cast %add3A_509 : i32 to index
        %swap3A_594 = arith.constant 112 : index
        %swap3A_595 = tpu.vector_load %arg12[%swap3A_593, %swap3A_594] {strides = array<i32>} : memref<120x128xf32, #tpu.memory_space<vmem>>, vector<1x16xf32>,
        %swap3A_596 = vector.shape_cast %swap3A_595 : vector<1x16xf32> to vector<16xf32>
        %swap3A_597 = vector.shape_cast %bitcast_convert_type3A_587 : vector<16xf32> to vector<1x16xf32>
        tpu.vector_store %arg12[%swap3A_593, %swap3A_594], %swap3A_597 {strides = array<i32>} : memref<120x128xf32, #tpu.memory_space<vmem>>, vector<1x16xf32>,
        %mul3A_598 = arith.constant 4 : i32
        %mul3A_599 = arith.muli %mul3A_598, %scan3A_325 : i32
        %add3A_600 = arith.constant 3 : i32
        %add3A_601 = arith.addi %mul3A_599, %add3A_600 : i32
        %get3A_602 = arith.index_cast %add3A_601 : i32 to index
        %get3A_603 = arith.constant 0 : index
        %get3A_604 = tpu.vector_load %arg10[%get3A_602, %get3A_603] {strides = array<i32>} : memref<120x64xi32, #tpu.memory_space<vmem>>, vector<1x16xi32>,
        %get3A_605 = vector.shape_cast %get3A_604 : vector<1x16xi32> to vector<16xi32>
        %shift_left3A_606 = arith.constant 16 : i32
        %shift_left3A_607 = vector.broadcast %shift_left3A_606 : i32 to vector<16xi32>
        %shift_left3A_608 = arith.shli %get3A_605, %shift_left3A_607 : vector<16xi32>
        %bitcast_convert_type3A_609 = tpu.bitcast %shift_left3A_608 : vector<16xi32> -> vector<16xf32>
        %and3A_610 = arith.constant -65536 : i32
        %and3A_611 = vector.broadcast %and3A_610 : i32 to vector<16xi32>
        %and3A_612 = arith.andi %get3A_605, %and3A_611 : vector<16xi32>
        %bitcast_convert_type3A_613 = tpu.bitcast %and3A_612 : vector<16xi32> -> vector<16xf32>
        %swap3A_614 = arith.index_cast %add3A_601 : i32 to index
        %swap3A_615 = arith.constant 0 : index
        %swap3A_616 = tpu.vector_load %arg12[%swap3A_614, %swap3A_615] {strides = array<i32>} : memref<120x128xf32, #tpu.memory_space<vmem>>, vector<1x16xf32>,
        %swap3A_617 = vector.shape_cast %swap3A_616 : vector<1x16xf32> to vector<16xf32>
        %swap3A_618 = vector.shape_cast %bitcast_convert_type3A_609 : vector<16xf32> to vector<1x16xf32>
        tpu.vector_store %arg12[%swap3A_614, %swap3A_615], %swap3A_618 {strides = array<i32>} : memref<120x128xf32, #tpu.memory_space<vmem>>, vector<1x16xf32>,
        %swap3A_619 = arith.index_cast %add3A_601 : i32 to index
        %swap3A_620 = arith.constant 64 : index
        %swap3A_621 = tpu.vector_load %arg12[%swap3A_619, %swap3A_620] {strides = array<i32>} : memref<120x128xf32, #tpu.memory_space<vmem>>, vector<1x16xf32>,
        %swap3A_622 = vector.shape_cast %swap3A_621 : vector<1x16xf32> to vector<16xf32>
        %swap3A_623 = vector.shape_cast %bitcast_convert_type3A_613 : vector<16xf32> to vector<1x16xf32>
        tpu.vector_store %arg12[%swap3A_619, %swap3A_620], %swap3A_623 {strides = array<i32>} : memref<120x128xf32, #tpu.memory_space<vmem>>, vector<1x16xf32>,
        %get3A_624 = arith.index_cast %add3A_601 : i32 to index
        %get3A_625 = arith.constant 16 : index
        %get3A_626 = tpu.vector_load %arg10[%get3A_624, %get3A_625] {strides = array<i32>} : memref<120x64xi32, #tpu.memory_space<vmem>>, vector<1x16xi32>,
        %get3A_627 = vector.shape_cast %get3A_626 : vector<1x16xi32> to vector<16xi32>
        %shift_left3A_628 = arith.constant 16 : i32
        %shift_left3A_629 = vector.broadcast %shift_left3A_628 : i32 to vector<16xi32>
        %shift_left3A_630 = arith.shli %get3A_627, %shift_left3A_629 : vector<16xi32>
        %bitcast_convert_type3A_631 = tpu.bitcast %shift_left3A_630 : vector<16xi32> -> vector<16xf32>
        %and3A_632 = arith.constant -65536 : i32
        %and3A_633 = vector.broadcast %and3A_632 : i32 to vector<16xi32>
        %and3A_634 = arith.andi %get3A_627, %and3A_633 : vector<16xi32>
        %bitcast_convert_type3A_635 = tpu.bitcast %and3A_634 : vector<16xi32> -> vector<16xf32>
        %swap3A_636 = arith.index_cast %add3A_601 : i32 to index
        %swap3A_637 = arith.constant 16 : index
        %swap3A_638 = tpu.vector_load %arg12[%swap3A_636, %swap3A_637] {strides = array<i32>} : memref<120x128xf32, #tpu.memory_space<vmem>>, vector<1x16xf32>,
        %swap3A_639 = vector.shape_cast %swap3A_638 : vector<1x16xf32> to vector<16xf32>
        %swap3A_640 = vector.shape_cast %bitcast_convert_type3A_631 : vector<16xf32> to vector<1x16xf32>
        tpu.vector_store %arg12[%swap3A_636, %swap3A_637], %swap3A_640 {strides = array<i32>} : memref<120x128xf32, #tpu.memory_space<vmem>>, vector<1x16xf32>,
        %swap3A_641 = arith.index_cast %add3A_601 : i32 to index
        %swap3A_642 = arith.constant 80 : index
        %swap3A_643 = tpu.vector_load %arg12[%swap3A_641, %swap3A_642] {strides = array<i32>} : memref<120x128xf32, #tpu.memory_space<vmem>>, vector<1x16xf32>,
        %swap3A_644 = vector.shape_cast %swap3A_643 : vector<1x16xf32> to vector<16xf32>
        %swap3A_645 = vector.shape_cast %bitcast_convert_type3A_635 : vector<16xf32> to vector<1x16xf32>
        tpu.vector_store %arg12[%swap3A_641, %swap3A_642], %swap3A_645 {strides = array<i32>} : memref<120x128xf32, #tpu.memory_space<vmem>>, vector<1x16xf32>,
        %get3A_646 = arith.index_cast %add3A_601 : i32 to index
        %get3A_647 = arith.constant 32 : index
        %get3A_648 = tpu.vector_load %arg10[%get3A_646, %get3A_647] {strides = array<i32>} : memref<120x64xi32, #tpu.memory_space<vmem>>, vector<1x16xi32>,
        %get3A_649 = vector.shape_cast %get3A_648 : vector<1x16xi32> to vector<16xi32>
        %shift_left3A_650 = arith.constant 16 : i32
        %shift_left3A_651 = vector.broadcast %shift_left3A_650 : i32 to vector<16xi32>
        %shift_left3A_652 = arith.shli %get3A_649, %shift_left3A_651 : vector<16xi32>
        %bitcast_convert_type3A_653 = tpu.bitcast %shift_left3A_652 : vector<16xi32> -> vector<16xf32>
        %and3A_654 = arith.constant -65536 : i32
        %and3A_655 = vector.broadcast %and3A_654 : i32 to vector<16xi32>
        %and3A_656 = arith.andi %get3A_649, %and3A_655 : vector<16xi32>
        %bitcast_convert_type3A_657 = tpu.bitcast %and3A_656 : vector<16xi32> -> vector<16xf32>
        %swap3A_658 = arith.index_cast %add3A_601 : i32 to index
        %swap3A_659 = arith.constant 32 : index
        %swap3A_660 = tpu.vector_load %arg12[%swap3A_658, %swap3A_659] {strides = array<i32>} : memref<120x128xf32, #tpu.memory_space<vmem>>, vector<1x16xf32>,
        %swap3A_661 = vector.shape_cast %swap3A_660 : vector<1x16xf32> to vector<16xf32>
        %swap3A_662 = vector.shape_cast %bitcast_convert_type3A_653 : vector<16xf32> to vector<1x16xf32>
        tpu.vector_store %arg12[%swap3A_658, %swap3A_659], %swap3A_662 {strides = array<i32>} : memref<120x128xf32, #tpu.memory_space<vmem>>, vector<1x16xf32>,
        %swap3A_663 = arith.index_cast %add3A_601 : i32 to index
        %swap3A_664 = arith.constant 96 : index
        %swap3A_665 = tpu.vector_load %arg12[%swap3A_663, %swap3A_664] {strides = array<i32>} : memref<120x128xf32, #tpu.memory_space<vmem>>, vector<1x16xf32>,
        %swap3A_666 = vector.shape_cast %swap3A_665 : vector<1x16xf32> to vector<16xf32>
        %swap3A_667 = vector.shape_cast %bitcast_convert_type3A_657 : vector<16xf32> to vector<1x16xf32>
        tpu.vector_store %arg12[%swap3A_663, %swap3A_664], %swap3A_667 {strides = array<i32>} : memref<120x128xf32, #tpu.memory_space<vmem>>, vector<1x16xf32>,
        %get3A_668 = arith.index_cast %add3A_601 : i32 to index
        %get3A_669 = arith.constant 48 : index
        %get3A_670 = tpu.vector_load %arg10[%get3A_668, %get3A_669] {strides = array<i32>} : memref<120x64xi32, #tpu.memory_space<vmem>>, vector<1x16xi32>,
        %get3A_671 = vector.shape_cast %get3A_670 : vector<1x16xi32> to vector<16xi32>
        %shift_left3A_672 = arith.constant 16 : i32
        %shift_left3A_673 = vector.broadcast %shift_left3A_672 : i32 to vector<16xi32>
        %shift_left3A_674 = arith.shli %get3A_671, %shift_left3A_673 : vector<16xi32>
        %bitcast_convert_type3A_675 = tpu.bitcast %shift_left3A_674 : vector<16xi32> -> vector<16xf32>
        %and3A_676 = arith.constant -65536 : i32
        %and3A_677 = vector.broadcast %and3A_676 : i32 to vector<16xi32>
        %and3A_678 = arith.andi %get3A_671, %and3A_677 : vector<16xi32>
        %bitcast_convert_type3A_679 = tpu.bitcast %and3A_678 : vector<16xi32> -> vector<16xf32>
        %swap3A_680 = arith.index_cast %add3A_601 : i32 to index
        %swap3A_681 = arith.constant 48 : index
        %swap3A_682 = tpu.vector_load %arg12[%swap3A_680, %swap3A_681] {strides = array<i32>} : memref<120x128xf32, #tpu.memory_space<vmem>>, vector<1x16xf32>,
        %swap3A_683 = vector.shape_cast %swap3A_682 : vector<1x16xf32> to vector<16xf32>
        %swap3A_684 = vector.shape_cast %bitcast_convert_type3A_675 : vector<16xf32> to vector<1x16xf32>
        tpu.vector_store %arg12[%swap3A_680, %swap3A_681], %swap3A_684 {strides = array<i32>} : memref<120x128xf32, #tpu.memory_space<vmem>>, vector<1x16xf32>,
        %swap3A_685 = arith.index_cast %add3A_601 : i32 to index
        %swap3A_686 = arith.constant 112 : index
        %swap3A_687 = tpu.vector_load %arg12[%swap3A_685, %swap3A_686] {strides = array<i32>} : memref<120x128xf32, #tpu.memory_space<vmem>>, vector<1x16xf32>,
        %swap3A_688 = vector.shape_cast %swap3A_687 : vector<1x16xf32> to vector<16xf32>
        %swap3A_689 = vector.shape_cast %bitcast_convert_type3A_679 : vector<16xf32> to vector<1x16xf32>
        tpu.vector_store %arg12[%swap3A_685, %swap3A_686], %swap3A_689 {strides = array<i32>} : memref<120x128xf32, #tpu.memory_space<vmem>>, vector<1x16xf32>,
        %scan3A_690 = arith.constant 0 : i32
        scf.yield %scan3A_690 : i32
      }
      %scan3A_243 = arith.constant 30 : i32
      %add3A_244 = arith.constant 2 : i32
      %add3A_245 = arith.addi %add3A_214, %add3A_244 : i32
      %lt3A_246 = arith.constant 84 : i32
      %lt3A_247 = arith.cmpi slt, %add3A_245, %lt3A_246 : i32
      %convert_element_type3A_248 = arith.extui %lt3A_247 : i1 to i32
      %cond3A_249 = arith.constant 0 : i32
      %cond3A_250 = arith.cmpi ne, %convert_element_type3A_248, %cond3A_249 : i32
      scf.if %cond3A_250 {
        %dma_wait3A_325 = arith.constant 0 : i32
        %dma_wait3A_326 = arith.constant 0 : i32
        %dma_wait3A_327 = arith.constant 0 : i32
        %dma_wait3A_328 = arith.constant 0 : i32
        %dma_wait3A_329 = tpu.memref_slice %arg3[%dma_wait3A_325, %dma_wait3A_326, %dma_wait3A_327, %dma_wait3A_328] : memref<2x16x84x120xi32, #tpu.memory_space<hbm>> -> memref<1x1x1x120xi32, #tpu.memory_space<hbm>>
        %dma_wait3A_330 = tpu.memref_squeeze %dma_wait3A_329 : memref<1x1x1x120xi32, #tpu.memory_space<hbm>> -> memref<1x120xi32, #tpu.memory_space<hbm>>
        %dma_wait3A_331 = arith.constant 0 : i32
        %dma_wait3A_332 = arith.constant 0 : i32
        %dma_wait3A_333 = tpu.memref_slice %arg3[%dma_wait3A_325, %dma_wait3A_326, %dma_wait3A_331, %dma_wait3A_332] : memref<2x16x84x120xi32, #tpu.memory_space<hbm>> -> memref<1x1x1x120xi32, #tpu.memory_space<hbm>>
        %dma_wait3A_334 = tpu.memref_squeeze %dma_wait3A_333 : memref<1x1x1x120xi32, #tpu.memory_space<hbm>> -> memref<1x120xi32, #tpu.memory_space<hbm>>
        tpu.wait_dma2 semaphore(%arg18 : memref<!tpu.dma_semaphore, #tpu.memory_space<semaphore_mem>>) src(%dma_wait3A_334 : memref<1x120xi32, #tpu.memory_space<hbm>>) dst(%arg6 : memref<1x120xi32, #tpu.memory_space<vmem>>)
        %dma_start3A_335 = arith.constant 0 : i32
        %dma_start3A_336 = arith.constant 0 : i32
        %dma_start3A_337 = tpu.memref_slice %arg6[%dma_start3A_335, %dma_start3A_336] : memref<1x120xi32, #tpu.memory_space<vmem>> -> memref<1x120xi32, #tpu.memory_space<vmem>>
        %dma_start3A_338 = tpu.memref_squeeze %dma_start3A_337 : memref<1x120xi32, #tpu.memory_space<vmem>> -> memref<120xi32, #tpu.memory_space<vmem>>
        %dma_start3A_339 = arith.constant 0 : i32
        %dma_start3A_340 = arith.constant 0 : i32
        %dma_start3A_341 = tpu.memref_slice %arg2[%dma_start3A_339, %dma_start3A_340] : memref<20480x64xi32, #tpu.memory_space<hbm>> -> memref<20480x64xi32, #tpu.memory_space<hbm>>
        tpu.enqueue_indirect_dma source(%dma_start3A_341 : memref<20480x64xi32, #tpu.memory_space<hbm>>) target(%arg10 : memref<120x64xi32, #tpu.memory_space<vmem>>) offsets(%dma_start3A_338 : memref<120xi32, #tpu.memory_space<vmem>>) semaphore(%arg15 : memref<!tpu.dma_semaphore, #tpu.memory_space<semaphore_mem>>)
      } else {
      }
      %dma_wait3A_251 = arith.constant 0 : i32
      %dma_wait3A_252 = arith.constant 0 : i32
      %dma_wait3A_253 = arith.constant 0 : i32
      %dma_wait3A_254 = tpu.memref_slice %arg4[%dma_wait3A_251, %dma_wait3A_252, %dma_wait3A_253] : memref<16x84x120xi32, #tpu.memory_space<hbm>> -> memref<1x1x120xi32, #tpu.memory_space<hbm>>
      %dma_wait3A_255 = tpu.memref_squeeze %dma_wait3A_254 : memref<1x1x120xi32, #tpu.memory_space<hbm>> -> memref<1x120xi32, #tpu.memory_space<hbm>>
      %dma_wait3A_256 = arith.constant 0 : i32
      %dma_wait3A_257 = arith.constant 0 : i32
      %dma_wait3A_258 = tpu.memref_slice %arg4[%dma_wait3A_251, %dma_wait3A_256, %dma_wait3A_257] : memref<16x84x120xi32, #tpu.memory_space<hbm>> -> memref<1x1x120xi32, #tpu.memory_space<hbm>>
      %dma_wait3A_259 = tpu.memref_squeeze %dma_wait3A_258 : memref<1x1x120xi32, #tpu.memory_space<hbm>> -> memref<1x120xi32, #tpu.memory_space<hbm>>
      tpu.wait_dma2 semaphore(%arg16 : memref<!tpu.dma_semaphore, #tpu.memory_space<semaphore_mem>>) src(%dma_wait3A_259 : memref<1x120xi32, #tpu.memory_space<hbm>>) dst(%arg8 : memref<1x120xi32, #tpu.memory_space<vmem>>)
      %dma_start3A_260 = arith.constant 0 : i32
      %dma_start3A_261 = arith.constant 0 : i32
      %dma_start3A_262 = tpu.memref_slice %arg8[%dma_start3A_260, %dma_start3A_261] : memref<1x120xi32, #tpu.memory_space<vmem>> -> memref<1x120xi32, #tpu.memory_space<vmem>>
      %dma_start3A_263 = tpu.memref_squeeze %dma_start3A_262 : memref<1x120xi32, #tpu.memory_space<vmem>> -> memref<120xi32, #tpu.memory_space<vmem>>
      %dma_start3A_264 = arith.constant 0 : i32
      %dma_start3A_265 = arith.constant 0 : i32
      %dma_start3A_266 = tpu.memref_slice %arg14[%dma_start3A_264, %dma_start3A_265] : memref<10240x128xf32, #tpu.memory_space<vmem_shared>> -> memref<10240x128xf32, #tpu.memory_space<vmem_shared>>
      tpu.enqueue_indirect_dma source(%arg12 : memref<120x128xf32, #tpu.memory_space<vmem>>) target(%dma_start3A_266 : memref<10240x128xf32, #tpu.memory_space<vmem_shared>>) offsets(%dma_start3A_263 : memref<120xi32, #tpu.memory_space<vmem>>) semaphore(%arg17 : memref<!tpu.dma_semaphore, #tpu.memory_space<semaphore_mem>>) {add = true}
      %add3A_267 = arith.constant 1 : i32
      %add3A_268 = arith.addi %add3A_214, %add3A_267 : i32
      %dma_wait3A_269 = arith.constant 0 : i32
      %dma_wait3A_270 = arith.constant 0 : i32
      %dma_wait3A_271 = tpu.memref_slice %arg2[%dma_wait3A_269, %dma_wait3A_270] : memref<20480x64xi32, #tpu.memory_space<hbm>> -> memref<120x64xi32, #tpu.memory_space<hbm>>
      %dma_wait3A_272 = arith.constant 0 : i32
      %dma_wait3A_273 = arith.constant 0 : i32
      %dma_wait3A_274 = tpu.memref_slice %arg2[%dma_wait3A_272, %dma_wait3A_273] : memref<20480x64xi32, #tpu.memory_space<hbm>> -> memref<120x64xi32, #tpu.memory_space<hbm>>
      tpu.wait_dma2 semaphore(%arg15 : memref<!tpu.dma_semaphore, #tpu.memory_space<semaphore_mem>>) src(%dma_wait3A_274 : memref<120x64xi32, #tpu.memory_space<hbm>>) dst(%arg11 : memref<120x64xi32, #tpu.memory_space<vmem>>)
      %dma_wait3A_275 = arith.constant 0 : i32
      %dma_wait3A_276 = arith.constant 0 : i32
      %dma_wait3A_277 = tpu.memref_slice %arg14[%dma_wait3A_275, %dma_wait3A_276] : memref<10240x128xf32, #tpu.memory_space<vmem_shared>> -> memref<120x128xf32, #tpu.memory_space<vmem_shared>>
      %dma_wait3A_278 = arith.constant 0 : i32
      %dma_wait3A_279 = arith.constant 0 : i32
      %dma_wait3A_280 = tpu.memref_slice %arg14[%dma_wait3A_278, %dma_wait3A_279] : memref<10240x128xf32, #tpu.memory_space<vmem_shared>> -> memref<120x128xf32, #tpu.memory_space<vmem_shared>>
      tpu.wait_dma2 semaphore(%arg17 : memref<!tpu.dma_semaphore, #tpu.memory_space<semaphore_mem>>) src(%arg13 : memref<120x128xf32, #tpu.memory_space<vmem>>) dst(%dma_wait3A_280 : memref<120x128xf32, #tpu.memory_space<vmem_shared>>)
      %add3A_281 = arith.constant 2 : i32
      %add3A_282 = arith.addi %add3A_268, %add3A_281 : i32
      %lt3A_283 = arith.constant 84 : i32
      %lt3A_284 = arith.cmpi slt, %add3A_282, %lt3A_283 : i32
      %convert_element_type3A_285 = arith.extui %lt3A_284 : i1 to i32
      %cond3A_286 = arith.constant 0 : i32
      %cond3A_287 = arith.cmpi ne, %convert_element_type3A_285, %cond3A_286 : i32
      scf.if %cond3A_287 {
        %add3A_325 = arith.constant 2 : i32
        %add3A_326 = arith.addi %add3A_268, %add3A_325 : i32
        %dma_start3A_327 = arith.constant 0 : i32
        %dma_start3A_328 = tpu.memref_slice %arg3[%arg0, %arg1, %add3A_326, %dma_start3A_327] : memref<2x16x84x120xi32, #tpu.memory_space<hbm>> -> memref<1x1x1x120xi32, #tpu.memory_space<hbm>>
        %dma_start3A_329 = tpu.memref_squeeze %dma_start3A_328 : memref<1x1x1x120xi32, #tpu.memory_space<hbm>> -> memref<1x120xi32, #tpu.memory_space<hbm>>
        %dma_start3A_330 = arith.constant 0 : i32
        %dma_start3A_331 = tpu.memref_slice %arg3[%arg0, %arg1, %add3A_326, %dma_start3A_330] : memref<2x16x84x120xi32, #tpu.memory_space<hbm>> -> memref<1x1x1x120xi32, #tpu.memory_space<hbm>>
        %dma_start3A_332 = tpu.memref_squeeze %dma_start3A_331 : memref<1x1x1x120xi32, #tpu.memory_space<hbm>> -> memref<1x120xi32, #tpu.memory_space<hbm>>
        tpu.enqueue_dma source(%dma_start3A_332 : memref<1x120xi32, #tpu.memory_space<hbm>>) target(%arg7 : memref<1x120xi32, #tpu.memory_space<vmem>>) target_semaphore(%arg18 : memref<!tpu.dma_semaphore, #tpu.memory_space<semaphore_mem>>)
      } else {
      }
      %dma_start3A_288 = arith.constant 0 : i32
      %dma_start3A_289 = tpu.memref_slice %arg4[%arg1, %add3A_268, %dma_start3A_288] : memref<16x84x120xi32, #tpu.memory_space<hbm>> -> memref<1x1x120xi32, #tpu.memory_space<hbm>>
      %dma_start3A_290 = tpu.memref_squeeze %dma_start3A_289 : memref<1x1x120xi32, #tpu.memory_space<hbm>> -> memref<1x120xi32, #tpu.memory_space<hbm>>
      %dma_start3A_291 = arith.constant 0 : i32
      %dma_start3A_292 = tpu.memref_slice %arg4[%arg1, %add3A_268, %dma_start3A_291] : memref<16x84x120xi32, #tpu.memory_space<hbm>> -> memref<1x1x120xi32, #tpu.memory_space<hbm>>
      %dma_start3A_293 = tpu.memref_squeeze %dma_start3A_292 : memref<1x1x120xi32, #tpu.memory_space<hbm>> -> memref<1x120xi32, #tpu.memory_space<hbm>>
      tpu.enqueue_dma source(%dma_start3A_293 : memref<1x120xi32, #tpu.memory_space<hbm>>) target(%arg9 : memref<1x120xi32, #tpu.memory_space<vmem>>) target_semaphore(%arg16 : memref<!tpu.dma_semaphore, #tpu.memory_space<semaphore_mem>>)
      %scan3A_294 = arith.constant 0 : i32
      %scan3A_295 = arith.constant 0 : i32
      %scan3A_296 = arith.constant 30 : i32
      %scan3A_297 = arith.addi %scan3A_295, %scan3A_296 : i32
      %scan3A_298 = arith.constant 1 : i32
      %scan3A_299 = scf.for %scan3A_325 = %scan3A_295 to %scan3A_297 step %scan3A_298 iter_args(%scan3A_326 = %scan3A_294) -> (i32)  : i32 {
        %mul3A_327 = arith.constant 4 : i32
        %mul3A_328 = arith.muli %mul3A_327, %scan3A_325 : i32
        %add3A_329 = arith.constant 0 : i32
        %add3A_330 = arith.addi %mul3A_328, %add3A_329 : i32
        %get3A = arith.index_cast %add3A_330 : i32 to index
        %get3A_331 = arith.constant 0 : index
        %get3A_332 = tpu.vector_load %arg11[%get3A, %get3A_331] {strides = array<i32>} : memref<120x64xi32, #tpu.memory_space<vmem>>, vector<1x16xi32>,
        %get3A_333 = vector.shape_cast %get3A_332 : vector<1x16xi32> to vector<16xi32>
        %shift_left3A = arith.constant 16 : i32
        %shift_left3A_334 = vector.broadcast %shift_left3A : i32 to vector<16xi32>
        %shift_left3A_335 = arith.shli %get3A_333, %shift_left3A_334 : vector<16xi32>
        %bitcast_convert_type3A = tpu.bitcast %shift_left3A_335 : vector<16xi32> -> vector<16xf32>
        %and3A = arith.constant -65536 : i32
        %and3A_336 = vector.broadcast %and3A : i32 to vector<16xi32>
        %and3A_337 = arith.andi %get3A_333, %and3A_336 : vector<16xi32>
        %bitcast_convert_type3A_338 = tpu.bitcast %and3A_337 : vector<16xi32> -> vector<16xf32>
        %swap3A = arith.index_cast %add3A_330 : i32 to index
        %swap3A_339 = arith.constant 0 : index
        %swap3A_340 = tpu.vector_load %arg13[%swap3A, %swap3A_339] {strides = array<i32>} : memref<120x128xf32, #tpu.memory_space<vmem>>, vector<1x16xf32>,
        %swap3A_341 = vector.shape_cast %swap3A_340 : vector<1x16xf32> to vector<16xf32>
        %swap3A_342 = vector.shape_cast %bitcast_convert_type3A : vector<16xf32> to vector<1x16xf32>
        tpu.vector_store %arg13[%swap3A, %swap3A_339], %swap3A_342 {strides = array<i32>} : memref<120x128xf32, #tpu.memory_space<vmem>>, vector<1x16xf32>,
        %swap3A_343 = arith.index_cast %add3A_330 : i32 to index
        %swap3A_344 = arith.constant 64 : index
        %swap3A_345 = tpu.vector_load %arg13[%swap3A_343, %swap3A_344] {strides = array<i32>} : memref<120x128xf32, #tpu.memory_space<vmem>>, vector<1x16xf32>,
        %swap3A_346 = vector.shape_cast %swap3A_345 : vector<1x16xf32> to vector<16xf32>
        %swap3A_347 = vector.shape_cast %bitcast_convert_type3A_338 : vector<16xf32> to vector<1x16xf32>
        tpu.vector_store %arg13[%swap3A_343, %swap3A_344], %swap3A_347 {strides = array<i32>} : memref<120x128xf32, #tpu.memory_space<vmem>>, vector<1x16xf32>,
        %get3A_348 = arith.index_cast %add3A_330 : i32 to index
        %get3A_349 = arith.constant 16 : index
        %get3A_350 = tpu.vector_load %arg11[%get3A_348, %get3A_349] {strides = array<i32>} : memref<120x64xi32, #tpu.memory_space<vmem>>, vector<1x16xi32>,
        %get3A_351 = vector.shape_cast %get3A_350 : vector<1x16xi32> to vector<16xi32>
        %shift_left3A_352 = arith.constant 16 : i32
        %shift_left3A_353 = vector.broadcast %shift_left3A_352 : i32 to vector<16xi32>
        %shift_left3A_354 = arith.shli %get3A_351, %shift_left3A_353 : vector<16xi32>
        %bitcast_convert_type3A_355 = tpu.bitcast %shift_left3A_354 : vector<16xi32> -> vector<16xf32>
        %and3A_356 = arith.constant -65536 : i32
        %and3A_357 = vector.broadcast %and3A_356 : i32 to vector<16xi32>
        %and3A_358 = arith.andi %get3A_351, %and3A_357 : vector<16xi32>
        %bitcast_convert_type3A_359 = tpu.bitcast %and3A_358 : vector<16xi32> -> vector<16xf32>
        %swap3A_360 = arith.index_cast %add3A_330 : i32 to index
        %swap3A_361 = arith.constant 16 : index
        %swap3A_362 = tpu.vector_load %arg13[%swap3A_360, %swap3A_361] {strides = array<i32>} : memref<120x128xf32, #tpu.memory_space<vmem>>, vector<1x16xf32>,
        %swap3A_363 = vector.shape_cast %swap3A_362 : vector<1x16xf32> to vector<16xf32>
        %swap3A_364 = vector.shape_cast %bitcast_convert_type3A_355 : vector<16xf32> to vector<1x16xf32>
        tpu.vector_store %arg13[%swap3A_360, %swap3A_361], %swap3A_364 {strides = array<i32>} : memref<120x128xf32, #tpu.memory_space<vmem>>, vector<1x16xf32>,
        %swap3A_365 = arith.index_cast %add3A_330 : i32 to index
        %swap3A_366 = arith.constant 80 : index
        %swap3A_367 = tpu.vector_load %arg13[%swap3A_365, %swap3A_366] {strides = array<i32>} : memref<120x128xf32, #tpu.memory_space<vmem>>, vector<1x16xf32>,
        %swap3A_368 = vector.shape_cast %swap3A_367 : vector<1x16xf32> to vector<16xf32>
        %swap3A_369 = vector.shape_cast %bitcast_convert_type3A_359 : vector<16xf32> to vector<1x16xf32>
        tpu.vector_store %arg13[%swap3A_365, %swap3A_366], %swap3A_369 {strides = array<i32>} : memref<120x128xf32, #tpu.memory_space<vmem>>, vector<1x16xf32>,
        %get3A_370 = arith.index_cast %add3A_330 : i32 to index
        %get3A_371 = arith.constant 32 : index
        %get3A_372 = tpu.vector_load %arg11[%get3A_370, %get3A_371] {strides = array<i32>} : memref<120x64xi32, #tpu.memory_space<vmem>>, vector<1x16xi32>,
        %get3A_373 = vector.shape_cast %get3A_372 : vector<1x16xi32> to vector<16xi32>
        %shift_left3A_374 = arith.constant 16 : i32
        %shift_left3A_375 = vector.broadcast %shift_left3A_374 : i32 to vector<16xi32>
        %shift_left3A_376 = arith.shli %get3A_373, %shift_left3A_375 : vector<16xi32>
        %bitcast_convert_type3A_377 = tpu.bitcast %shift_left3A_376 : vector<16xi32> -> vector<16xf32>
        %and3A_378 = arith.constant -65536 : i32
        %and3A_379 = vector.broadcast %and3A_378 : i32 to vector<16xi32>
        %and3A_380 = arith.andi %get3A_373, %and3A_379 : vector<16xi32>
        %bitcast_convert_type3A_381 = tpu.bitcast %and3A_380 : vector<16xi32> -> vector<16xf32>
        %swap3A_382 = arith.index_cast %add3A_330 : i32 to index
        %swap3A_383 = arith.constant 32 : index
        %swap3A_384 = tpu.vector_load %arg13[%swap3A_382, %swap3A_383] {strides = array<i32>} : memref<120x128xf32, #tpu.memory_space<vmem>>, vector<1x16xf32>,
        %swap3A_385 = vector.shape_cast %swap3A_384 : vector<1x16xf32> to vector<16xf32>
        %swap3A_386 = vector.shape_cast %bitcast_convert_type3A_377 : vector<16xf32> to vector<1x16xf32>
        tpu.vector_store %arg13[%swap3A_382, %swap3A_383], %swap3A_386 {strides = array<i32>} : memref<120x128xf32, #tpu.memory_space<vmem>>, vector<1x16xf32>,
        %swap3A_387 = arith.index_cast %add3A_330 : i32 to index
        %swap3A_388 = arith.constant 96 : index
        %swap3A_389 = tpu.vector_load %arg13[%swap3A_387, %swap3A_388] {strides = array<i32>} : memref<120x128xf32, #tpu.memory_space<vmem>>, vector<1x16xf32>,
        %swap3A_390 = vector.shape_cast %swap3A_389 : vector<1x16xf32> to vector<16xf32>
        %swap3A_391 = vector.shape_cast %bitcast_convert_type3A_381 : vector<16xf32> to vector<1x16xf32>
        tpu.vector_store %arg13[%swap3A_387, %swap3A_388], %swap3A_391 {strides = array<i32>} : memref<120x128xf32, #tpu.memory_space<vmem>>, vector<1x16xf32>,
        %get3A_392 = arith.index_cast %add3A_330 : i32 to index
        %get3A_393 = arith.constant 48 : index
        %get3A_394 = tpu.vector_load %arg11[%get3A_392, %get3A_393] {strides = array<i32>} : memref<120x64xi32, #tpu.memory_space<vmem>>, vector<1x16xi32>,
        %get3A_395 = vector.shape_cast %get3A_394 : vector<1x16xi32> to vector<16xi32>
        %shift_left3A_396 = arith.constant 16 : i32
        %shift_left3A_397 = vector.broadcast %shift_left3A_396 : i32 to vector<16xi32>
        %shift_left3A_398 = arith.shli %get3A_395, %shift_left3A_397 : vector<16xi32>
        %bitcast_convert_type3A_399 = tpu.bitcast %shift_left3A_398 : vector<16xi32> -> vector<16xf32>
        %and3A_400 = arith.constant -65536 : i32
        %and3A_401 = vector.broadcast %and3A_400 : i32 to vector<16xi32>
        %and3A_402 = arith.andi %get3A_395, %and3A_401 : vector<16xi32>
        %bitcast_convert_type3A_403 = tpu.bitcast %and3A_402 : vector<16xi32> -> vector<16xf32>
        %swap3A_404 = arith.index_cast %add3A_330 : i32 to index
        %swap3A_405 = arith.constant 48 : index
        %swap3A_406 = tpu.vector_load %arg13[%swap3A_404, %swap3A_405] {strides = array<i32>} : memref<120x128xf32, #tpu.memory_space<vmem>>, vector<1x16xf32>,
        %swap3A_407 = vector.shape_cast %swap3A_406 : vector<1x16xf32> to vector<16xf32>
        %swap3A_408 = vector.shape_cast %bitcast_convert_type3A_399 : vector<16xf32> to vector<1x16xf32>
        tpu.vector_store %arg13[%swap3A_404, %swap3A_405], %swap3A_408 {strides = array<i32>} : memref<120x128xf32, #tpu.memory_space<vmem>>, vector<1x16xf32>,
        %swap3A_409 = arith.index_cast %add3A_330 : i32 to index
        %swap3A_410 = arith.constant 112 : index
        %swap3A_411 = tpu.vector_load %arg13[%swap3A_409, %swap3A_410] {strides = array<i32>} : memref<120x128xf32, #tpu.memory_space<vmem>>, vector<1x16xf32>,
        %swap3A_412 = vector.shape_cast %swap3A_411 : vector<1x16xf32> to vector<16xf32>
        %swap3A_413 = vector.shape_cast %bitcast_convert_type3A_403 : vector<16xf32> to vector<1x16xf32>
        tpu.vector_store %arg13[%swap3A_409, %swap3A_410], %swap3A_413 {strides = array<i32>} : memref<120x128xf32, #tpu.memory_space<vmem>>, vector<1x16xf32>,
        %mul3A_414 = arith.constant 4 : i32
        %mul3A_415 = arith.muli %mul3A_414, %scan3A_325 : i32
        %add3A_416 = arith.constant 1 : i32
        %add3A_417 = arith.addi %mul3A_415, %add3A_416 : i32
        %get3A_418 = arith.index_cast %add3A_417 : i32 to index
        %get3A_419 = arith.constant 0 : index
        %get3A_420 = tpu.vector_load %arg11[%get3A_418, %get3A_419] {strides = array<i32>} : memref<120x64xi32, #tpu.memory_space<vmem>>, vector<1x16xi32>,
        %get3A_421 = vector.shape_cast %get3A_420 : vector<1x16xi32> to vector<16xi32>
        %shift_left3A_422 = arith.constant 16 : i32
        %shift_left3A_423 = vector.broadcast %shift_left3A_422 : i32 to vector<16xi32>
        %shift_left3A_424 = arith.shli %get3A_421, %shift_left3A_423 : vector<16xi32>
        %bitcast_convert_type3A_425 = tpu.bitcast %shift_left3A_424 : vector<16xi32> -> vector<16xf32>
        %and3A_426 = arith.constant -65536 : i32
        %and3A_427 = vector.broadcast %and3A_426 : i32 to vector<16xi32>
        %and3A_428 = arith.andi %get3A_421, %and3A_427 : vector<16xi32>
        %bitcast_convert_type3A_429 = tpu.bitcast %and3A_428 : vector<16xi32> -> vector<16xf32>
        %swap3A_430 = arith.index_cast %add3A_417 : i32 to index
        %swap3A_431 = arith.constant 0 : index
        %swap3A_432 = tpu.vector_load %arg13[%swap3A_430, %swap3A_431] {strides = array<i32>} : memref<120x128xf32, #tpu.memory_space<vmem>>, vector<1x16xf32>,
        %swap3A_433 = vector.shape_cast %swap3A_432 : vector<1x16xf32> to vector<16xf32>
        %swap3A_434 = vector.shape_cast %bitcast_convert_type3A_425 : vector<16xf32> to vector<1x16xf32>
        tpu.vector_store %arg13[%swap3A_430, %swap3A_431], %swap3A_434 {strides = array<i32>} : memref<120x128xf32, #tpu.memory_space<vmem>>, vector<1x16xf32>,
        %swap3A_435 = arith.index_cast %add3A_417 : i32 to index
        %swap3A_436 = arith.constant 64 : index
        %swap3A_437 = tpu.vector_load %arg13[%swap3A_435, %swap3A_436] {strides = array<i32>} : memref<120x128xf32, #tpu.memory_space<vmem>>, vector<1x16xf32>,
        %swap3A_438 = vector.shape_cast %swap3A_437 : vector<1x16xf32> to vector<16xf32>
        %swap3A_439 = vector.shape_cast %bitcast_convert_type3A_429 : vector<16xf32> to vector<1x16xf32>
        tpu.vector_store %arg13[%swap3A_435, %swap3A_436], %swap3A_439 {strides = array<i32>} : memref<120x128xf32, #tpu.memory_space<vmem>>, vector<1x16xf32>,
        %get3A_440 = arith.index_cast %add3A_417 : i32 to index
        %get3A_441 = arith.constant 16 : index
        %get3A_442 = tpu.vector_load %arg11[%get3A_440, %get3A_441] {strides = array<i32>} : memref<120x64xi32, #tpu.memory_space<vmem>>, vector<1x16xi32>,
        %get3A_443 = vector.shape_cast %get3A_442 : vector<1x16xi32> to vector<16xi32>
        %shift_left3A_444 = arith.constant 16 : i32
        %shift_left3A_445 = vector.broadcast %shift_left3A_444 : i32 to vector<16xi32>
        %shift_left3A_446 = arith.shli %get3A_443, %shift_left3A_445 : vector<16xi32>
        %bitcast_convert_type3A_447 = tpu.bitcast %shift_left3A_446 : vector<16xi32> -> vector<16xf32>
        %and3A_448 = arith.constant -65536 : i32
        %and3A_449 = vector.broadcast %and3A_448 : i32 to vector<16xi32>
        %and3A_450 = arith.andi %get3A_443, %and3A_449 : vector<16xi32>
        %bitcast_convert_type3A_451 = tpu.bitcast %and3A_450 : vector<16xi32> -> vector<16xf32>
        %swap3A_452 = arith.index_cast %add3A_417 : i32 to index
        %swap3A_453 = arith.constant 16 : index
        %swap3A_454 = tpu.vector_load %arg13[%swap3A_452, %swap3A_453] {strides = array<i32>} : memref<120x128xf32, #tpu.memory_space<vmem>>, vector<1x16xf32>,
        %swap3A_455 = vector.shape_cast %swap3A_454 : vector<1x16xf32> to vector<16xf32>
        %swap3A_456 = vector.shape_cast %bitcast_convert_type3A_447 : vector<16xf32> to vector<1x16xf32>
        tpu.vector_store %arg13[%swap3A_452, %swap3A_453], %swap3A_456 {strides = array<i32>} : memref<120x128xf32, #tpu.memory_space<vmem>>, vector<1x16xf32>,
        %swap3A_457 = arith.index_cast %add3A_417 : i32 to index
        %swap3A_458 = arith.constant 80 : index
        %swap3A_459 = tpu.vector_load %arg13[%swap3A_457, %swap3A_458] {strides = array<i32>} : memref<120x128xf32, #tpu.memory_space<vmem>>, vector<1x16xf32>,
        %swap3A_460 = vector.shape_cast %swap3A_459 : vector<1x16xf32> to vector<16xf32>
        %swap3A_461 = vector.shape_cast %bitcast_convert_type3A_451 : vector<16xf32> to vector<1x16xf32>
        tpu.vector_store %arg13[%swap3A_457, %swap3A_458], %swap3A_461 {strides = array<i32>} : memref<120x128xf32, #tpu.memory_space<vmem>>, vector<1x16xf32>,
        %get3A_462 = arith.index_cast %add3A_417 : i32 to index
        %get3A_463 = arith.constant 32 : index
        %get3A_464 = tpu.vector_load %arg11[%get3A_462, %get3A_463] {strides = array<i32>} : memref<120x64xi32, #tpu.memory_space<vmem>>, vector<1x16xi32>,
        %get3A_465 = vector.shape_cast %get3A_464 : vector<1x16xi32> to vector<16xi32>
        %shift_left3A_466 = arith.constant 16 : i32
        %shift_left3A_467 = vector.broadcast %shift_left3A_466 : i32 to vector<16xi32>
        %shift_left3A_468 = arith.shli %get3A_465, %shift_left3A_467 : vector<16xi32>
        %bitcast_convert_type3A_469 = tpu.bitcast %shift_left3A_468 : vector<16xi32> -> vector<16xf32>
        %and3A_470 = arith.constant -65536 : i32
        %and3A_471 = vector.broadcast %and3A_470 : i32 to vector<16xi32>
        %and3A_472 = arith.andi %get3A_465, %and3A_471 : vector<16xi32>
        %bitcast_convert_type3A_473 = tpu.bitcast %and3A_472 : vector<16xi32> -> vector<16xf32>
        %swap3A_474 = arith.index_cast %add3A_417 : i32 to index
        %swap3A_475 = arith.constant 32 : index
        %swap3A_476 = tpu.vector_load %arg13[%swap3A_474, %swap3A_475] {strides = array<i32>} : memref<120x128xf32, #tpu.memory_space<vmem>>, vector<1x16xf32>,
        %swap3A_477 = vector.shape_cast %swap3A_476 : vector<1x16xf32> to vector<16xf32>
        %swap3A_478 = vector.shape_cast %bitcast_convert_type3A_469 : vector<16xf32> to vector<1x16xf32>
        tpu.vector_store %arg13[%swap3A_474, %swap3A_475], %swap3A_478 {strides = array<i32>} : memref<120x128xf32, #tpu.memory_space<vmem>>, vector<1x16xf32>,
        %swap3A_479 = arith.index_cast %add3A_417 : i32 to index
        %swap3A_480 = arith.constant 96 : index
        %swap3A_481 = tpu.vector_load %arg13[%swap3A_479, %swap3A_480] {strides = array<i32>} : memref<120x128xf32, #tpu.memory_space<vmem>>, vector<1x16xf32>,
        %swap3A_482 = vector.shape_cast %swap3A_481 : vector<1x16xf32> to vector<16xf32>
        %swap3A_483 = vector.shape_cast %bitcast_convert_type3A_473 : vector<16xf32> to vector<1x16xf32>
        tpu.vector_store %arg13[%swap3A_479, %swap3A_480], %swap3A_483 {strides = array<i32>} : memref<120x128xf32, #tpu.memory_space<vmem>>, vector<1x16xf32>,
        %get3A_484 = arith.index_cast %add3A_417 : i32 to index
        %get3A_485 = arith.constant 48 : index
        %get3A_486 = tpu.vector_load %arg11[%get3A_484, %get3A_485] {strides = array<i32>} : memref<120x64xi32, #tpu.memory_space<vmem>>, vector<1x16xi32>,
        %get3A_487 = vector.shape_cast %get3A_486 : vector<1x16xi32> to vector<16xi32>
        %shift_left3A_488 = arith.constant 16 : i32
        %shift_left3A_489 = vector.broadcast %shift_left3A_488 : i32 to vector<16xi32>
        %shift_left3A_490 = arith.shli %get3A_487, %shift_left3A_489 : vector<16xi32>
        %bitcast_convert_type3A_491 = tpu.bitcast %shift_left3A_490 : vector<16xi32> -> vector<16xf32>
        %and3A_492 = arith.constant -65536 : i32
        %and3A_493 = vector.broadcast %and3A_492 : i32 to vector<16xi32>
        %and3A_494 = arith.andi %get3A_487, %and3A_493 : vector<16xi32>
        %bitcast_convert_type3A_495 = tpu.bitcast %and3A_494 : vector<16xi32> -> vector<16xf32>
        %swap3A_496 = arith.index_cast %add3A_417 : i32 to index
        %swap3A_497 = arith.constant 48 : index
        %swap3A_498 = tpu.vector_load %arg13[%swap3A_496, %swap3A_497] {strides = array<i32>} : memref<120x128xf32, #tpu.memory_space<vmem>>, vector<1x16xf32>,
        %swap3A_499 = vector.shape_cast %swap3A_498 : vector<1x16xf32> to vector<16xf32>
        %swap3A_500 = vector.shape_cast %bitcast_convert_type3A_491 : vector<16xf32> to vector<1x16xf32>
        tpu.vector_store %arg13[%swap3A_496, %swap3A_497], %swap3A_500 {strides = array<i32>} : memref<120x128xf32, #tpu.memory_space<vmem>>, vector<1x16xf32>,
        %swap3A_501 = arith.index_cast %add3A_417 : i32 to index
        %swap3A_502 = arith.constant 112 : index
        %swap3A_503 = tpu.vector_load %arg13[%swap3A_501, %swap3A_502] {strides = array<i32>} : memref<120x128xf32, #tpu.memory_space<vmem>>, vector<1x16xf32>,
        %swap3A_504 = vector.shape_cast %swap3A_503 : vector<1x16xf32> to vector<16xf32>
        %swap3A_505 = vector.shape_cast %bitcast_convert_type3A_495 : vector<16xf32> to vector<1x16xf32>
        tpu.vector_store %arg13[%swap3A_501, %swap3A_502], %swap3A_505 {strides = array<i32>} : memref<120x128xf32, #tpu.memory_space<vmem>>, vector<1x16xf32>,
        %mul3A_506 = arith.constant 4 : i32
        %mul3A_507 = arith.muli %mul3A_506, %scan3A_325 : i32
        %add3A_508 = arith.constant 2 : i32
        %add3A_509 = arith.addi %mul3A_507, %add3A_508 : i32
        %get3A_510 = arith.index_cast %add3A_509 : i32 to index
        %get3A_511 = arith.constant 0 : index
        %get3A_512 = tpu.vector_load %arg11[%get3A_510, %get3A_511] {strides = array<i32>} : memref<120x64xi32, #tpu.memory_space<vmem>>, vector<1x16xi32>,
        %get3A_513 = vector.shape_cast %get3A_512 : vector<1x16xi32> to vector<16xi32>
        %shift_left3A_514 = arith.constant 16 : i32
        %shift_left3A_515 = vector.broadcast %shift_left3A_514 : i32 to vector<16xi32>
        %shift_left3A_516 = arith.shli %get3A_513, %shift_left3A_515 : vector<16xi32>
        %bitcast_convert_type3A_517 = tpu.bitcast %shift_left3A_516 : vector<16xi32> -> vector<16xf32>
        %and3A_518 = arith.constant -65536 : i32
        %and3A_519 = vector.broadcast %and3A_518 : i32 to vector<16xi32>
        %and3A_520 = arith.andi %get3A_513, %and3A_519 : vector<16xi32>
        %bitcast_convert_type3A_521 = tpu.bitcast %and3A_520 : vector<16xi32> -> vector<16xf32>
        %swap3A_522 = arith.index_cast %add3A_509 : i32 to index
        %swap3A_523 = arith.constant 0 : index
        %swap3A_524 = tpu.vector_load %arg13[%swap3A_522, %swap3A_523] {strides = array<i32>} : memref<120x128xf32, #tpu.memory_space<vmem>>, vector<1x16xf32>,
        %swap3A_525 = vector.shape_cast %swap3A_524 : vector<1x16xf32> to vector<16xf32>
        %swap3A_526 = vector.shape_cast %bitcast_convert_type3A_517 : vector<16xf32> to vector<1x16xf32>
        tpu.vector_store %arg13[%swap3A_522, %swap3A_523], %swap3A_526 {strides = array<i32>} : memref<120x128xf32, #tpu.memory_space<vmem>>, vector<1x16xf32>,
        %swap3A_527 = arith.index_cast %add3A_509 : i32 to index
        %swap3A_528 = arith.constant 64 : index
        %swap3A_529 = tpu.vector_load %arg13[%swap3A_527, %swap3A_528] {strides = array<i32>} : memref<120x128xf32, #tpu.memory_space<vmem>>, vector<1x16xf32>,
        %swap3A_530 = vector.shape_cast %swap3A_529 : vector<1x16xf32> to vector<16xf32>
        %swap3A_531 = vector.shape_cast %bitcast_convert_type3A_521 : vector<16xf32> to vector<1x16xf32>
        tpu.vector_store %arg13[%swap3A_527, %swap3A_528], %swap3A_531 {strides = array<i32>} : memref<120x128xf32, #tpu.memory_space<vmem>>, vector<1x16xf32>,
        %get3A_532 = arith.index_cast %add3A_509 : i32 to index
        %get3A_533 = arith.constant 16 : index
        %get3A_534 = tpu.vector_load %arg11[%get3A_532, %get3A_533] {strides = array<i32>} : memref<120x64xi32, #tpu.memory_space<vmem>>, vector<1x16xi32>,
        %get3A_535 = vector.shape_cast %get3A_534 : vector<1x16xi32> to vector<16xi32>
        %shift_left3A_536 = arith.constant 16 : i32
        %shift_left3A_537 = vector.broadcast %shift_left3A_536 : i32 to vector<16xi32>
        %shift_left3A_538 = arith.shli %get3A_535, %shift_left3A_537 : vector<16xi32>
        %bitcast_convert_type3A_539 = tpu.bitcast %shift_left3A_538 : vector<16xi32> -> vector<16xf32>
        %and3A_540 = arith.constant -65536 : i32
        %and3A_541 = vector.broadcast %and3A_540 : i32 to vector<16xi32>
        %and3A_542 = arith.andi %get3A_535, %and3A_541 : vector<16xi32>
        %bitcast_convert_type3A_543 = tpu.bitcast %and3A_542 : vector<16xi32> -> vector<16xf32>
        %swap3A_544 = arith.index_cast %add3A_509 : i32 to index
        %swap3A_545 = arith.constant 16 : index
        %swap3A_546 = tpu.vector_load %arg13[%swap3A_544, %swap3A_545] {strides = array<i32>} : memref<120x128xf32, #tpu.memory_space<vmem>>, vector<1x16xf32>,
        %swap3A_547 = vector.shape_cast %swap3A_546 : vector<1x16xf32> to vector<16xf32>
        %swap3A_548 = vector.shape_cast %bitcast_convert_type3A_539 : vector<16xf32> to vector<1x16xf32>
        tpu.vector_store %arg13[%swap3A_544, %swap3A_545], %swap3A_548 {strides = array<i32>} : memref<120x128xf32, #tpu.memory_space<vmem>>, vector<1x16xf32>,
        %swap3A_549 = arith.index_cast %add3A_509 : i32 to index
        %swap3A_550 = arith.constant 80 : index
        %swap3A_551 = tpu.vector_load %arg13[%swap3A_549, %swap3A_550] {strides = array<i32>} : memref<120x128xf32, #tpu.memory_space<vmem>>, vector<1x16xf32>,
        %swap3A_552 = vector.shape_cast %swap3A_551 : vector<1x16xf32> to vector<16xf32>
        %swap3A_553 = vector.shape_cast %bitcast_convert_type3A_543 : vector<16xf32> to vector<1x16xf32>
        tpu.vector_store %arg13[%swap3A_549, %swap3A_550], %swap3A_553 {strides = array<i32>} : memref<120x128xf32, #tpu.memory_space<vmem>>, vector<1x16xf32>,
        %get3A_554 = arith.index_cast %add3A_509 : i32 to index
        %get3A_555 = arith.constant 32 : index
        %get3A_556 = tpu.vector_load %arg11[%get3A_554, %get3A_555] {strides = array<i32>} : memref<120x64xi32, #tpu.memory_space<vmem>>, vector<1x16xi32>,
        %get3A_557 = vector.shape_cast %get3A_556 : vector<1x16xi32> to vector<16xi32>
        %shift_left3A_558 = arith.constant 16 : i32
        %shift_left3A_559 = vector.broadcast %shift_left3A_558 : i32 to vector<16xi32>
        %shift_left3A_560 = arith.shli %get3A_557, %shift_left3A_559 : vector<16xi32>
        %bitcast_convert_type3A_561 = tpu.bitcast %shift_left3A_560 : vector<16xi32> -> vector<16xf32>
        %and3A_562 = arith.constant -65536 : i32
        %and3A_563 = vector.broadcast %and3A_562 : i32 to vector<16xi32>
        %and3A_564 = arith.andi %get3A_557, %and3A_563 : vector<16xi32>
        %bitcast_convert_type3A_565 = tpu.bitcast %and3A_564 : vector<16xi32> -> vector<16xf32>
        %swap3A_566 = arith.index_cast %add3A_509 : i32 to index
        %swap3A_567 = arith.constant 32 : index
        %swap3A_568 = tpu.vector_load %arg13[%swap3A_566, %swap3A_567] {strides = array<i32>} : memref<120x128xf32, #tpu.memory_space<vmem>>, vector<1x16xf32>,
        %swap3A_569 = vector.shape_cast %swap3A_568 : vector<1x16xf32> to vector<16xf32>
        %swap3A_570 = vector.shape_cast %bitcast_convert_type3A_561 : vector<16xf32> to vector<1x16xf32>
        tpu.vector_store %arg13[%swap3A_566, %swap3A_567], %swap3A_570 {strides = array<i32>} : memref<120x128xf32, #tpu.memory_space<vmem>>, vector<1x16xf32>,
        %swap3A_571 = arith.index_cast %add3A_509 : i32 to index
        %swap3A_572 = arith.constant 96 : index
        %swap3A_573 = tpu.vector_load %arg13[%swap3A_571, %swap3A_572] {strides = array<i32>} : memref<120x128xf32, #tpu.memory_space<vmem>>, vector<1x16xf32>,
        %swap3A_574 = vector.shape_cast %swap3A_573 : vector<1x16xf32> to vector<16xf32>
        %swap3A_575 = vector.shape_cast %bitcast_convert_type3A_565 : vector<16xf32> to vector<1x16xf32>
        tpu.vector_store %arg13[%swap3A_571, %swap3A_572], %swap3A_575 {strides = array<i32>} : memref<120x128xf32, #tpu.memory_space<vmem>>, vector<1x16xf32>,
        %get3A_576 = arith.index_cast %add3A_509 : i32 to index
        %get3A_577 = arith.constant 48 : index
        %get3A_578 = tpu.vector_load %arg11[%get3A_576, %get3A_577] {strides = array<i32>} : memref<120x64xi32, #tpu.memory_space<vmem>>, vector<1x16xi32>,
        %get3A_579 = vector.shape_cast %get3A_578 : vector<1x16xi32> to vector<16xi32>
        %shift_left3A_580 = arith.constant 16 : i32
        %shift_left3A_581 = vector.broadcast %shift_left3A_580 : i32 to vector<16xi32>
        %shift_left3A_582 = arith.shli %get3A_579, %shift_left3A_581 : vector<16xi32>
        %bitcast_convert_type3A_583 = tpu.bitcast %shift_left3A_582 : vector<16xi32> -> vector<16xf32>
        %and3A_584 = arith.constant -65536 : i32
        %and3A_585 = vector.broadcast %and3A_584 : i32 to vector<16xi32>
        %and3A_586 = arith.andi %get3A_579, %and3A_585 : vector<16xi32>
        %bitcast_convert_type3A_587 = tpu.bitcast %and3A_586 : vector<16xi32> -> vector<16xf32>
        %swap3A_588 = arith.index_cast %add3A_509 : i32 to index
        %swap3A_589 = arith.constant 48 : index
        %swap3A_590 = tpu.vector_load %arg13[%swap3A_588, %swap3A_589] {strides = array<i32>} : memref<120x128xf32, #tpu.memory_space<vmem>>, vector<1x16xf32>,
        %swap3A_591 = vector.shape_cast %swap3A_590 : vector<1x16xf32> to vector<16xf32>
        %swap3A_592 = vector.shape_cast %bitcast_convert_type3A_583 : vector<16xf32> to vector<1x16xf32>
        tpu.vector_store %arg13[%swap3A_588, %swap3A_589], %swap3A_592 {strides = array<i32>} : memref<120x128xf32, #tpu.memory_space<vmem>>, vector<1x16xf32>,
        %swap3A_593 = arith.index_cast %add3A_509 : i32 to index
        %swap3A_594 = arith.constant 112 : index
        %swap3A_595 = tpu.vector_load %arg13[%swap3A_593, %swap3A_594] {strides = array<i32>} : memref<120x128xf32, #tpu.memory_space<vmem>>, vector<1x16xf32>,
        %swap3A_596 = vector.shape_cast %swap3A_595 : vector<1x16xf32> to vector<16xf32>
        %swap3A_597 = vector.shape_cast %bitcast_convert_type3A_587 : vector<16xf32> to vector<1x16xf32>
        tpu.vector_store %arg13[%swap3A_593, %swap3A_594], %swap3A_597 {strides = array<i32>} : memref<120x128xf32, #tpu.memory_space<vmem>>, vector<1x16xf32>,
        %mul3A_598 = arith.constant 4 : i32
        %mul3A_599 = arith.muli %mul3A_598, %scan3A_325 : i32
        %add3A_600 = arith.constant 3 : i32
        %add3A_601 = arith.addi %mul3A_599, %add3A_600 : i32
        %get3A_602 = arith.index_cast %add3A_601 : i32 to index
        %get3A_603 = arith.constant 0 : index
        %get3A_604 = tpu.vector_load %arg11[%get3A_602, %get3A_603] {strides = array<i32>} : memref<120x64xi32, #tpu.memory_space<vmem>>, vector<1x16xi32>,
        %get3A_605 = vector.shape_cast %get3A_604 : vector<1x16xi32> to vector<16xi32>
        %shift_left3A_606 = arith.constant 16 : i32
        %shift_left3A_607 = vector.broadcast %shift_left3A_606 : i32 to vector<16xi32>
        %shift_left3A_608 = arith.shli %get3A_605, %shift_left3A_607 : vector<16xi32>
        %bitcast_convert_type3A_609 = tpu.bitcast %shift_left3A_608 : vector<16xi32> -> vector<16xf32>
        %and3A_610 = arith.constant -65536 : i32
        %and3A_611 = vector.broadcast %and3A_610 : i32 to vector<16xi32>
        %and3A_612 = arith.andi %get3A_605, %and3A_611 : vector<16xi32>
        %bitcast_convert_type3A_613 = tpu.bitcast %and3A_612 : vector<16xi32> -> vector<16xf32>
        %swap3A_614 = arith.index_cast %add3A_601 : i32 to index
        %swap3A_615 = arith.constant 0 : index
        %swap3A_616 = tpu.vector_load %arg13[%swap3A_614, %swap3A_615] {strides = array<i32>} : memref<120x128xf32, #tpu.memory_space<vmem>>, vector<1x16xf32>,
        %swap3A_617 = vector.shape_cast %swap3A_616 : vector<1x16xf32> to vector<16xf32>
        %swap3A_618 = vector.shape_cast %bitcast_convert_type3A_609 : vector<16xf32> to vector<1x16xf32>
        tpu.vector_store %arg13[%swap3A_614, %swap3A_615], %swap3A_618 {strides = array<i32>} : memref<120x128xf32, #tpu.memory_space<vmem>>, vector<1x16xf32>,
        %swap3A_619 = arith.index_cast %add3A_601 : i32 to index
        %swap3A_620 = arith.constant 64 : index
        %swap3A_621 = tpu.vector_load %arg13[%swap3A_619, %swap3A_620] {strides = array<i32>} : memref<120x128xf32, #tpu.memory_space<vmem>>, vector<1x16xf32>,
        %swap3A_622 = vector.shape_cast %swap3A_621 : vector<1x16xf32> to vector<16xf32>
        %swap3A_623 = vector.shape_cast %bitcast_convert_type3A_613 : vector<16xf32> to vector<1x16xf32>
        tpu.vector_store %arg13[%swap3A_619, %swap3A_620], %swap3A_623 {strides = array<i32>} : memref<120x128xf32, #tpu.memory_space<vmem>>, vector<1x16xf32>,
        %get3A_624 = arith.index_cast %add3A_601 : i32 to index
        %get3A_625 = arith.constant 16 : index
        %get3A_626 = tpu.vector_load %arg11[%get3A_624, %get3A_625] {strides = array<i32>} : memref<120x64xi32, #tpu.memory_space<vmem>>, vector<1x16xi32>,
        %get3A_627 = vector.shape_cast %get3A_626 : vector<1x16xi32> to vector<16xi32>
        %shift_left3A_628 = arith.constant 16 : i32
        %shift_left3A_629 = vector.broadcast %shift_left3A_628 : i32 to vector<16xi32>
        %shift_left3A_630 = arith.shli %get3A_627, %shift_left3A_629 : vector<16xi32>
        %bitcast_convert_type3A_631 = tpu.bitcast %shift_left3A_630 : vector<16xi32> -> vector<16xf32>
        %and3A_632 = arith.constant -65536 : i32
        %and3A_633 = vector.broadcast %and3A_632 : i32 to vector<16xi32>
        %and3A_634 = arith.andi %get3A_627, %and3A_633 : vector<16xi32>
        %bitcast_convert_type3A_635 = tpu.bitcast %and3A_634 : vector<16xi32> -> vector<16xf32>
        %swap3A_636 = arith.index_cast %add3A_601 : i32 to index
        %swap3A_637 = arith.constant 16 : index
        %swap3A_638 = tpu.vector_load %arg13[%swap3A_636, %swap3A_637] {strides = array<i32>} : memref<120x128xf32, #tpu.memory_space<vmem>>, vector<1x16xf32>,
        %swap3A_639 = vector.shape_cast %swap3A_638 : vector<1x16xf32> to vector<16xf32>
        %swap3A_640 = vector.shape_cast %bitcast_convert_type3A_631 : vector<16xf32> to vector<1x16xf32>
        tpu.vector_store %arg13[%swap3A_636, %swap3A_637], %swap3A_640 {strides = array<i32>} : memref<120x128xf32, #tpu.memory_space<vmem>>, vector<1x16xf32>,
        %swap3A_641 = arith.index_cast %add3A_601 : i32 to index
        %swap3A_642 = arith.constant 80 : index
        %swap3A_643 = tpu.vector_load %arg13[%swap3A_641, %swap3A_642] {strides = array<i32>} : memref<120x128xf32, #tpu.memory_space<vmem>>, vector<1x16xf32>,
        %swap3A_644 = vector.shape_cast %swap3A_643 : vector<1x16xf32> to vector<16xf32>
        %swap3A_645 = vector.shape_cast %bitcast_convert_type3A_635 : vector<16xf32> to vector<1x16xf32>
        tpu.vector_store %arg13[%swap3A_641, %swap3A_642], %swap3A_645 {strides = array<i32>} : memref<120x128xf32, #tpu.memory_space<vmem>>, vector<1x16xf32>,
        %get3A_646 = arith.index_cast %add3A_601 : i32 to index
        %get3A_647 = arith.constant 32 : index
        %get3A_648 = tpu.vector_load %arg11[%get3A_646, %get3A_647] {strides = array<i32>} : memref<120x64xi32, #tpu.memory_space<vmem>>, vector<1x16xi32>,
        %get3A_649 = vector.shape_cast %get3A_648 : vector<1x16xi32> to vector<16xi32>
        %shift_left3A_650 = arith.constant 16 : i32
        %shift_left3A_651 = vector.broadcast %shift_left3A_650 : i32 to vector<16xi32>
        %shift_left3A_652 = arith.shli %get3A_649, %shift_left3A_651 : vector<16xi32>
        %bitcast_convert_type3A_653 = tpu.bitcast %shift_left3A_652 : vector<16xi32> -> vector<16xf32>
        %and3A_654 = arith.constant -65536 : i32
        %and3A_655 = vector.broadcast %and3A_654 : i32 to vector<16xi32>
        %and3A_656 = arith.andi %get3A_649, %and3A_655 : vector<16xi32>
        %bitcast_convert_type3A_657 = tpu.bitcast %and3A_656 : vector<16xi32> -> vector<16xf32>
        %swap3A_658 = arith.index_cast %add3A_601 : i32 to index
        %swap3A_659 = arith.constant 32 : index
        %swap3A_660 = tpu.vector_load %arg13[%swap3A_658, %swap3A_659] {strides = array<i32>} : memref<120x128xf32, #tpu.memory_space<vmem>>, vector<1x16xf32>,
        %swap3A_661 = vector.shape_cast %swap3A_660 : vector<1x16xf32> to vector<16xf32>
        %swap3A_662 = vector.shape_cast %bitcast_convert_type3A_653 : vector<16xf32> to vector<1x16xf32>
        tpu.vector_store %arg13[%swap3A_658, %swap3A_659], %swap3A_662 {strides = array<i32>} : memref<120x128xf32, #tpu.memory_space<vmem>>, vector<1x16xf32>,
        %swap3A_663 = arith.index_cast %add3A_601 : i32 to index
        %swap3A_664 = arith.constant 96 : index
        %swap3A_665 = tpu.vector_load %arg13[%swap3A_663, %swap3A_664] {strides = array<i32>} : memref<120x128xf32, #tpu.memory_space<vmem>>, vector<1x16xf32>,
        %swap3A_666 = vector.shape_cast %swap3A_665 : vector<1x16xf32> to vector<16xf32>
        %swap3A_667 = vector.shape_cast %bitcast_convert_type3A_657 : vector<16xf32> to vector<1x16xf32>
        tpu.vector_store %arg13[%swap3A_663, %swap3A_664], %swap3A_667 {strides = array<i32>} : memref<120x128xf32, #tpu.memory_space<vmem>>, vector<1x16xf32>,
        %get3A_668 = arith.index_cast %add3A_601 : i32 to index
        %get3A_669 = arith.constant 48 : index
        %get3A_670 = tpu.vector_load %arg11[%get3A_668, %get3A_669] {strides = array<i32>} : memref<120x64xi32, #tpu.memory_space<vmem>>, vector<1x16xi32>,
        %get3A_671 = vector.shape_cast %get3A_670 : vector<1x16xi32> to vector<16xi32>
        %shift_left3A_672 = arith.constant 16 : i32
        %shift_left3A_673 = vector.broadcast %shift_left3A_672 : i32 to vector<16xi32>
        %shift_left3A_674 = arith.shli %get3A_671, %shift_left3A_673 : vector<16xi32>
        %bitcast_convert_type3A_675 = tpu.bitcast %shift_left3A_674 : vector<16xi32> -> vector<16xf32>
        %and3A_676 = arith.constant -65536 : i32
        %and3A_677 = vector.broadcast %and3A_676 : i32 to vector<16xi32>
        %and3A_678 = arith.andi %get3A_671, %and3A_677 : vector<16xi32>
        %bitcast_convert_type3A_679 = tpu.bitcast %and3A_678 : vector<16xi32> -> vector<16xf32>
        %swap3A_680 = arith.index_cast %add3A_601 : i32 to index
        %swap3A_681 = arith.constant 48 : index
        %swap3A_682 = tpu.vector_load %arg13[%swap3A_680, %swap3A_681] {strides = array<i32>} : memref<120x128xf32, #tpu.memory_space<vmem>>, vector<1x16xf32>,
        %swap3A_683 = vector.shape_cast %swap3A_682 : vector<1x16xf32> to vector<16xf32>
        %swap3A_684 = vector.shape_cast %bitcast_convert_type3A_675 : vector<16xf32> to vector<1x16xf32>
        tpu.vector_store %arg13[%swap3A_680, %swap3A_681], %swap3A_684 {strides = array<i32>} : memref<120x128xf32, #tpu.memory_space<vmem>>, vector<1x16xf32>,
        %swap3A_685 = arith.index_cast %add3A_601 : i32 to index
        %swap3A_686 = arith.constant 112 : index
        %swap3A_687 = tpu.vector_load %arg13[%swap3A_685, %swap3A_686] {strides = array<i32>} : memref<120x128xf32, #tpu.memory_space<vmem>>, vector<1x16xf32>,
        %swap3A_688 = vector.shape_cast %swap3A_687 : vector<1x16xf32> to vector<16xf32>
        %swap3A_689 = vector.shape_cast %bitcast_convert_type3A_679 : vector<16xf32> to vector<1x16xf32>
        tpu.vector_store %arg13[%swap3A_685, %swap3A_686], %swap3A_689 {strides = array<i32>} : memref<120x128xf32, #tpu.memory_space<vmem>>, vector<1x16xf32>,
        %scan3A_690 = arith.constant 0 : i32
        scf.yield %scan3A_690 : i32
      }
      %scan3A_300 = arith.constant 30 : i32
      %add3A_301 = arith.constant 2 : i32
      %add3A_302 = arith.addi %add3A_268, %add3A_301 : i32
      %lt3A_303 = arith.constant 84 : i32
      %lt3A_304 = arith.cmpi slt, %add3A_302, %lt3A_303 : i32
      %convert_element_type3A_305 = arith.extui %lt3A_304 : i1 to i32
      %cond3A_306 = arith.constant 0 : i32
      %cond3A_307 = arith.cmpi ne, %convert_element_type3A_305, %cond3A_306 : i32
      scf.if %cond3A_307 {
        %dma_wait3A_325 = arith.constant 0 : i32
        %dma_wait3A_326 = arith.constant 0 : i32
        %dma_wait3A_327 = arith.constant 0 : i32
        %dma_wait3A_328 = arith.constant 0 : i32
        %dma_wait3A_329 = tpu.memref_slice %arg3[%dma_wait3A_325, %dma_wait3A_326, %dma_wait3A_327, %dma_wait3A_328] : memref<2x16x84x120xi32, #tpu.memory_space<hbm>> -> memref<1x1x1x120xi32, #tpu.memory_space<hbm>>
        %dma_wait3A_330 = tpu.memref_squeeze %dma_wait3A_329 : memref<1x1x1x120xi32, #tpu.memory_space<hbm>> -> memref<1x120xi32, #tpu.memory_space<hbm>>
        %dma_wait3A_331 = arith.constant 0 : i32
        %dma_wait3A_332 = arith.constant 0 : i32
        %dma_wait3A_333 = tpu.memref_slice %arg3[%dma_wait3A_325, %dma_wait3A_326, %dma_wait3A_331, %dma_wait3A_332] : memref<2x16x84x120xi32, #tpu.memory_space<hbm>> -> memref<1x1x1x120xi32, #tpu.memory_space<hbm>>
        %dma_wait3A_334 = tpu.memref_squeeze %dma_wait3A_333 : memref<1x1x1x120xi32, #tpu.memory_space<hbm>> -> memref<1x120xi32, #tpu.memory_space<hbm>>
        tpu.wait_dma2 semaphore(%arg18 : memref<!tpu.dma_semaphore, #tpu.memory_space<semaphore_mem>>) src(%dma_wait3A_334 : memref<1x120xi32, #tpu.memory_space<hbm>>) dst(%arg7 : memref<1x120xi32, #tpu.memory_space<vmem>>)
        %dma_start3A_335 = arith.constant 0 : i32
        %dma_start3A_336 = arith.constant 0 : i32
        %dma_start3A_337 = tpu.memref_slice %arg7[%dma_start3A_335, %dma_start3A_336] : memref<1x120xi32, #tpu.memory_space<vmem>> -> memref<1x120xi32, #tpu.memory_space<vmem>>
        %dma_start3A_338 = tpu.memref_squeeze %dma_start3A_337 : memref<1x120xi32, #tpu.memory_space<vmem>> -> memref<120xi32, #tpu.memory_space<vmem>>
        %dma_start3A_339 = arith.constant 0 : i32
        %dma_start3A_340 = arith.constant 0 : i32
        %dma_start3A_341 = tpu.memref_slice %arg2[%dma_start3A_339, %dma_start3A_340] : memref<20480x64xi32, #tpu.memory_space<hbm>> -> memref<20480x64xi32, #tpu.memory_space<hbm>>
        tpu.enqueue_indirect_dma source(%dma_start3A_341 : memref<20480x64xi32, #tpu.memory_space<hbm>>) target(%arg11 : memref<120x64xi32, #tpu.memory_space<vmem>>) offsets(%dma_start3A_338 : memref<120xi32, #tpu.memory_space<vmem>>) semaphore(%arg15 : memref<!tpu.dma_semaphore, #tpu.memory_space<semaphore_mem>>)
      } else {
      }
      %dma_wait3A_308 = arith.constant 0 : i32
      %dma_wait3A_309 = arith.constant 0 : i32
      %dma_wait3A_310 = arith.constant 0 : i32
      %dma_wait3A_311 = tpu.memref_slice %arg4[%dma_wait3A_308, %dma_wait3A_309, %dma_wait3A_310] : memref<16x84x120xi32, #tpu.memory_space<hbm>> -> memref<1x1x120xi32, #tpu.memory_space<hbm>>
      %dma_wait3A_312 = tpu.memref_squeeze %dma_wait3A_311 : memref<1x1x120xi32, #tpu.memory_space<hbm>> -> memref<1x120xi32, #tpu.memory_space<hbm>>
      %dma_wait3A_313 = arith.constant 0 : i32
      %dma_wait3A_314 = arith.constant 0 : i32
      %dma_wait3A_315 = tpu.memref_slice %arg4[%dma_wait3A_308, %dma_wait3A_313, %dma_wait3A_314] : memref<16x84x120xi32, #tpu.memory_space<hbm>> -> memref<1x1x120xi32, #tpu.memory_space<hbm>>
      %dma_wait3A_316 = tpu.memref_squeeze %dma_wait3A_315 : memref<1x1x120xi32, #tpu.memory_space<hbm>> -> memref<1x120xi32, #tpu.memory_space<hbm>>
      tpu.wait_dma2 semaphore(%arg16 : memref<!tpu.dma_semaphore, #tpu.memory_space<semaphore_mem>>) src(%dma_wait3A_316 : memref<1x120xi32, #tpu.memory_space<hbm>>) dst(%arg9 : memref<1x120xi32, #tpu.memory_space<vmem>>)
      %dma_start3A_317 = arith.constant 0 : i32
      %dma_start3A_318 = arith.constant 0 : i32
      %dma_start3A_319 = tpu.memref_slice %arg9[%dma_start3A_317, %dma_start3A_318] : memref<1x120xi32, #tpu.memory_space<vmem>> -> memref<1x120xi32, #tpu.memory_space<vmem>>
      %dma_start3A_320 = tpu.memref_squeeze %dma_start3A_319 : memref<1x120xi32, #tpu.memory_space<vmem>> -> memref<120xi32, #tpu.memory_space<vmem>>
      %dma_start3A_321 = arith.constant 0 : i32
      %dma_start3A_322 = arith.constant 0 : i32
      %dma_start3A_323 = tpu.memref_slice %arg14[%dma_start3A_321, %dma_start3A_322] : memref<10240x128xf32, #tpu.memory_space<vmem_shared>> -> memref<10240x128xf32, #tpu.memory_space<vmem_shared>>
      tpu.enqueue_indirect_dma source(%arg13 : memref<120x128xf32, #tpu.memory_space<vmem>>) target(%dma_start3A_323 : memref<10240x128xf32, #tpu.memory_space<vmem_shared>>) offsets(%dma_start3A_320 : memref<120xi32, #tpu.memory_space<vmem>>) semaphore(%arg17 : memref<!tpu.dma_semaphore, #tpu.memory_space<semaphore_mem>>) {add = true}
      %scan3A_324 = arith.constant 0 : i32
      scf.yield %scan3A_324 : i32
    }
    %scan3A_193 = arith.constant 41 : i32
    %dma_wait3A_194 = arith.constant 0 : i32
    %dma_wait3A_195 = arith.constant 0 : i32
    %dma_wait3A_196 = tpu.memref_slice %arg14[%dma_wait3A_194, %dma_wait3A_195] : memref<10240x128xf32, #tpu.memory_space<vmem_shared>> -> memref<120x128xf32, #tpu.memory_space<vmem_shared>>
    %dma_wait3A_197 = arith.constant 0 : i32
    %dma_wait3A_198 = arith.constant 0 : i32
    %dma_wait3A_199 = tpu.memref_slice %arg14[%dma_wait3A_197, %dma_wait3A_198] : memref<10240x128xf32, #tpu.memory_space<vmem_shared>> -> memref<120x128xf32, #tpu.memory_space<vmem_shared>>
    tpu.wait_dma2 semaphore(%arg17 : memref<!tpu.dma_semaphore, #tpu.memory_space<semaphore_mem>>) src(%arg12 : memref<120x128xf32, #tpu.memory_space<vmem>>) dst(%dma_wait3A_199 : memref<120x128xf32, #tpu.memory_space<vmem_shared>>)
    %dma_wait3A_200 = arith.constant 0 : i32
    %dma_wait3A_201 = arith.constant 0 : i32
    %dma_wait3A_202 = tpu.memref_slice %arg14[%dma_wait3A_200, %dma_wait3A_201] : memref<10240x128xf32, #tpu.memory_space<vmem_shared>> -> memref<120x128xf32, #tpu.memory_space<vmem_shared>>
    %dma_wait3A_203 = arith.constant 0 : i32
    %dma_wait3A_204 = arith.constant 0 : i32
    %dma_wait3A_205 = tpu.memref_slice %arg14[%dma_wait3A_203, %dma_wait3A_204] : memref<10240x128xf32, #tpu.memory_space<vmem_shared>> -> memref<120x128xf32, #tpu.memory_space<vmem_shared>>
    tpu.wait_dma2 semaphore(%arg17 : memref<!tpu.dma_semaphore, #tpu.memory_space<semaphore_mem>>) src(%arg13 : memref<120x128xf32, #tpu.memory_space<vmem>>) dst(%dma_wait3A_205 : memref<120x128xf32, #tpu.memory_space<vmem_shared>>)
    %barrier3A_206 = arith.constant 0 : index
    tpu.barrier barrier_id(%barrier3A_206)
    %mul3A_207 = arith.constant 640 : i32
    %mul3A_208 = arith.muli %arg1, %mul3A_207 : i32
    "tpu.region"() ({
      %run_scoped3A = tpu.sem_alloc : memref<!tpu.dma_semaphore, #tpu.memory_space<semaphore_mem>>
      %dma_start3A_209 = arith.constant 0 : i32
      %dma_start3A_210 = tpu.memref_slice %arg5[%arg0, %mul3A_208, %dma_start3A_209] : memref<2x10240x128xf32, #tpu.memory_space<hbm>> -> memref<1x640x128xf32, #tpu.memory_space<hbm>>
      %dma_start3A_211 = tpu.memref_squeeze %dma_start3A_210 : memref<1x640x128xf32, #tpu.memory_space<hbm>> -> memref<640x128xf32, #tpu.memory_space<hbm>>
      %dma_start3A_212 = arith.constant 0 : i32
      %dma_start3A_213 = tpu.memref_slice %arg14[%mul3A_208, %dma_start3A_212] : memref<10240x128xf32, #tpu.memory_space<vmem_shared>> -> memref<640x128xf32, #tpu.memory_space<vmem_shared>>
      tpu.enqueue_dma source(%dma_start3A_213 : memref<640x128xf32, #tpu.memory_space<vmem_shared>>) target(%dma_start3A_211 : memref<640x128xf32, #tpu.memory_space<hbm>>) target_semaphore(%run_scoped3A : memref<!tpu.dma_semaphore, #tpu.memory_space<semaphore_mem>>)
      %dma_wait3A_214 = arith.constant 0 : i32
      %dma_wait3A_215 = tpu.memref_slice %arg5[%arg0, %mul3A_208, %dma_wait3A_214] : memref<2x10240x128xf32, #tpu.memory_space<hbm>> -> memref<1x640x128xf32, #tpu.memory_space<hbm>>
      %dma_wait3A_216 = tpu.memref_squeeze %dma_wait3A_215 : memref<1x640x128xf32, #tpu.memory_space<hbm>> -> memref<640x128xf32, #tpu.memory_space<hbm>>
      %dma_wait3A_217 = arith.constant 0 : i32
      %dma_wait3A_218 = tpu.memref_slice %arg14[%mul3A_208, %dma_wait3A_217] : memref<10240x128xf32, #tpu.memory_space<vmem_shared>> -> memref<640x128xf32, #tpu.memory_space<vmem_shared>>
      tpu.wait_dma2 semaphore(%run_scoped3A : memref<!tpu.dma_semaphore, #tpu.memory_space<semaphore_mem>>) src(%dma_wait3A_218 : memref<640x128xf32, #tpu.memory_space<vmem_shared>>) dst(%dma_wait3A_216 : memref<640x128xf32, #tpu.memory_space<hbm>>)
      tpu.yield
    }) : () -> ()
    return
  }
}

module attributes {stable_mosaic.version = 14 : i64} {
  func.func @body(%arg0: i32, %arg1: memref<1x2000x128xf32, #tpu.memory_space<vmem>>, %arg2: memref<1x2000x128xf32, #tpu.memory_space<vmem>>, %arg3: memref<1x2000x16xf32, #tpu.memory_space<vmem>>, %arg4: memref<1x2000x16xf32, #tpu.memory_space<vmem>>, %arg5: memref<2000x256xf32, #tpu.memory_space<vmem>>, %arg6: memref<128x256xf32, #tpu.memory_space<vmem>>, %arg7: memref<128x256xf32, #tpu.memory_space<vmem>>, %arg8: memref<1x256xf32, #tpu.memory_space<vmem>>, %arg9: memref<256x256xf32, #tpu.memory_space<vmem>>, %arg10: memref<256x128xf32, #tpu.memory_space<vmem>>, %arg11: memref<1x128xf32, #tpu.memory_space<vmem>>, %arg12: memref<128x32xf32, #tpu.memory_space<vmem>>, %arg13: memref<1x32xf32, #tpu.memory_space<vmem>>, %arg14: memref<32x1xf32, #tpu.memory_space<vmem>>, %arg15: memref<1x1xf32, #tpu.memory_space<vmem>>, %arg16: memref<2000x1xf32, #tpu.memory_space<vmem>>) attributes {dimension_semantics = [#tpu.dimension_semantics<arbitrary>], iteration_bounds = array<i64: 5>, scalar_prefetch = 0 : i64, scratch_operands = 0 : i64, tpu.core_type = #tpu.core_type<tc>, window_params = [{transform_indices = @transform_0, window_bounds = array<i64: 1, 2000, 128>}, {transform_indices = @transform_1, window_bounds = array<i64: 1, 2000, 128>}, {transform_indices = @transform_2, window_bounds = array<i64: 1, 2000, 16>}, {transform_indices = @transform_3, window_bounds = array<i64: 1, 2000, 16>}, {transform_indices = @transform_4, window_bounds = array<i64: 2000, 256>}, {pipeline_mode = #tpu.pipeline_mode<synchronous>, transform_indices = @transform_5, window_bounds = array<i64: 128, 256>}, {pipeline_mode = #tpu.pipeline_mode<synchronous>, transform_indices = @transform_6, window_bounds = array<i64: 128, 256>}, {pipeline_mode = #tpu.pipeline_mode<synchronous>, transform_indices = @transform_7, window_bounds = array<i64: 1, 256>}, {pipeline_mode = #tpu.pipeline_mode<synchronous>, transform_indices = @transform_8, window_bounds = array<i64: 256, 256>}, {pipeline_mode = #tpu.pipeline_mode<synchronous>, transform_indices = @transform_9, window_bounds = array<i64: 256, 128>}, {pipeline_mode = #tpu.pipeline_mode<synchronous>, transform_indices = @transform_10, window_bounds = array<i64: 1, 128>}, {pipeline_mode = #tpu.pipeline_mode<synchronous>, transform_indices = @transform_11, window_bounds = array<i64: 128, 32>}, {pipeline_mode = #tpu.pipeline_mode<synchronous>, transform_indices = @transform_12, window_bounds = array<i64: 1, 32>}, {pipeline_mode = #tpu.pipeline_mode<synchronous>, transform_indices = @transform_13, window_bounds = array<i64: 32, 1>}, {pipeline_mode = #tpu.pipeline_mode<synchronous>, transform_indices = @transform_14, window_bounds = array<i64: 1, 1>}, {transform_indices = @transform_15, window_bounds = array<i64: 2000, 1>}]} {
    %get3A = arith.constant 0 : index
    %get3A_0 = arith.constant 0 : index
    %get3A_1 = arith.constant 0 : index
    %get3A_2 = vector.load %arg3[%get3A, %get3A_0, %get3A_1] : memref<1x2000x16xf32, #tpu.memory_space<vmem>>, vector<1x2000x16xf32>
    %get3A_3 = vector.shape_cast %get3A_2 : vector<1x2000x16xf32> to vector<2000x16xf32>
    %slice3A = vector.extract_strided_slice %get3A_3 {offsets = [0, 0], sizes = [2000, 1], strides = [1, 1]} : vector<2000x16xf32> to vector<2000x1xf32>
    %get3A_4 = arith.constant 0 : index
    %get3A_5 = arith.constant 0 : index
    %get3A_6 = arith.constant 0 : index
    %get3A_7 = vector.load %arg4[%get3A_4, %get3A_5, %get3A_6] : memref<1x2000x16xf32, #tpu.memory_space<vmem>>, vector<1x2000x16xf32>
    %get3A_8 = vector.shape_cast %get3A_7 : vector<1x2000x16xf32> to vector<2000x16xf32>
    %slice3A_9 = vector.extract_strided_slice %get3A_8 {offsets = [0, 0], sizes = [2000, 1], strides = [1, 1]} : vector<2000x16xf32> to vector<2000x1xf32>
    %add3A = arith.addf %slice3A, %slice3A_9 : vector<2000x1xf32>
    %max3A = arith.constant 1.000000e+00 : f32
    %max3A_10 = vector.broadcast %max3A : f32 to vector<2000x1xf32>
    %max3A_11 = arith.maximumf %add3A, %max3A_10 : vector<2000x1xf32>
    %div3A = arith.constant 1.000000e+00 : f32
    %div3A_12 = vector.broadcast %div3A : f32 to vector<2000x1xf32>
    %div3A_13 = arith.divf %div3A_12, %max3A_11 : vector<2000x1xf32>
    %get3A_14 = arith.constant 0 : index
    %get3A_15 = arith.constant 0 : index
    %get3A_16 = arith.constant 0 : index
    %get3A_17 = vector.load %arg1[%get3A_14, %get3A_15, %get3A_16] : memref<1x2000x128xf32, #tpu.memory_space<vmem>>, vector<1x2000x128xf32>
    %get3A_18 = vector.shape_cast %get3A_17 : vector<1x2000x128xf32> to vector<2000x128xf32>
    %mul3A = vector.broadcast %div3A_13 : vector<2000x1xf32> to vector<2000x128xf32>
    %mul3A_19 = arith.mulf %get3A_18, %mul3A : vector<2000x128xf32>
    %get3A_20 = arith.constant 0 : index
    %get3A_21 = arith.constant 0 : index
    %get3A_22 = arith.constant 0 : index
    %get3A_23 = vector.load %arg2[%get3A_20, %get3A_21, %get3A_22] : memref<1x2000x128xf32, #tpu.memory_space<vmem>>, vector<1x2000x128xf32>
    %get3A_24 = vector.shape_cast %get3A_23 : vector<1x2000x128xf32> to vector<2000x128xf32>
    %mul3A_25 = vector.broadcast %div3A_13 : vector<2000x1xf32> to vector<2000x128xf32>
    %mul3A_26 = arith.mulf %get3A_24, %mul3A_25 : vector<2000x128xf32>
    %get3A_27 = arith.constant 0 : index
    %get3A_28 = arith.constant 0 : index
    %get3A_29 = vector.load %arg5[%get3A_27, %get3A_28] : memref<2000x256xf32, #tpu.memory_space<vmem>>, vector<2000x256xf32>
    %get3A_30 = arith.constant 0 : index
    %get3A_31 = arith.constant 0 : index
    %get3A_32 = vector.load %arg6[%get3A_30, %get3A_31] : memref<128x256xf32, #tpu.memory_space<vmem>>, vector<128x256xf32>
    %dot_general3A = arith.constant dense<0.000000e+00> : vector<2000x256xf32>
    %dot_general3A_33 = tpu.matmul %mul3A_19, %get3A_32, %dot_general3A {dimension_numbers = #tpu.dot_dimension_numbers<[1], [0], [0], [1], [0, 0, 1, 1], [], []>, transpose_lhs_hint = false} : vector<2000x128xf32>, vector<128x256xf32>, vector<2000x256xf32> -> vector<2000x256xf32>
    %get3A_34 = arith.constant 0 : index
    %get3A_35 = arith.constant 0 : index
    %get3A_36 = vector.load %arg7[%get3A_34, %get3A_35] : memref<128x256xf32, #tpu.memory_space<vmem>>, vector<128x256xf32>
    %dot_general3A_37 = arith.constant dense<0.000000e+00> : vector<2000x256xf32>
    %dot_general3A_38 = tpu.matmul %mul3A_26, %get3A_36, %dot_general3A_37 {dimension_numbers = #tpu.dot_dimension_numbers<[1], [0], [0], [1], [0, 0, 1, 1], [], []>, transpose_lhs_hint = false} : vector<2000x128xf32>, vector<128x256xf32>, vector<2000x256xf32> -> vector<2000x256xf32>
    %add3A_39 = arith.addf %dot_general3A_33, %dot_general3A_38 : vector<2000x256xf32>
    %get3A_40 = arith.constant 0 : index
    %get3A_41 = arith.constant 0 : index
    %get3A_42 = vector.load %arg8[%get3A_40, %get3A_41] : memref<1x256xf32, #tpu.memory_space<vmem>>, vector<1x256xf32>
    %add3A_43 = vector.broadcast %get3A_42 : vector<1x256xf32> to vector<2000x256xf32>
    %add3A_44 = arith.addf %add3A_39, %add3A_43 : vector<2000x256xf32>
    %get3A_45 = arith.constant 0 : index
    %get3A_46 = arith.constant 0 : index
    %get3A_47 = vector.load %arg9[%get3A_45, %get3A_46] : memref<256x256xf32, #tpu.memory_space<vmem>>, vector<256x256xf32>
    %dot_general3A_48 = arith.constant dense<0.000000e+00> : vector<2000x256xf32>
    %dot_general3A_49 = tpu.matmul %get3A_29, %get3A_47, %dot_general3A_48 {dimension_numbers = #tpu.dot_dimension_numbers<[1], [0], [0], [1], [0, 0, 1, 1], [], []>, transpose_lhs_hint = false} : vector<2000x256xf32>, vector<256x256xf32>, vector<2000x256xf32> -> vector<2000x256xf32>
    %add3A_50 = arith.addf %add3A_44, %dot_general3A_49 : vector<2000x256xf32>
    %max3A_51 = arith.constant 0.000000e+00 : f32
    %max3A_52 = vector.broadcast %max3A_51 : f32 to vector<2000x256xf32>
    %max3A_53 = arith.maximumf %add3A_50, %max3A_52 : vector<2000x256xf32>
    %add3A_54 = arith.addf %max3A_53, %get3A_29 : vector<2000x256xf32>
    %get3A_55 = arith.constant 0 : index
    %get3A_56 = arith.constant 0 : index
    %get3A_57 = vector.load %arg10[%get3A_55, %get3A_56] : memref<256x128xf32, #tpu.memory_space<vmem>>, vector<256x128xf32>
    %dot_general3A_58 = arith.constant dense<0.000000e+00> : vector<2000x128xf32>
    %dot_general3A_59 = tpu.matmul %add3A_54, %get3A_57, %dot_general3A_58 {dimension_numbers = #tpu.dot_dimension_numbers<[1], [0], [0], [1], [0, 0, 1, 1], [], []>, transpose_lhs_hint = false} : vector<2000x256xf32>, vector<256x128xf32>, vector<2000x128xf32> -> vector<2000x128xf32>
    %get3A_60 = arith.constant 0 : index
    %get3A_61 = arith.constant 0 : index
    %get3A_62 = vector.load %arg11[%get3A_60, %get3A_61] : memref<1x128xf32, #tpu.memory_space<vmem>>, vector<1x128xf32>
    %add3A_63 = vector.broadcast %get3A_62 : vector<1x128xf32> to vector<2000x128xf32>
    %add3A_64 = arith.addf %dot_general3A_59, %add3A_63 : vector<2000x128xf32>
    %max3A_65 = arith.constant 0.000000e+00 : f32
    %max3A_66 = vector.broadcast %max3A_65 : f32 to vector<2000x128xf32>
    %max3A_67 = arith.maximumf %add3A_64, %max3A_66 : vector<2000x128xf32>
    %get3A_68 = arith.constant 0 : index
    %get3A_69 = arith.constant 0 : index
    %get3A_70 = vector.load %arg12[%get3A_68, %get3A_69] : memref<128x32xf32, #tpu.memory_space<vmem>>, vector<128x32xf32>
    %dot_general3A_71 = arith.constant dense<0.000000e+00> : vector<2000x32xf32>
    %dot_general3A_72 = tpu.matmul %max3A_67, %get3A_70, %dot_general3A_71 {dimension_numbers = #tpu.dot_dimension_numbers<[1], [0], [0], [1], [0, 0, 1, 1], [], []>, transpose_lhs_hint = false} : vector<2000x128xf32>, vector<128x32xf32>, vector<2000x32xf32> -> vector<2000x32xf32>
    %get3A_73 = arith.constant 0 : index
    %get3A_74 = arith.constant 0 : index
    %get3A_75 = vector.load %arg13[%get3A_73, %get3A_74] : memref<1x32xf32, #tpu.memory_space<vmem>>, vector<1x32xf32>
    %add3A_76 = vector.broadcast %get3A_75 : vector<1x32xf32> to vector<2000x32xf32>
    %add3A_77 = arith.addf %dot_general3A_72, %add3A_76 : vector<2000x32xf32>
    %max3A_78 = arith.constant 0.000000e+00 : f32
    %max3A_79 = vector.broadcast %max3A_78 : f32 to vector<2000x32xf32>
    %max3A_80 = arith.maximumf %add3A_77, %max3A_79 : vector<2000x32xf32>
    %get3A_81 = arith.constant 0 : index
    %get3A_82 = arith.constant 0 : index
    %get3A_83 = vector.load %arg14[%get3A_81, %get3A_82] : memref<32x1xf32, #tpu.memory_space<vmem>>, vector<32x1xf32>
    %dot_general3A_84 = arith.constant dense<0.000000e+00> : vector<2000x1xf32>
    %dot_general3A_85 = tpu.matmul %max3A_80, %get3A_83, %dot_general3A_84 {dimension_numbers = #tpu.dot_dimension_numbers<[1], [0], [0], [1], [0, 0, 1, 1], [], []>, transpose_lhs_hint = false} : vector<2000x32xf32>, vector<32x1xf32>, vector<2000x1xf32> -> vector<2000x1xf32>
    %get3A_86 = arith.constant 0 : index
    %get3A_87 = arith.constant 0 : index
    %get3A_88 = vector.load %arg15[%get3A_86, %get3A_87] : memref<1x1xf32, #tpu.memory_space<vmem>>, vector<1x1xf32>
    %add3A_89 = vector.broadcast %get3A_88 : vector<1x1xf32> to vector<2000x1xf32>
    %add3A_90 = arith.addf %dot_general3A_85, %add3A_89 : vector<2000x1xf32>
    %swap3A = arith.constant 0 : index
    %swap3A_91 = arith.constant 0 : index
    %swap3A_92 = vector.load %arg16[%swap3A, %swap3A_91] : memref<2000x1xf32, #tpu.memory_space<vmem>>, vector<2000x1xf32>
    tpu.vector_store %arg16[%swap3A, %swap3A_91], %add3A_90 {strides = array<i32>} : memref<2000x1xf32, #tpu.memory_space<vmem>>, vector<2000x1xf32>,
    return
  }
  func.func @transform_0(%arg0: i32) -> (i32, i32, i32) {
    %c0_i32 = arith.constant 0 : i32
    %c0_i32_0 = arith.constant 0 : i32
    %c0_i32_1 = arith.constant 0 : i32
    return %c0_i32, %arg0, %c0_i32_0 : i32, i32, i32
  }
  func.func @transform_1(%arg0: i32) -> (i32, i32, i32) {
    %c1_i32 = arith.constant 1 : i32
    %c0_i32 = arith.constant 0 : i32
    %c0_i32_0 = arith.constant 0 : i32
    return %c1_i32, %arg0, %c0_i32 : i32, i32, i32
  }
  func.func @transform_2(%arg0: i32) -> (i32, i32, i32) {
    %c0_i32 = arith.constant 0 : i32
    %c0_i32_0 = arith.constant 0 : i32
    %c0_i32_1 = arith.constant 0 : i32
    return %c0_i32, %arg0, %c0_i32_0 : i32, i32, i32
  }
  func.func @transform_3(%arg0: i32) -> (i32, i32, i32) {
    %c1_i32 = arith.constant 1 : i32
    %c0_i32 = arith.constant 0 : i32
    %c0_i32_0 = arith.constant 0 : i32
    return %c1_i32, %arg0, %c0_i32 : i32, i32, i32
  }
  func.func @transform_4(%arg0: i32) -> (i32, i32) {
    %c0_i32 = arith.constant 0 : i32
    %c0_i32_0 = arith.constant 0 : i32
    return %arg0, %c0_i32 : i32, i32
  }
  func.func @transform_5(%arg0: i32) -> (i32, i32) {
    %c0_i32 = arith.constant 0 : i32
    %c0_i32_0 = arith.constant 0 : i32
    %c0_i32_1 = arith.constant 0 : i32
    return %c0_i32, %c0_i32_0 : i32, i32
  }
  func.func @transform_6(%arg0: i32) -> (i32, i32) {
    %c0_i32 = arith.constant 0 : i32
    %c0_i32_0 = arith.constant 0 : i32
    %c0_i32_1 = arith.constant 0 : i32
    return %c0_i32, %c0_i32_0 : i32, i32
  }
  func.func @transform_7(%arg0: i32) -> (i32, i32) {
    %c0_i32 = arith.constant 0 : i32
    %c0_i32_0 = arith.constant 0 : i32
    %c0_i32_1 = arith.constant 0 : i32
    return %c0_i32, %c0_i32_0 : i32, i32
  }
  func.func @transform_8(%arg0: i32) -> (i32, i32) {
    %c0_i32 = arith.constant 0 : i32
    %c0_i32_0 = arith.constant 0 : i32
    %c0_i32_1 = arith.constant 0 : i32
    return %c0_i32, %c0_i32_0 : i32, i32
  }
  func.func @transform_9(%arg0: i32) -> (i32, i32) {
    %c0_i32 = arith.constant 0 : i32
    %c0_i32_0 = arith.constant 0 : i32
    %c0_i32_1 = arith.constant 0 : i32
    return %c0_i32, %c0_i32_0 : i32, i32
  }
  func.func @transform_10(%arg0: i32) -> (i32, i32) {
    %c0_i32 = arith.constant 0 : i32
    %c0_i32_0 = arith.constant 0 : i32
    %c0_i32_1 = arith.constant 0 : i32
    return %c0_i32, %c0_i32_0 : i32, i32
  }
  func.func @transform_11(%arg0: i32) -> (i32, i32) {
    %c0_i32 = arith.constant 0 : i32
    %c0_i32_0 = arith.constant 0 : i32
    %c0_i32_1 = arith.constant 0 : i32
    return %c0_i32, %c0_i32_0 : i32, i32
  }
  func.func @transform_12(%arg0: i32) -> (i32, i32) {
    %c0_i32 = arith.constant 0 : i32
    %c0_i32_0 = arith.constant 0 : i32
    %c0_i32_1 = arith.constant 0 : i32
    return %c0_i32, %c0_i32_0 : i32, i32
  }
  func.func @transform_13(%arg0: i32) -> (i32, i32) {
    %c0_i32 = arith.constant 0 : i32
    %c0_i32_0 = arith.constant 0 : i32
    %c0_i32_1 = arith.constant 0 : i32
    return %c0_i32, %c0_i32_0 : i32, i32
  }
  func.func @transform_14(%arg0: i32) -> (i32, i32) {
    %c0_i32 = arith.constant 0 : i32
    %c0_i32_0 = arith.constant 0 : i32
    %c0_i32_1 = arith.constant 0 : i32
    return %c0_i32, %c0_i32_0 : i32, i32
  }
  func.func @transform_15(%arg0: i32) -> (i32, i32) {
    %c0_i32 = arith.constant 0 : i32
    %c0_i32_0 = arith.constant 0 : i32
    return %arg0, %c0_i32 : i32, i32
  }
}

</mosaic_0001>

<sc_bundles>
// kernel: kernel.5.cloned.1.call-start
scs
__scs_entry_jumppad:
0x0: {  	(pc) =	sbr.rel $0x88, $3  }
0x1: {  	(tag) =	ssettag $0x0;
	lr =	simm.s32 $0x1  }
0x2: {  	[smem:$0x3F96] =	sst lr;
	_ =	strace $0xD0000000  }
0x3: {  	_ = 	snop  }
0x4: {  	_ = 	snop  }
0x5: {  	_ = 	snop  }
0x6: {  	_ = 	snop  }
0x7: {  	_ = 	snop  }
__scs_overlays_trampoline_lowered:
0x8: {  	[smem:$0x3FA5] =	sst s0  }
0x9: {  	[smem:$0x3FA6] =	sst s1  }
0xa: {  	[smem:$0x3FA7] =	sst s2  }
0xb: {  	[smem:$0x3FA8] =	sst s3  }
0xc: {  	[smem:$0x3FA9] =	sst s4  }
0xd: {  	[smem:$0x3FAA] =	sst s5  }
0xe: {  	[smem:$0x3FAB] =	sst s6  }
0xf: {  	[smem:$0x3FAC] =	sst s7  }
0x10: {  	[smem:$0x3FAD] =	sst s8  }
0x11: {  	[smem:$0x3FAE] =	sst s9;
	s0 =	simm.s32 @!p0 $0x0  }
0x12: {  	s1 =	sld [smem:$0x3F94];
	s0 =	simm.s32 @p0 $0x1  }
0x13: {  	[smem:$0x3FAF] =	sst s0;
	s0 =	simm.s32 @!p1 $0x0  }
0x14: {  	s2 =	sld [smem:$0x3F93];
	s0 =	simm.s32 @p1 $0x1  }
0x15: {  	[smem:$0x3FB0] =	sst s0;
	s0 =	simm.s32 @!p2 $0x0  }
0x16: {  	s3 =	sld [smem:$0x3FDB];
	s0 =	simm.s32 @p2 $0x1  }
0x17: {  	s4 =	simm.s32 $0x1BF5;
	[smem:$0x3FB2] =	sst s0  }
0x18: {  	s0 =	sld [smem:$0x3F95];
	_ =	swait.ge [sflag:s4], $0x0  }
0x19: {  	s7 =	sld [smem:$0x3F96]  }
0x1a: {  	s8 =	sadd.s32 $0xFFFFE003, lr  }
0x1b: {  	s9 =	sadd.s32 $0xFFFFFEF7, lr;
	s5 =	simm.s32 $0xFFFFFFFF;
	p2 =	slt.u32 s8, $0xFFFFF086  }
0x1c: {  	p1 =	slt.u32 s9, $0xF7A;
	s5 =	simm.s32 @!p2 $0x0  }
0x1d: {  	s5 =	simm.s32 @p1 $0x1;
	p0 =	seq.s32 s7, s2  }
0x1e: {  	s7 =	smul.u32 @!p0 $0xF7A, s2;
	p2 =	seq.s32 @!p0 s5, $0x0  }
0x1f: {  	s9 =	smul.u32 $0xF7A, s1;
	s8 =	simm.s32 @!p0 $0x1BF5;
	p2 =	por !p2, p0  }
0x20: {  	[sflag:s8] =	ssyncset.s32 @!p0 $0xFFFFF086;
	s6 =	sadd.s32 @!p0 s3, s7;
	s7 =	simm.s32 @!p0 $0x108  }
0x21: {  	s3 =	sadd.s32 s3, s9;
	s6 =	sadd.s32 @!p0 $0x88, s6;
	s7 =	simm.s32 @p2 $0x1082  }
0x22: {  	[simem:s7], [sflag:s8] =	dma.local @!p0 [hbm:s6], $0xF7A  }
0x23: {  	s9 =	sor.u32 $0xD0000000, s2;
	s6 =	simm.s32 $0x108;
	_ =	swait.ge @!p0 [sflag:s8], $0x0  }
0x24: {  	s3 =	sadd.s32 $0x88, s3;
	s6 =	simm.s32 @!p1 $0x1082;
	[sflag:s4] =	ssyncset.s32 $0xFFFFF086  }
0x25: {  	[simem:s6], [sflag:s4] =	dma.local [hbm:s3], $0xF7A  }
0x26: {  	[smem:$0x3F96] =	sst s1;
	(tag) =	ssettag s2;
	_ =	strace s9  }
0x27: {  	s1 =	sld [smem:$0x3FA6]  }
0x28: {  	s2 =	sld [smem:$0x3FA7]  }
0x29: {  	s4 =	sld [smem:$0x3FA9]  }
0x2a: {  	p0 =	seq.s32 s5, $0x0;
	s5 =	sld [smem:$0x3FAA]  }
0x2b: {  	s6 =	sld [smem:$0x3FAB]  }
0x2c: {  	s7 =	sld [smem:$0x3FAC]  }
0x2d: {  	s3 =	simm.s32 $0x108;
	s8 =	sld [smem:$0x3FAD]  }
0x2e: {  	s3 =	simm.s32 @!p0 $0x1082;
	s9 =	sld [smem:$0x3FAE]  }
0x2f: {  	lr =	sadd.s32 s0, s3;
	s0 =	sld [smem:$0x3FA5]  }
0x30: {  	s3 =	sld [smem:$0x3FA8]  }
0x31: {  	[smem:$0x3FB1] =	sst s10  }
0x32: {  	s10 =	sld [smem:$0x3FAF];
	_ =	sdelay $0x3  }
0x33: {  	p0 =	seq.s32 s10, $0x1;
	s10 =	sld [smem:$0x3FB1];
	_ =	sdelay $0x3  }
0x34: {  	[smem:$0x3FB1] =	sst s10  }
0x35: {  	s10 =	sld [smem:$0x3FB0];
	_ =	sdelay $0x3  }
0x36: {  	p1 =	seq.s32 s10, $0x1;
	s10 =	sld [smem:$0x3FB1];
	_ =	sdelay $0x3  }
0x37: {  	[smem:$0x3FB1] =	sst s10  }
0x38: {  	s10 =	sld [smem:$0x3FB2]  }
0x39: {  	_ = 	snop;
	(pc) =	sbr.ind lr, $3  }
0x3a: {  	_ = 	snop  }
0x3b: {  	_ = 	snop  }
0x3c: {  	p2 =	seq.s32 s10, $0x1;
	s10 =	sld [smem:$0x3FB1]  }
0x3d: {  	_ =	shalt  }
0x3e: {  	_ =	shalt  }
0x3f: {  	_ =	shalt  }
0x40: {  	_ =	shalt  }
0x41: {  	_ =	shalt  }
0x42: {  	_ =	shalt  }
0x43: {  	_ =	shalt  }
0x44: {  	_ =	shalt  }
0x45: {  	_ =	shalt  }
0x46: {  	_ =	shalt  }
0x47: {  	_ =	shalt  }
0x48: {  	_ =	shalt  }
0x49: {  	_ =	shalt  }
0x4a: {  	_ =	shalt  }
0x4b: {  	_ =	shalt  }
0x4c: {  	_ =	shalt  }
0x4d: {  	_ =	shalt  }
0x4e: {  	_ =	shalt  }
0x4f: {  	_ =	shalt  }
0x50: {  	_ =	shalt  }
0x51: {  	_ =	shalt  }
0x52: {  	_ =	shalt  }
0x53: {  	_ =	shalt  }
0x54: {  	_ =	shalt  }
0x55: {  	_ =	shalt  }
0x56: {  	_ =	shalt  }
0x57: {  	_ =	shalt  }
0x58: {  	_ =	shalt  }
0x59: {  	_ =	shalt  }
0x5a: {  	_ =	shalt  }
0x5b: {  	_ =	shalt  }
0x5c: {  	_ =	shalt  }
0x5d: {  	_ =	shalt  }
0x5e: {  	_ =	shalt  }
0x5f: {  	_ =	shalt  }
0x60: {  	_ =	shalt  }
0x61: {  	_ =	shalt  }
0x62: {  	_ =	shalt  }
0x63: {  	_ =	shalt  }
0x64: {  	_ =	shalt  }
0x65: {  	_ =	shalt  }
0x66: {  	_ =	shalt  }
0x67: {  	_ =	shalt  }
0x68: {  	_ =	shalt  }
0x69: {  	_ =	shalt  }
0x6a: {  	_ =	shalt  }
0x6b: {  	_ =	shalt  }
0x6c: {  	_ =	shalt  }
0x6d: {  	_ =	shalt  }
0x6e: {  	_ =	shalt  }
0x6f: {  	_ =	shalt  }
0x70: {  	_ =	shalt  }
0x71: {  	_ =	shalt  }
0x72: {  	_ =	shalt  }
0x73: {  	_ =	shalt  }
0x74: {  	_ =	shalt  }
0x75: {  	_ =	shalt  }
0x76: {  	_ =	shalt  }
0x77: {  	_ =	shalt  }
0x78: {  	_ =	shalt  }
0x79: {  	_ =	shalt  }
0x7a: {  	_ =	shalt  }
0x7b: {  	_ =	shalt  }
0x7c: {  	_ =	shalt  }
0x7d: {  	_ =	shalt  }
0x7e: {  	_ =	shalt  }
0x7f: {  	_ =	shalt  }
0x80: {  	_ =	shalt  }
0x81: {  	_ =	shalt  }
0x82: {  	_ =	shalt  }
0x83: {  	_ =	shalt  }
0x84: {  	_ =	shalt  }
0x85: {  	_ =	shalt  }
0x86: {  	_ =	shalt  }
0x87: {  	_ =	shalt  }
.Lfunc_end0:
.L_simem_size_0:
called_computation_lowered:
.L_overlay_start_0:
0x88: {  	s2 =	sld [smem:$0x3FD9]  }
0x89: {  	s3 =	sld [smem:$0x3FFE];
	_ =	sdelay $0x1  }
0x8a: {  	s1 =	srdreg.scid  }
0x8b: {  	s0 =	sand.u32 $0x1, s1  }
0x8c: {  	s17 =	sshll.u32 s0, $0xA;
	s2 =	sadd.s32 s3, s2  }
0x8d: {  	s2 =	sadd.s32 s2, s17  }
0x8e: {  	[smem:$0x3FBD] =	sst s2  }
0x8f: {  	_ = 	snop  }
0x90: {  	(tm) =	ssettm $0x1  }
0x91: {  	s18 =	sld [smem:$0x3FFB];
	_ =	sdelay $0x3  }
0x92: {  	_ =	strace s18  }
0x93: {  	s2 =	sld [smem:$0x3FFC];
	_ =	sdelay $0x3  }
0x94: {  	_ =	strace s2  }
0x95: {  	s2 =	sld [smem:$0x3FFD];
	_ =	sdelay $0x3  }
0x96: {  	_ =	strace s2  }
0x97: {  	_ =	strace $0x8FFFFFFF  }
0x98: {  	s19 =	sld [smem:$0x3FDB];
	_ =	sdelay $0x1  }
0x99: {  	s20 =	simm.s32 $_scs_section_size  }
0x9a: {  	s4 =	simm.s32 $_size__tile_overlayer_lowered;
	s5 =	simm.s32 $_tile_overlayer_lowered  }
0x9b: {  	s6 =	simm.s32 $0x1BFF;
	s21 =	sshll.u32 s5, $0x1;
	s3 =	sadd.s32 s20, s19  }
0x9c: {  	s22 =	simm.s32 $0x0;
	s4 =	sshll.u32 s4, $0x1;
	s5 =	sadd.s32 s21, s3  }
0x9d: {  	[timem:s22], [sflag:s6] =	dma.local [hbm:s5], s4  }
0x9e: {  	_ =	swait.ge [sflag:s6], s4  }
0x9f: {  	s4 =	ssub.s32 $0x0, s4;
	[sflag:s6] =	ssyncset.done $0x0  }
0xa0: {  	[sflag:s6] =	ssyncadd.s32 s4;
	_ =	sdelay $0x1  }
0xa1: {  	s23 =	simm.s32 $0x1B8B  }
0xa2: {  	_ =	swait.ge [sflag:s23], $0x1  }
0xa3: {  	[sflag:s23] =	ssyncset.done $0x0  }
0xa4: {  	[sflag:s23] =	ssyncadd.s32 $0xFFFFFFFF  }
0xa5: {  	s4 =	sld [smem:$0x0]  }
0xa6: {  	s5 =	sand.u32 $0xFFFFFFFE, s1  }
0xa7: {  	p0 =	sne.s32 s1, s5  }
0xa8: {  	s5 =	sshll.u32 @p0 s5, $0xE  }
0xa9: {  	s5 =	sadd.s32 @p0 $0x11B8D, s5;
	s6 =	sshll.u32 @p0 s4, $0x11  }
0xaa: {  	s5 =	sor.u32 @p0 s6, s5  }
0xab: {  	[sflag:s5] =	ssyncadd.remote.s32 @p0 $0x1;
	_ =	sdelay $0x1  }
0xac: {  	s5 =	simm.s32 @p0 $0x1B8D  }
0xad: {  	_ =	swait.eq @p0 [sflag:s5], $0x1  }
0xae: {  	[sflag:s5] =	ssyncadd.s32 @p0 $0xFFFFFFFF  }
0xaf: {  	s6 =	sshll.u32 @!p0 s1, $0xE  }
0xb0: {  	s6 =	sor.u32 @!p0 $0x4000, s6;
	s5 =	simm.s32 @!p0 $0x1B8D  }
0xb1: {  	s4 =	sshll.u32 @!p0 s4, $0x11;
	s6 =	sadd.s32 @!p0 $0x11B8D, s6;
	_ =	swait.eq @!p0 [sflag:s5], $0x1  }
0xb2: {  	s4 =	sor.u32 @!p0 s4, s6;
	[sflag:s5] =	ssyncadd.s32 @!p0 $0xFFFFFFFF  }
0xb3: {  	s25 =	simm.s32 $0x1B8E;
	s24 =	sld [smem:$0x3FFE];
	[sflag:s4] =	ssyncadd.remote.s32 @!p0 $0x1  }
0xb4: {  	s26 =	simm.s32 $execute0_lowered;
	[smem:$0x3FD2] =	sst s25  }
0xb5: {  	s5 =	sshll.u32 s26, $0x1;
	_ =	strace $0x80000049;
	[dreg:$0x1] =	wrdreg $0xFFFFFFFF  }
0xb6: {  	s28 =	simm.s32 $_size_execute0_lowered;
	s3 =	sadd.s32 s3, s5;
	[dreg:$0x0] =	wrdreg $0x0  }
0xb7: {  	s5 =	sshll.u32 s28, $0x1;
	[dreg:$0x2] =	wrdreg s3  }
0xb8: {  	[dreg:$0x3] =	wrdreg s5  }
0xb9: {  	[dreg:$0x4] =	wrdreg $0xC0  }
0xba: {  	_ =	task [dreg:s22], $0x5FFFF  }
0xbb: {  	[dreg:$0x1] =	wrdreg $0xFFFFFFFF  }
0xbc: {  	[dreg:$0x0] =	wrdreg $0x60  }
0xbd: {  	[dreg:$0x2] =	wrdreg s24  }
0xbe: {  	[dreg:$0x3] =	wrdreg $0xB5E00  }
0xbf: {  	[dreg:$0x4] =	wrdreg $0x9  }
0xc0: {  	_ =	task.clear_ibuf [dreg:s22], $0x5FFFF;
	_ =	strace $0x90000049  }
0xc1: {  	s29 =	simm.s32 $0x9;
	_ =	strace $0x8000004B  }
0xc2: {  	_ =	swait.ge [sflag:s29], $0x1  }
0xc3: {  	[sflag:s29] =	ssyncadd.s32 $0xFFFFFFFF  }
0xc4: {  	_ =	strace $0x9000004B  }
0xc5: {  	_ =	sfence  }
0xc6: {  	s30 =	sld [smem:$0x0];
	_ =	sdelay $0x2  }
0xc7: {  	s31 =	sshll.u32 s1, $0xD;
	s1 =	sshrl.u32 s1, $0x2  }
0xc8: {  	s4 =	sand.u32 $0x4000, s31;
	s1 =	sadd.s32 s1, s30  }
0xc9: {  	s0 =	sor.u32 s4, s0;
	s1 =	sshll.u32 s1, $0x11  }
0xca: {  	s0 =	sor.u32 s1, s0  }
0xcb: {  	s0 =	sadd.s32 $0x8F2B, s0  }
0xcc: {  	[sflag:s0] =	ssyncadd.remote.s32 $0x1  }
0xcd: {  	_ =	sfence.sel $0xFFFF  }
0xce: {  	[dreg:$0x0] =	wrdreg $0xFFFFFFFF;
	(pc) =	sbr.abs _section_cstart, $3  }
0xcf: {  	[dreg:$0x1] =	wrdreg $0xFFFFFFFF  }
0xd0: {  	_ =	task.clear_ibuf [dreg:s22], $0x2FFFF;
	_ =	strace $0x9FFFFFFF  }
0xd1: {  	(tm) =	ssettm $0x7FFFFFFF  }
tec
execute0_lowered:
.L_overlay_start_1:
0x0: {  	(tag) =	ssettag $0x1  }
0x1: {  	s0 =	rddreg [dreg:$0x0]  }
0x2: {  	s1 =	rddreg [dreg:$0x1];
	s3 =	simm.s32 $0x0;
	s12 =	stileid.u32  }
0x3: {  	s2 =	srdreg.scid;
	s28 =	simm.s32 $0x5;
	s9 =	smul.u32 $0x14000, s12  }
0x4: {  	s29 =	simm.s32 $0x78;
	s30 =	simm.s32 $0x4;
	s10 =	smul.u32 $0x2760, s12  }
0x5: {  	s31 =	simm.s32 $0x79E0;
	s2 =	sand.u32 $0x1, s2;
	s12 =	smul.u32 $0x50000, s12  }
0x6: {  	[smem:$0x7FF] =	sst s3;
	s4 =	sadd.s32 $0x20000, s0;
	s7 =	smul.u32 $0x140000, s2  }
0x7: {  	s5 =	sadd.s32 $0x16200, s0;
	s8 =	smul.u32 $0x27600, s2;
	s2 =	ssub.s32 $0x2, s2  }
0x8: {  	s6 =	sadd.s32 $0x11200, s0;
	_ =	strace $0x8000004A;
	s11 =	sshrl.u32 s2, $0x1  }
0x9: {  	s15 =	sshrl.u32 s12, $0x2;
	s18 =	sshrl.u32 s10, $0x3;
	s14 =	sadd.s32 $0x78, s10  }
0xa: {  	s23 =	sadd.s32 s9, s1;
	s7 =	sadd.s32 s9, s7;
	s2 =	ssub.s32 s2, s11  }
0xb: {  	s26 =	sadd.s32 s10, s8;
	s21 =	sshrl.u32 s14, $0x3;
	s9 =	simm.s32 $0xF0  }
0xc: {  	s11 =	simm.s32 $0x168;
	s7 =	sshrl.u32 s7, $0x3;
	s8 =	sshrl.u32 s26, $0x3  }
0xd: {  	s16 =	sadd.s32 $0x78, s26;
	s19 =	sadd.s32 $0x168, s26;
	s22 =	sadd.s32 s6, s21  }
0xe: {  	s2 =	smax.u32 s2, $0x1;
	s0 =	sadd.s32 s7, s0;
	s7 =	sadd.s32 s15, s1  }
0xf: {  	s8 =	sadd.s32 s5, s8;
	s12 =	sshrl.u32 s16, $0x3;
	[dreg:$0x8] =	wrdreg s22  }
0x10: {  	s20 =	sshrl.u32 s19, $0x3;
	[dreg:$0xa] =	wrdreg s2;
	s13 =	sadd.s32 $0x12C00, s7  }
0x11: {  	s15 =	sadd.s32 $0x1E0, s26;
	s12 =	sadd.s32 s5, s12;
	[dreg:$0x3] =	wrdreg s13  }
0x12: {  	s16 =	sadd.s32 $0xF0, s10;
	s17 =	sadd.s32 $0x1E, s8;
	[dreg:$0x4] =	wrdreg s12  }
0x13: {  	s22 =	simm.s32 $0x1E0;
	s0 =	sadd.s32 $0x48000, s0;
	[dreg:$0x5] =	wrdreg s17  }
0x14: {  	s2 =	simm.s32 $0x1;
	s24 =	sadd.s32 $0x3C00, s7;
	[dreg:$0x9] =	wrdreg s0  }
0x15: {  	s25 =	sadd.s32 $0x7800, s7;
	s12 =	sadd.s32 s6, s18;
	[dreg:$0xb] =	wrdreg s24  }
0x16: {  	s17 =	sadd.s32 $0x258, s26;
	s18 =	sadd.s32 $0x168, s10;
	[dreg:$0xc] =	wrdreg s25  }
0x17: {  	s26 =	sadd.s32 $0xB400, s7;
	s24 =	sadd.s32 $0xF000, s7;
	s25 =	sshrl.u32 s23, $0x3  }
0x18: {  	s23 =	simm.s32 $0x1FE0;
	s10 =	simm.s32 $0x2;
	[dreg:$0x6] =	wrdreg s12  }
0x19: {  	s0 =	simm.s32 $0x3;
	s12 =	sadd.s32 s5, s20;
	[dreg:$0xd] =	wrdreg s26  }
0x1a: {  	v0 =	vimm.f32 $0.0e+00;
	s26 =	simm.s32 $0x3DE0;
	[dreg:$0x7] =	wrdreg s12;
	s12 =	simm.s32 $0x0  }
.LBB2_1:
0x1b: {  	s13 =	simm.s32 $0x0;
	s14 =	simm.s32 $0x200  }
.LBB2_2:
0x1c: {  	p0 =	sne.s32 s14, $0xEE00;
	[tilespmem:s13+$0x3E50] =	vst v0  }
0x1d: {  	[tilespmem:s13+$0x3DE0] =	vst v0  }
0x1e: {  	[tilespmem:s13+$0x3DF0] =	vst v0  }
.Ltmp0:
0x1f: {  	[tilespmem:s13+$0x3E00] =	vst v0;
	(pc) =	sbr.rel @p0 .LBB2_2-.Ltmp0, $4  }
0x20: {  	[tilespmem:s13+$0x3E10] =	vst v0  }
0x21: {  	[tilespmem:s13+$0x3E20] =	vst v0  }
0x22: {  	[tilespmem:s13+$0x3E30] =	vst v0  }
0x23: {  	[tilespmem:s13+$0x3E40] =	vst v0;
	s13 =	sshra.s32 s14, $0x2;
	s14 =	sadd.s32 $0x200, s14  }
0x24: {  	[tilespmem:s13+$0x3E50] =	vst v0  }
0x25: {  	[tilespmem:s13+$0x3DE0] =	vst v0  }
0x26: {  	[tilespmem:s13+$0x3DF0] =	vst v0  }
0x27: {  	[tilespmem:s13+$0x3E00] =	vst v0  }
0x28: {  	[tilespmem:s13+$0x3E10] =	vst v0  }
0x29: {  	[tilespmem:s13+$0x3E20] =	vst v0  }
0x2a: {  	[tilespmem:s13+$0x3E30] =	vst v0  }
0x2b: {  	[tilespmem:s13+$0x3E40] =	vst v0  }
0x2c: {  	[spmem:s7] =	stream.linear.scatter [tilespmem:s26], [sflag:$0x5], $0x3C00, $0x38;
	[tilespmem:$0x1F5E0] =	vst v63  }
0x2d: {  	_ =	swait.ge [sflag:s28], $0x3C00  }
0x2e: {  	[sflag:s28] =	ssyncset.done $0x0  }
0x2f: {  	s19 =	rddreg [dreg:$0xb];
	[sflag:s28] =	ssyncadd.s32 $0xFFFFC400  }
0x30: {  	[spmem:s19] =	stream.linear.scatter [tilespmem:s26], [sflag:$0x5], $0x3C00, $0x38;
	[tilespmem:$0x1F5E0] =	vst v63  }
0x31: {  	_ =	swait.ge [sflag:s28], $0x3C00  }
0x32: {  	[sflag:s28] =	ssyncset.done $0x0  }
0x33: {  	s20 =	rddreg [dreg:$0xc];
	[sflag:s28] =	ssyncadd.s32 $0xFFFFC400  }
0x34: {  	[spmem:s20] =	stream.linear.scatter [tilespmem:s26], [sflag:$0x5], $0x3C00, $0x38;
	[tilespmem:$0x1F5E0] =	vst v63  }
0x35: {  	_ =	swait.ge [sflag:s28], $0x3C00  }
0x36: {  	[sflag:s28] =	ssyncset.done $0x0  }
0x37: {  	s21 =	rddreg [dreg:$0xd];
	[sflag:s28] =	ssyncadd.s32 $0xFFFFC400  }
0x38: {  	[spmem:s21] =	stream.linear.scatter [tilespmem:s26], [sflag:$0x5], $0x3C00, $0x38;
	[tilespmem:$0x1F5E0] =	vst v63  }
0x39: {  	_ =	swait.ge [sflag:s28], $0x3C00  }
0x3a: {  	[sflag:s28] =	ssyncset.done $0x0  }
0x3b: {  	[sflag:s28] =	ssyncadd.s32 $0xFFFFC400  }
0x3c: {  	[spmem:s24] =	stream.linear.scatter [tilespmem:s26], [sflag:$0x5], $0x3C00, $0x38;
	[tilespmem:$0x1F5E0] =	vst v63  }
0x3d: {  	_ =	swait.ge [sflag:s28], $0x3C00  }
0x3e: {  	[sflag:s28] =	ssyncset.done $0x0  }
0x3f: {  	s14 =	rddreg [dreg:$0x3];
	[sflag:s28] =	ssyncadd.s32 $0xFFFFC400  }
0x40: {  	[spmem:s14] =	stream.linear.scatter [tilespmem:s26], [sflag:$0x5], $0x1400, $0x38;
	[tilespmem:$0x1F5E0] =	vst v63  }
0x41: {  	_ =	swait.ge [sflag:s28], $0x1400  }
0x42: {  	[sflag:s28] =	ssyncset.done $0x0  }
0x43: {  	[sflag:s28] =	ssyncadd.s32 $0xFFFFEC00  }
0x44: {  	[bflag:$0x0] =	sbarrier.arrive $0xFFFF  }
0x45: {  	[tilespmem:s3], [sflag:$0x4] =	stream.linear.gather [hbm4b:s8+s3], $0x78, $0x38;
	[tilespmem:$0x1F5E0] =	vst v63  }
0x46: {  	s19 =	rddreg [dreg:$0x4]  }
0x47: {  	[tilespmem:s29], [sflag:$0x4] =	stream.linear.gather [hbm4b:s19+s3], $0x78, $0x38;
	[tilespmem:$0x1F5E0] =	vst v63  }
0x48: {  	_ =	swait.ge [sflag:s30], $0x78  }
0x49: {  	[sflag:s30] =	ssyncset.done $0x0  }
0x4a: {  	[sflag:s30] =	ssyncadd.s32 $0xFFFFFF88  }
0x4b: {  	[tilespmem:s22], [sflag:$0x1] =	stream.indirect.gather [hbm4b:s4+s29], $0x40, s3, s29, $0xb8;
	[tilespmem:$0x1F5E0] =	vst v63  }
0x4c: {  	_ =	swait.ge [sflag:s30], $0x78  }
0x4d: {  	[sflag:s30] =	ssyncset.done $0x0  }
0x4e: {  	[sflag:s30] =	ssyncadd.s32 $0xFFFFFF88  }
0x4f: {  	[tilespmem:s23], [sflag:$0x1] =	stream.indirect.gather [hbm4b:s4+s29], $0x40, s29, s29, $0xb8;
	[tilespmem:$0x1F5E0] =	vst v63  }
0x50: {  	_ =	swait.ge [sflag:s2], $0x1E00  }
0x51: {  	[sflag:s2] =	ssyncset.done $0x0  }
0x52: {  	s20 =	rddreg [dreg:$0x5];
	[sflag:s2] =	ssyncadd.s32 $0xFFFFE200  }
0x53: {  	[tilespmem:s3], [sflag:$0x4] =	stream.linear.gather [hbm4b:s20+s3], $0x78, $0x38;
	[tilespmem:$0x1F5E0] =	vst v63  }
0x54: {  	s14 =	simm.s32 $0xF0;
	s21 =	rddreg [dreg:$0x6]  }
0x55: {  	[tilespmem:s9], [sflag:$0x2] =	stream.linear.gather [hbm4b:s21+s3], $0x78, $0x38;
	[tilespmem:$0x1F5E0] =	vst v63  }
0x56: {  	v1 =	vld [tilespmem:s14+$0xF0];
	_ =	sdelay $0x4  }
0x57: {  	s13 =	simm.s32 $0x3EE0;
	v2 =	vshll.u32 v1, $0x10  }
0x58: {  	v1 =	vand.u32 $0xFFFF0000, v1;
	[tilespmem:s13+$0xFFFFFF00] =	vst v2  }
0x59: {  	[tilespmem:s13+$0xFFFFFF40] =	vst v1  }
0x5a: {  	v1 =	vld [tilespmem:s14+$0x100];
	_ =	sdelay $0x4  }
0x5b: {  	v2 =	vshll.u32 v1, $0x10  }
0x5c: {  	v1 =	vand.u32 $0xFFFF0000, v1;
	[tilespmem:s13+$0xFFFFFF10] =	vst v2  }
0x5d: {  	[tilespmem:s13+$0xFFFFFF50] =	vst v1  }
0x5e: {  	v1 =	vld [tilespmem:s14+$0x110];
	_ =	sdelay $0x4  }
0x5f: {  	v2 =	vshll.u32 v1, $0x10  }
0x60: {  	v1 =	vand.u32 $0xFFFF0000, v1;
	[tilespmem:s13+$0xFFFFFF20] =	vst v2  }
0x61: {  	[tilespmem:s13+$0xFFFFFF60] =	vst v1  }
0x62: {  	v1 =	vld [tilespmem:s14+$0x120];
	_ =	sdelay $0x4  }
0x63: {  	v2 =	vshll.u32 v1, $0x10  }
0x64: {  	v1 =	vand.u32 $0xFFFF0000, v1;
	[tilespmem:s13+$0xFFFFFF30] =	vst v2  }
0x65: {  	[tilespmem:s13+$0xFFFFFF70] =	vst v1  }
0x66: {  	v1 =	vld [tilespmem:s14+$0x130];
	_ =	sdelay $0x4  }
0x67: {  	v2 =	vshll.u32 v1, $0x10  }
0x68: {  	v1 =	vand.u32 $0xFFFF0000, v1;
	[tilespmem:s13+$0xFFFFFF80] =	vst v2  }
0x69: {  	[tilespmem:s13+$0xFFFFFFC0] =	vst v1  }
0x6a: {  	v1 =	vld [tilespmem:s14+$0x140];
	_ =	sdelay $0x4  }
0x6b: {  	v2 =	vshll.u32 v1, $0x10  }
0x6c: {  	v1 =	vand.u32 $0xFFFF0000, v1;
	[tilespmem:s13+$0xFFFFFF90] =	vst v2  }
0x6d: {  	[tilespmem:s13+$0xFFFFFFD0] =	vst v1  }
0x6e: {  	v1 =	vld [tilespmem:s14+$0x150];
	_ =	sdelay $0x4  }
0x6f: {  	v2 =	vshll.u32 v1, $0x10  }
0x70: {  	v1 =	vand.u32 $0xFFFF0000, v1;
	[tilespmem:s13+$0xFFFFFFA0] =	vst v2  }
0x71: {  	[tilespmem:s13+$0xFFFFFFE0] =	vst v1  }
0x72: {  	v1 =	vld [tilespmem:s14+$0x160];
	_ =	sdelay $0x4  }
0x73: {  	v2 =	vshll.u32 v1, $0x10  }
0x74: {  	v1 =	vand.u32 $0xFFFF0000, v1;
	[tilespmem:s13+$0xFFFFFFB0] =	vst v2  }
0x75: {  	[tilespmem:s13+$0xFFFFFFF0] =	vst v1  }
0x76: {  	v1 =	vld [tilespmem:s14+$0x170];
	_ =	sdelay $0x4  }
0x77: {  	v2 =	vshll.u32 v1, $0x10  }
0x78: {  	v1 =	vand.u32 $0xFFFF0000, v1;
	[tilespmem:s13+$0x0] =	vst v2  }
0x79: {  	[tilespmem:s13+$0x40] =	vst v1  }
0x7a: {  	v1 =	vld [tilespmem:s14+$0x180];
	_ =	sdelay $0x4  }
0x7b: {  	v2 =	vshll.u32 v1, $0x10  }
0x7c: {  	v1 =	vand.u32 $0xFFFF0000, v1;
	[tilespmem:s13+$0x10] =	vst v2  }
0x7d: {  	[tilespmem:s13+$0x50] =	vst v1  }
0x7e: {  	v1 =	vld [tilespmem:s14+$0x190];
	_ =	sdelay $0x4  }
0x7f: {  	v2 =	vshll.u32 v1, $0x10  }
0x80: {  	v1 =	vand.u32 $0xFFFF0000, v1;
	[tilespmem:s13+$0x20] =	vst v2  }
0x81: {  	[tilespmem:s13+$0x60] =	vst v1  }
0x82: {  	v1 =	vld [tilespmem:s14+$0x1A0];
	_ =	sdelay $0x4  }
0x83: {  	v2 =	vshll.u32 v1, $0x10  }
0x84: {  	v1 =	vand.u32 $0xFFFF0000, v1;
	[tilespmem:s13+$0x30] =	vst v2  }
0x85: {  	[tilespmem:s13+$0x70] =	vst v1  }
0x86: {  	v1 =	vld [tilespmem:s14+$0x1B0];
	_ =	sdelay $0x4  }
0x87: {  	v2 =	vshll.u32 v1, $0x10  }
0x88: {  	v1 =	vand.u32 $0xFFFF0000, v1;
	[tilespmem:s13+$0x80] =	vst v2  }
0x89: {  	[tilespmem:s13+$0xC0] =	vst v1  }
0x8a: {  	v1 =	vld [tilespmem:s14+$0x1C0];
	_ =	sdelay $0x4  }
0x8b: {  	v2 =	vshll.u32 v1, $0x10  }
0x8c: {  	s19 =	simm.s32 $0x7C0;
	s20 =	simm.s32 $0x3EE0;
	v1 =	vand.u32 $0xFFFF0000, v1;
	[tilespmem:s13+$0x90] =	vst v2  }
.LBB2_4:
0x8d: {  	p0 =	sne.s32 s19, $0x77C0  }
0x8e: {  	[tilespmem:s13+$0xD0] =	vst v1;
	s20 =	sadd.s32 $0x200, s20;
	s21 =	smov.u32 s19;
	s19 =	sadd.s32 $0x400, s19  }
0x8f: {  	v1 =	vld [tilespmem:s14+$0x1D0];
	_ =	sdelay $0x4  }
0x90: {  	v2 =	vshll.u32 v1, $0x10;
	v1 =	vand.u32 $0xFFFF0000, v1  }
0x91: {  	[tilespmem:s13+$0xA0] =	vst v2  }
0x92: {  	[tilespmem:s13+$0xE0] =	vst v1  }
0x93: {  	v1 =	vld [tilespmem:s14+$0x1E0];
	_ =	sdelay $0x4  }
0x94: {  	v2 =	vshll.u32 v1, $0x10;
	v1 =	vand.u32 $0xFFFF0000, v1  }
0x95: {  	[tilespmem:s13+$0xB0] =	vst v2  }
0x96: {  	s14 =	sshra.s32 s21, $0x2;
	[tilespmem:s13+$0xF0] =	vst v1;
	s13 =	smov.u32 s20  }
0x97: {  	v1 =	vld [tilespmem:s14+$0xF0];
	_ =	sdelay $0x4  }
0x98: {  	v2 =	vshll.u32 v1, $0x10;
	v1 =	vand.u32 $0xFFFF0000, v1  }
0x99: {  	[tilespmem:s20+$0xFFFFFF00] =	vst v2  }
0x9a: {  	[tilespmem:s20+$0xFFFFFF40] =	vst v1  }
0x9b: {  	v1 =	vld [tilespmem:s14+$0x100];
	_ =	sdelay $0x4  }
0x9c: {  	v2 =	vshll.u32 v1, $0x10;
	v1 =	vand.u32 $0xFFFF0000, v1  }
0x9d: {  	[tilespmem:s20+$0xFFFFFF10] =	vst v2  }
0x9e: {  	[tilespmem:s20+$0xFFFFFF50] =	vst v1  }
0x9f: {  	v1 =	vld [tilespmem:s14+$0x110];
	_ =	sdelay $0x4  }
0xa0: {  	v2 =	vshll.u32 v1, $0x10;
	v1 =	vand.u32 $0xFFFF0000, v1  }
0xa1: {  	[tilespmem:s20+$0xFFFFFF20] =	vst v2  }
0xa2: {  	[tilespmem:s20+$0xFFFFFF60] =	vst v1  }
0xa3: {  	v1 =	vld [tilespmem:s14+$0x120];
	_ =	sdelay $0x4  }
0xa4: {  	v2 =	vshll.u32 v1, $0x10;
	v1 =	vand.u32 $0xFFFF0000, v1  }
0xa5: {  	[tilespmem:s20+$0xFFFFFF30] =	vst v2  }
0xa6: {  	[tilespmem:s20+$0xFFFFFF70] =	vst v1  }
0xa7: {  	v1 =	vld [tilespmem:s14+$0x130];
	_ =	sdelay $0x4  }
0xa8: {  	v2 =	vshll.u32 v1, $0x10;
	v1 =	vand.u32 $0xFFFF0000, v1  }
0xa9: {  	[tilespmem:s20+$0xFFFFFF80] =	vst v2  }
0xaa: {  	[tilespmem:s20+$0xFFFFFFC0] =	vst v1  }
0xab: {  	v1 =	vld [tilespmem:s14+$0x140];
	_ =	sdelay $0x4  }
0xac: {  	v2 =	vshll.u32 v1, $0x10;
	v1 =	vand.u32 $0xFFFF0000, v1  }
0xad: {  	[tilespmem:s20+$0xFFFFFF90] =	vst v2  }
0xae: {  	[tilespmem:s20+$0xFFFFFFD0] =	vst v1  }
0xaf: {  	v1 =	vld [tilespmem:s14+$0x150];
	_ =	sdelay $0x4  }
0xb0: {  	v2 =	vshll.u32 v1, $0x10;
	v1 =	vand.u32 $0xFFFF0000, v1  }
0xb1: {  	[tilespmem:s20+$0xFFFFFFA0] =	vst v2  }
0xb2: {  	[tilespmem:s20+$0xFFFFFFE0] =	vst v1  }
0xb3: {  	v1 =	vld [tilespmem:s14+$0x160];
	_ =	sdelay $0x4  }
0xb4: {  	v2 =	vshll.u32 v1, $0x10;
	v1 =	vand.u32 $0xFFFF0000, v1  }
0xb5: {  	[tilespmem:s20+$0xFFFFFFB0] =	vst v2  }
0xb6: {  	[tilespmem:s20+$0xFFFFFFF0] =	vst v1  }
0xb7: {  	v1 =	vld [tilespmem:s14+$0x170];
	_ =	sdelay $0x4  }
0xb8: {  	v2 =	vshll.u32 v1, $0x10;
	v1 =	vand.u32 $0xFFFF0000, v1  }
0xb9: {  	[tilespmem:s20+$0x0] =	vst v2  }
0xba: {  	[tilespmem:s20+$0x40] =	vst v1  }
0xbb: {  	v1 =	vld [tilespmem:s14+$0x180];
	_ =	sdelay $0x4  }
0xbc: {  	v2 =	vshll.u32 v1, $0x10;
	v1 =	vand.u32 $0xFFFF0000, v1  }
0xbd: {  	[tilespmem:s20+$0x10] =	vst v2  }
0xbe: {  	[tilespmem:s20+$0x50] =	vst v1  }
0xbf: {  	v1 =	vld [tilespmem:s14+$0x190];
	_ =	sdelay $0x4  }
0xc0: {  	v2 =	vshll.u32 v1, $0x10;
	v1 =	vand.u32 $0xFFFF0000, v1  }
0xc1: {  	[tilespmem:s20+$0x20] =	vst v2  }
0xc2: {  	[tilespmem:s20+$0x60] =	vst v1  }
0xc3: {  	v1 =	vld [tilespmem:s14+$0x1A0];
	_ =	sdelay $0x4  }
0xc4: {  	v2 =	vshll.u32 v1, $0x10;
	v1 =	vand.u32 $0xFFFF0000, v1  }
0xc5: {  	[tilespmem:s20+$0x30] =	vst v2  }
0xc6: {  	[tilespmem:s20+$0x70] =	vst v1  }
0xc7: {  	v1 =	vld [tilespmem:s14+$0x1B0];
	_ =	sdelay $0x4  }
0xc8: {  	v2 =	vshll.u32 v1, $0x10;
	v1 =	vand.u32 $0xFFFF0000, v1  }
0xc9: {  	[tilespmem:s20+$0x80] =	vst v2  }
0xca: {  	[tilespmem:s20+$0xC0] =	vst v1  }
0xcb: {  	v1 =	vld [tilespmem:s14+$0x1C0];
	_ =	sdelay $0x1  }
.Ltmp1:
0xcc: {  	(pc) =	sbr.rel @p0 .LBB2_4-.Ltmp1, $3  }
0xcd: {  	_ =	sdelay $0x1  }
0xce: {  	v2 =	vshll.u32 v1, $0x10;
	v1 =	vand.u32 $0xFFFF0000, v1  }
0xcf: {  	[tilespmem:s20+$0x90] =	vst v2  }
0xd0: {  	[tilespmem:s13+$0xD0] =	vst v1  }
0xd1: {  	v1 =	vld [tilespmem:s14+$0x1D0];
	_ =	sdelay $0x4  }
0xd2: {  	v2 =	vshll.u32 v1, $0x10  }
0xd3: {  	v1 =	vand.u32 $0xFFFF0000, v1;
	[tilespmem:s13+$0xA0] =	vst v2  }
0xd4: {  	[tilespmem:s13+$0xE0] =	vst v1  }
0xd5: {  	v1 =	vld [tilespmem:s14+$0x1E0];
	_ =	sdelay $0x4  }
0xd6: {  	v2 =	vshll.u32 v1, $0x10  }
0xd7: {  	v1 =	vand.u32 $0xFFFF0000, v1;
	[tilespmem:s13+$0xB0] =	vst v2  }
0xd8: {  	[tilespmem:s13+$0xF0] =	vst v1  }
0xd9: {  	_ =	swait.ge [sflag:s30], $0x78  }
0xda: {  	[sflag:s30] =	ssyncset.done $0x0  }
0xdb: {  	[sflag:s30] =	ssyncadd.s32 $0xFFFFFF88  }
0xdc: {  	[tilespmem:s22], [sflag:$0x1] =	stream.indirect.gather [hbm4b:s4+s29], $0x40, s3, s29, $0xb8;
	[tilespmem:$0x1F5E0] =	vst v63  }
0xdd: {  	_ =	swait.ge [sflag:s10], $0x78  }
0xde: {  	[sflag:s10] =	ssyncset.done $0x0  }
0xdf: {  	[sflag:s10] =	ssyncadd.s32 $0xFFFFFF88  }
0xe0: {  	[spmem:s1] =	stream.indirect.scatter.add.f32 [tilespmem:s26], [sflag:$0x3], $0x80, s9, s29, $0xb8;
	[tilespmem:$0x1F5E0] =	vst v63  }
0xe1: {  	_ =	swait.ge [sflag:s2], $0x1E00  }
0xe2: {  	[sflag:s2] =	ssyncset.done $0x0  }
0xe3: {  	s21 =	rddreg [dreg:$0x7];
	[sflag:s2] =	ssyncadd.s32 $0xFFFFE200  }
0xe4: {  	[tilespmem:s29], [sflag:$0x4] =	stream.linear.gather [hbm4b:s21+s3], $0x78, $0x38;
	[tilespmem:$0x1F5E0] =	vst v63  }
0xe5: {  	s14 =	simm.s32 $0xF0;
	s22 =	rddreg [dreg:$0x8]  }
0xe6: {  	[tilespmem:s11], [sflag:$0x2] =	stream.linear.gather [hbm4b:s22+s3], $0x78, $0x38;
	[tilespmem:$0x1F5E0] =	vst v63  }
0xe7: {  	v1 =	vld [tilespmem:s14+$0x1EF0];
	_ =	sdelay $0x4  }
0xe8: {  	s13 =	simm.s32 $0x7AE0;
	v2 =	vshll.u32 v1, $0x10  }
0xe9: {  	v1 =	vand.u32 $0xFFFF0000, v1;
	[tilespmem:s13+$0xFFFFFF00] =	vst v2  }
0xea: {  	[tilespmem:s13+$0xFFFFFF40] =	vst v1  }
0xeb: {  	v1 =	vld [tilespmem:s14+$0x1F00];
	_ =	sdelay $0x4  }
0xec: {  	v2 =	vshll.u32 v1, $0x10  }
0xed: {  	v1 =	vand.u32 $0xFFFF0000, v1;
	[tilespmem:s13+$0xFFFFFF10] =	vst v2  }
0xee: {  	[tilespmem:s13+$0xFFFFFF50] =	vst v1  }
0xef: {  	v1 =	vld [tilespmem:s14+$0x1F10];
	_ =	sdelay $0x4  }
0xf0: {  	v2 =	vshll.u32 v1, $0x10  }
0xf1: {  	v1 =	vand.u32 $0xFFFF0000, v1;
	[tilespmem:s13+$0xFFFFFF20] =	vst v2  }
0xf2: {  	[tilespmem:s13+$0xFFFFFF60] =	vst v1  }
0xf3: {  	v1 =	vld [tilespmem:s14+$0x1F20];
	_ =	sdelay $0x4  }
0xf4: {  	v2 =	vshll.u32 v1, $0x10  }
0xf5: {  	v1 =	vand.u32 $0xFFFF0000, v1;
	[tilespmem:s13+$0xFFFFFF30] =	vst v2  }
0xf6: {  	[tilespmem:s13+$0xFFFFFF70] =	vst v1  }
0xf7: {  	v1 =	vld [tilespmem:s14+$0x1F30];
	_ =	sdelay $0x4  }
0xf8: {  	v2 =	vshll.u32 v1, $0x10  }
0xf9: {  	v1 =	vand.u32 $0xFFFF0000, v1;
	[tilespmem:s13+$0xFFFFFF80] =	vst v2  }
0xfa: {  	[tilespmem:s13+$0xFFFFFFC0] =	vst v1  }
0xfb: {  	v1 =	vld [tilespmem:s14+$0x1F40];
	_ =	sdelay $0x4  }
0xfc: {  	v2 =	vshll.u32 v1, $0x10  }
0xfd: {  	v1 =	vand.u32 $0xFFFF0000, v1;
	[tilespmem:s13+$0xFFFFFF90] =	vst v2  }
0xfe: {  	[tilespmem:s13+$0xFFFFFFD0] =	vst v1  }
0xff: {  	v1 =	vld [tilespmem:s14+$0x1F50];
	_ =	sdelay $0x4  }
0x100: {  	v2 =	vshll.u32 v1, $0x10  }
0x101: {  	v1 =	vand.u32 $0xFFFF0000, v1;
	[tilespmem:s13+$0xFFFFFFA0] =	vst v2  }
0x102: {  	[tilespmem:s13+$0xFFFFFFE0] =	vst v1  }
0x103: {  	v1 =	vld [tilespmem:s14+$0x1F60];
	_ =	sdelay $0x4  }
0x104: {  	v2 =	vshll.u32 v1, $0x10  }
0x105: {  	v1 =	vand.u32 $0xFFFF0000, v1;
	[tilespmem:s13+$0xFFFFFFB0] =	vst v2  }
0x106: {  	[tilespmem:s13+$0xFFFFFFF0] =	vst v1  }
0x107: {  	v1 =	vld [tilespmem:s14+$0x1F70];
	_ =	sdelay $0x4  }
0x108: {  	v2 =	vshll.u32 v1, $0x10  }
0x109: {  	v1 =	vand.u32 $0xFFFF0000, v1;
	[tilespmem:s13+$0x0] =	vst v2  }
0x10a: {  	[tilespmem:s13+$0x40] =	vst v1  }
0x10b: {  	v1 =	vld [tilespmem:s14+$0x1F80];
	_ =	sdelay $0x4  }
0x10c: {  	v2 =	vshll.u32 v1, $0x10  }
0x10d: {  	v1 =	vand.u32 $0xFFFF0000, v1;
	[tilespmem:s13+$0x10] =	vst v2  }
0x10e: {  	[tilespmem:s13+$0x50] =	vst v1  }
0x10f: {  	v1 =	vld [tilespmem:s14+$0x1F90];
	_ =	sdelay $0x4  }
0x110: {  	v2 =	vshll.u32 v1, $0x10  }
0x111: {  	v1 =	vand.u32 $0xFFFF0000, v1;
	[tilespmem:s13+$0x20] =	vst v2  }
0x112: {  	[tilespmem:s13+$0x60] =	vst v1  }
0x113: {  	v1 =	vld [tilespmem:s14+$0x1FA0];
	_ =	sdelay $0x4  }
0x114: {  	v2 =	vshll.u32 v1, $0x10  }
0x115: {  	v1 =	vand.u32 $0xFFFF0000, v1;
	[tilespmem:s13+$0x30] =	vst v2  }
0x116: {  	[tilespmem:s13+$0x70] =	vst v1  }
0x117: {  	v1 =	vld [tilespmem:s14+$0x1FB0];
	_ =	sdelay $0x4  }
0x118: {  	v2 =	vshll.u32 v1, $0x10  }
0x119: {  	v1 =	vand.u32 $0xFFFF0000, v1;
	[tilespmem:s13+$0x80] =	vst v2  }
0x11a: {  	[tilespmem:s13+$0xC0] =	vst v1  }
0x11b: {  	v1 =	vld [tilespmem:s14+$0x1FC0];
	_ =	sdelay $0x4  }
0x11c: {  	v2 =	vshll.u32 v1, $0x10  }
0x11d: {  	s19 =	simm.s32 $0x7C0;
	s20 =	simm.s32 $0x7AE0;
	v1 =	vand.u32 $0xFFFF0000, v1;
	[tilespmem:s13+$0x90] =	vst v2  }
.LBB2_6:
0x11e: {  	p0 =	sne.s32 s19, $0x77C0  }
0x11f: {  	[tilespmem:s13+$0xD0] =	vst v1;
	s20 =	sadd.s32 $0x200, s20;
	s21 =	smov.u32 s19;
	s19 =	sadd.s32 $0x400, s19  }
0x120: {  	v1 =	vld [tilespmem:s14+$0x1FD0];
	_ =	sdelay $0x4  }
0x121: {  	v2 =	vshll.u32 v1, $0x10;
	v1 =	vand.u32 $0xFFFF0000, v1  }
0x122: {  	[tilespmem:s13+$0xA0] =	vst v2  }
0x123: {  	[tilespmem:s13+$0xE0] =	vst v1  }
0x124: {  	v1 =	vld [tilespmem:s14+$0x1FE0];
	_ =	sdelay $0x4  }
0x125: {  	v2 =	vshll.u32 v1, $0x10;
	v1 =	vand.u32 $0xFFFF0000, v1  }
0x126: {  	[tilespmem:s13+$0xB0] =	vst v2  }
0x127: {  	s14 =	sshra.s32 s21, $0x2;
	[tilespmem:s13+$0xF0] =	vst v1;
	s13 =	smov.u32 s20  }
0x128: {  	v1 =	vld [tilespmem:s14+$0x1EF0];
	_ =	sdelay $0x4  }
0x129: {  	v2 =	vshll.u32 v1, $0x10;
	v1 =	vand.u32 $0xFFFF0000, v1  }
0x12a: {  	[tilespmem:s20+$0xFFFFFF00] =	vst v2  }
0x12b: {  	[tilespmem:s20+$0xFFFFFF40] =	vst v1  }
0x12c: {  	v1 =	vld [tilespmem:s14+$0x1F00];
	_ =	sdelay $0x4  }
0x12d: {  	v2 =	vshll.u32 v1, $0x10;
	v1 =	vand.u32 $0xFFFF0000, v1  }
0x12e: {  	[tilespmem:s20+$0xFFFFFF10] =	vst v2  }
0x12f: {  	[tilespmem:s20+$0xFFFFFF50] =	vst v1  }
0x130: {  	v1 =	vld [tilespmem:s14+$0x1F10];
	_ =	sdelay $0x4  }
0x131: {  	v2 =	vshll.u32 v1, $0x10;
	v1 =	vand.u32 $0xFFFF0000, v1  }
0x132: {  	[tilespmem:s20+$0xFFFFFF20] =	vst v2  }
0x133: {  	[tilespmem:s20+$0xFFFFFF60] =	vst v1  }
0x134: {  	v1 =	vld [tilespmem:s14+$0x1F20];
	_ =	sdelay $0x4  }
0x135: {  	v2 =	vshll.u32 v1, $0x10;
	v1 =	vand.u32 $0xFFFF0000, v1  }
0x136: {  	[tilespmem:s20+$0xFFFFFF30] =	vst v2  }
0x137: {  	[tilespmem:s20+$0xFFFFFF70] =	vst v1  }
0x138: {  	v1 =	vld [tilespmem:s14+$0x1F30];
	_ =	sdelay $0x4  }
0x139: {  	v2 =	vshll.u32 v1, $0x10;
	v1 =	vand.u32 $0xFFFF0000, v1  }
0x13a: {  	[tilespmem:s20+$0xFFFFFF80] =	vst v2  }
0x13b: {  	[tilespmem:s20+$0xFFFFFFC0] =	vst v1  }
0x13c: {  	v1 =	vld [tilespmem:s14+$0x1F40];
	_ =	sdelay $0x4  }
0x13d: {  	v2 =	vshll.u32 v1, $0x10;
	v1 =	vand.u32 $0xFFFF0000, v1  }
0x13e: {  	[tilespmem:s20+$0xFFFFFF90] =	vst v2  }
0x13f: {  	[tilespmem:s20+$0xFFFFFFD0] =	vst v1  }
0x140: {  	v1 =	vld [tilespmem:s14+$0x1F50];
	_ =	sdelay $0x4  }
0x141: {  	v2 =	vshll.u32 v1, $0x10;
	v1 =	vand.u32 $0xFFFF0000, v1  }
0x142: {  	[tilespmem:s20+$0xFFFFFFA0] =	vst v2  }
0x143: {  	[tilespmem:s20+$0xFFFFFFE0] =	vst v1  }
0x144: {  	v1 =	vld [tilespmem:s14+$0x1F60];
	_ =	sdelay $0x4  }
0x145: {  	v2 =	vshll.u32 v1, $0x10;
	v1 =	vand.u32 $0xFFFF0000, v1  }
0x146: {  	[tilespmem:s20+$0xFFFFFFB0] =	vst v2  }
0x147: {  	[tilespmem:s20+$0xFFFFFFF0] =	vst v1  }
0x148: {  	v1 =	vld [tilespmem:s14+$0x1F70];
	_ =	sdelay $0x4  }
0x149: {  	v2 =	vshll.u32 v1, $0x10;
	v1 =	vand.u32 $0xFFFF0000, v1  }
0x14a: {  	[tilespmem:s20+$0x0] =	vst v2  }
0x14b: {  	[tilespmem:s20+$0x40] =	vst v1  }
0x14c: {  	v1 =	vld [tilespmem:s14+$0x1F80];
	_ =	sdelay $0x4  }
0x14d: {  	v2 =	vshll.u32 v1, $0x10;
	v1 =	vand.u32 $0xFFFF0000, v1  }
0x14e: {  	[tilespmem:s20+$0x10] =	vst v2  }
0x14f: {  	[tilespmem:s20+$0x50] =	vst v1  }
0x150: {  	v1 =	vld [tilespmem:s14+$0x1F90];
	_ =	sdelay $0x4  }
0x151: {  	v2 =	vshll.u32 v1, $0x10;
	v1 =	vand.u32 $0xFFFF0000, v1  }
0x152: {  	[tilespmem:s20+$0x20] =	vst v2  }
0x153: {  	[tilespmem:s20+$0x60] =	vst v1  }
0x154: {  	v1 =	vld [tilespmem:s14+$0x1FA0];
	_ =	sdelay $0x4  }
0x155: {  	v2 =	vshll.u32 v1, $0x10;
	v1 =	vand.u32 $0xFFFF0000, v1  }
0x156: {  	[tilespmem:s20+$0x30] =	vst v2  }
0x157: {  	[tilespmem:s20+$0x70] =	vst v1  }
0x158: {  	v1 =	vld [tilespmem:s14+$0x1FB0];
	_ =	sdelay $0x4  }
0x159: {  	v2 =	vshll.u32 v1, $0x10;
	v1 =	vand.u32 $0xFFFF0000, v1  }
0x15a: {  	[tilespmem:s20+$0x80] =	vst v2  }
0x15b: {  	[tilespmem:s20+$0xC0] =	vst v1  }
0x15c: {  	v1 =	vld [tilespmem:s14+$0x1FC0];
	_ =	sdelay $0x1  }
.Ltmp2:
0x15d: {  	(pc) =	sbr.rel @p0 .LBB2_6-.Ltmp2, $3  }
0x15e: {  	_ =	sdelay $0x1  }
0x15f: {  	v2 =	vshll.u32 v1, $0x10;
	v1 =	vand.u32 $0xFFFF0000, v1  }
0x160: {  	[tilespmem:s20+$0x90] =	vst v2  }
0x161: {  	[tilespmem:s13+$0xD0] =	vst v1  }
0x162: {  	v1 =	vld [tilespmem:s14+$0x1FD0];
	_ =	sdelay $0x4  }
0x163: {  	v2 =	vshll.u32 v1, $0x10  }
0x164: {  	v1 =	vand.u32 $0xFFFF0000, v1;
	[tilespmem:s13+$0xA0] =	vst v2  }
0x165: {  	[tilespmem:s13+$0xE0] =	vst v1  }
0x166: {  	v1 =	vld [tilespmem:s14+$0x1FE0];
	_ =	sdelay $0x4  }
0x167: {  	v2 =	vshll.u32 v1, $0x10  }
0x168: {  	v1 =	vand.u32 $0xFFFF0000, v1;
	[tilespmem:s13+$0xB0] =	vst v2  }
0x169: {  	[tilespmem:s13+$0xF0] =	vst v1  }
0x16a: {  	_ =	swait.ge [sflag:s30], $0x78  }
0x16b: {  	[sflag:s30] =	ssyncset.done $0x0  }
0x16c: {  	[sflag:s30] =	ssyncadd.s32 $0xFFFFFF88  }
0x16d: {  	[tilespmem:s23], [sflag:$0x1] =	stream.indirect.gather [hbm4b:s4+s29], $0x40, s29, s29, $0xb8;
	[tilespmem:$0x1F5E0] =	vst v63  }
0x16e: {  	_ =	swait.ge [sflag:s10], $0x78  }
0x16f: {  	[sflag:s10] =	ssyncset.done $0x0  }
0x170: {  	s13 =	simm.s32 $0x0;
	[sflag:s10] =	ssyncadd.s32 $0xFFFFFF88  }
0x171: {  	[spmem:s1] =	stream.indirect.scatter.add.f32 [tilespmem:s31], [sflag:$0x3], $0x80, s11, s29, $0xb8;
	[tilespmem:$0x1F5E0] =	vst v63  }
.LBB2_8:
0x172: {  	_ =	swait.ge [sflag:s2], $0x1E00;
	p0 =	seq.s32 s13, $0x28  }
0x173: {  	[sflag:s2] =	ssyncset.done $0x0;
	s14 =	smul.u32 @!p0 $0xF0, s13  }
0x174: {  	[sflag:s2] =	ssyncadd.s32 $0xFFFFE200  }
0x175: {  	s20 =	simm.s32 @!p0 $0x0;
	_ =	swait.ge [sflag:s0], $0x3C00;
	s19 =	sadd.s32 @!p0 s14, s15  }
0x176: {  	s14 =	simm.s32 @p0 $0x2580;
	[sflag:s0] =	ssyncset.done $0x0;
	s19 =	sshrl.u32 @!p0 s19, $0x3  }
0x177: {  	s23 =	sadd.s32 s14, s16;
	[sflag:s0] =	ssyncadd.s32 $0xFFFFC400;
	s19 =	sadd.s32 @!p0 s5, s19  }
0x178: {  	[tilespmem:s20], [sflag:$0x4] =	stream.linear.gather @!p0 [hbm4b:s19+s20], $0x78, $0x38;
	[tilespmem:$0x1F5E0] =	vst v63  }
0x179: {  	s19 =	sshrl.u32 s23, $0x3  }
0x17a: {  	s20 =	simm.s32 $0xF0;
	s19 =	sadd.s32 s6, s19  }
0x17b: {  	[tilespmem:s9], [sflag:$0x2] =	stream.linear.gather [hbm4b:s19+s3], $0x78, $0x38;
	[tilespmem:$0x1F5E0] =	vst v63  }
0x17c: {  	v1 =	vld [tilespmem:s20+$0xF0];
	_ =	sdelay $0x4  }
0x17d: {  	s19 =	simm.s32 $0x3EE0;
	v2 =	vshll.u32 v1, $0x10  }
0x17e: {  	v1 =	vand.u32 $0xFFFF0000, v1;
	[tilespmem:s19+$0xFFFFFF00] =	vst v2  }
0x17f: {  	[tilespmem:s19+$0xFFFFFF40] =	vst v1  }
0x180: {  	v1 =	vld [tilespmem:s20+$0x100];
	_ =	sdelay $0x4  }
0x181: {  	v2 =	vshll.u32 v1, $0x10  }
0x182: {  	v1 =	vand.u32 $0xFFFF0000, v1;
	[tilespmem:s19+$0xFFFFFF10] =	vst v2  }
0x183: {  	[tilespmem:s19+$0xFFFFFF50] =	vst v1  }
0x184: {  	v1 =	vld [tilespmem:s20+$0x110];
	_ =	sdelay $0x4  }
0x185: {  	v2 =	vshll.u32 v1, $0x10  }
0x186: {  	v1 =	vand.u32 $0xFFFF0000, v1;
	[tilespmem:s19+$0xFFFFFF20] =	vst v2  }
0x187: {  	[tilespmem:s19+$0xFFFFFF60] =	vst v1  }
0x188: {  	v1 =	vld [tilespmem:s20+$0x120];
	_ =	sdelay $0x4  }
0x189: {  	v2 =	vshll.u32 v1, $0x10  }
0x18a: {  	v1 =	vand.u32 $0xFFFF0000, v1;
	[tilespmem:s19+$0xFFFFFF30] =	vst v2  }
0x18b: {  	[tilespmem:s19+$0xFFFFFF70] =	vst v1  }
0x18c: {  	v1 =	vld [tilespmem:s20+$0x130];
	_ =	sdelay $0x4  }
0x18d: {  	v2 =	vshll.u32 v1, $0x10  }
0x18e: {  	v1 =	vand.u32 $0xFFFF0000, v1;
	[tilespmem:s19+$0xFFFFFF80] =	vst v2  }
0x18f: {  	[tilespmem:s19+$0xFFFFFFC0] =	vst v1  }
0x190: {  	v1 =	vld [tilespmem:s20+$0x140];
	_ =	sdelay $0x4  }
0x191: {  	v2 =	vshll.u32 v1, $0x10  }
0x192: {  	v1 =	vand.u32 $0xFFFF0000, v1;
	[tilespmem:s19+$0xFFFFFF90] =	vst v2  }
0x193: {  	[tilespmem:s19+$0xFFFFFFD0] =	vst v1  }
0x194: {  	v1 =	vld [tilespmem:s20+$0x150];
	_ =	sdelay $0x4  }
0x195: {  	v2 =	vshll.u32 v1, $0x10  }
0x196: {  	v1 =	vand.u32 $0xFFFF0000, v1;
	[tilespmem:s19+$0xFFFFFFA0] =	vst v2  }
0x197: {  	[tilespmem:s19+$0xFFFFFFE0] =	vst v1  }
0x198: {  	v1 =	vld [tilespmem:s20+$0x160];
	_ =	sdelay $0x4  }
0x199: {  	v2 =	vshll.u32 v1, $0x10  }
0x19a: {  	v1 =	vand.u32 $0xFFFF0000, v1;
	[tilespmem:s19+$0xFFFFFFB0] =	vst v2  }
0x19b: {  	[tilespmem:s19+$0xFFFFFFF0] =	vst v1  }
0x19c: {  	v1 =	vld [tilespmem:s20+$0x170];
	_ =	sdelay $0x4  }
0x19d: {  	v2 =	vshll.u32 v1, $0x10  }
0x19e: {  	v1 =	vand.u32 $0xFFFF0000, v1;
	[tilespmem:s19+$0x0] =	vst v2  }
0x19f: {  	[tilespmem:s19+$0x40] =	vst v1  }
0x1a0: {  	v1 =	vld [tilespmem:s20+$0x180];
	_ =	sdelay $0x4  }
0x1a1: {  	v2 =	vshll.u32 v1, $0x10  }
0x1a2: {  	v1 =	vand.u32 $0xFFFF0000, v1;
	[tilespmem:s19+$0x10] =	vst v2  }
0x1a3: {  	[tilespmem:s19+$0x50] =	vst v1  }
0x1a4: {  	v1 =	vld [tilespmem:s20+$0x190];
	_ =	sdelay $0x4  }
0x1a5: {  	v2 =	vshll.u32 v1, $0x10  }
0x1a6: {  	v1 =	vand.u32 $0xFFFF0000, v1;
	[tilespmem:s19+$0x20] =	vst v2  }
0x1a7: {  	[tilespmem:s19+$0x60] =	vst v1  }
0x1a8: {  	v1 =	vld [tilespmem:s20+$0x1A0];
	_ =	sdelay $0x4  }
0x1a9: {  	v2 =	vshll.u32 v1, $0x10  }
0x1aa: {  	v1 =	vand.u32 $0xFFFF0000, v1;
	[tilespmem:s19+$0x30] =	vst v2  }
0x1ab: {  	[tilespmem:s19+$0x70] =	vst v1  }
0x1ac: {  	v1 =	vld [tilespmem:s20+$0x1B0];
	_ =	sdelay $0x4  }
0x1ad: {  	v2 =	vshll.u32 v1, $0x10  }
0x1ae: {  	v1 =	vand.u32 $0xFFFF0000, v1;
	[tilespmem:s19+$0x80] =	vst v2  }
0x1af: {  	[tilespmem:s19+$0xC0] =	vst v1  }
0x1b0: {  	v1 =	vld [tilespmem:s20+$0x1C0];
	_ =	sdelay $0x4  }
0x1b1: {  	v2 =	vshll.u32 v1, $0x10  }
0x1b2: {  	s21 =	simm.s32 $0x7C0;
	s22 =	simm.s32 $0x3EE0;
	v1 =	vand.u32 $0xFFFF0000, v1;
	[tilespmem:s19+$0x90] =	vst v2  }
.LBB2_9:
0x1b3: {  	p1 =	sne.s32 s21, $0x77C0  }
0x1b4: {  	[tilespmem:s19+$0xD0] =	vst v1;
	s22 =	sadd.s32 $0x200, s22;
	s23 =	smov.u32 s21;
	s21 =	sadd.s32 $0x400, s21  }
0x1b5: {  	v1 =	vld [tilespmem:s20+$0x1D0];
	_ =	sdelay $0x4  }
0x1b6: {  	v2 =	vshll.u32 v1, $0x10;
	v1 =	vand.u32 $0xFFFF0000, v1  }
0x1b7: {  	[tilespmem:s19+$0xA0] =	vst v2  }
0x1b8: {  	[tilespmem:s19+$0xE0] =	vst v1  }
0x1b9: {  	v1 =	vld [tilespmem:s20+$0x1E0];
	_ =	sdelay $0x4  }
0x1ba: {  	v2 =	vshll.u32 v1, $0x10;
	v1 =	vand.u32 $0xFFFF0000, v1  }
0x1bb: {  	[tilespmem:s19+$0xB0] =	vst v2  }
0x1bc: {  	s20 =	sshra.s32 s23, $0x2;
	[tilespmem:s19+$0xF0] =	vst v1;
	s19 =	smov.u32 s22  }
0x1bd: {  	v1 =	vld [tilespmem:s20+$0xF0];
	_ =	sdelay $0x4  }
0x1be: {  	v2 =	vshll.u32 v1, $0x10;
	v1 =	vand.u32 $0xFFFF0000, v1  }
0x1bf: {  	[tilespmem:s22+$0xFFFFFF00] =	vst v2  }
0x1c0: {  	[tilespmem:s22+$0xFFFFFF40] =	vst v1  }
0x1c1: {  	v1 =	vld [tilespmem:s20+$0x100];
	_ =	sdelay $0x4  }
0x1c2: {  	v2 =	vshll.u32 v1, $0x10;
	v1 =	vand.u32 $0xFFFF0000, v1  }
0x1c3: {  	[tilespmem:s22+$0xFFFFFF10] =	vst v2  }
0x1c4: {  	[tilespmem:s22+$0xFFFFFF50] =	vst v1  }
0x1c5: {  	v1 =	vld [tilespmem:s20+$0x110];
	_ =	sdelay $0x4  }
0x1c6: {  	v2 =	vshll.u32 v1, $0x10;
	v1 =	vand.u32 $0xFFFF0000, v1  }
0x1c7: {  	[tilespmem:s22+$0xFFFFFF20] =	vst v2  }
0x1c8: {  	[tilespmem:s22+$0xFFFFFF60] =	vst v1  }
0x1c9: {  	v1 =	vld [tilespmem:s20+$0x120];
	_ =	sdelay $0x4  }
0x1ca: {  	v2 =	vshll.u32 v1, $0x10;
	v1 =	vand.u32 $0xFFFF0000, v1  }
0x1cb: {  	[tilespmem:s22+$0xFFFFFF30] =	vst v2  }
0x1cc: {  	[tilespmem:s22+$0xFFFFFF70] =	vst v1  }
0x1cd: {  	v1 =	vld [tilespmem:s20+$0x130];
	_ =	sdelay $0x4  }
0x1ce: {  	v2 =	vshll.u32 v1, $0x10;
	v1 =	vand.u32 $0xFFFF0000, v1  }
0x1cf: {  	[tilespmem:s22+$0xFFFFFF80] =	vst v2  }
0x1d0: {  	[tilespmem:s22+$0xFFFFFFC0] =	vst v1  }
0x1d1: {  	v1 =	vld [tilespmem:s20+$0x140];
	_ =	sdelay $0x4  }
0x1d2: {  	v2 =	vshll.u32 v1, $0x10;
	v1 =	vand.u32 $0xFFFF0000, v1  }
0x1d3: {  	[tilespmem:s22+$0xFFFFFF90] =	vst v2  }
0x1d4: {  	[tilespmem:s22+$0xFFFFFFD0] =	vst v1  }
0x1d5: {  	v1 =	vld [tilespmem:s20+$0x150];
	_ =	sdelay $0x4  }
0x1d6: {  	v2 =	vshll.u32 v1, $0x10;
	v1 =	vand.u32 $0xFFFF0000, v1  }
0x1d7: {  	[tilespmem:s22+$0xFFFFFFA0] =	vst v2  }
0x1d8: {  	[tilespmem:s22+$0xFFFFFFE0] =	vst v1  }
0x1d9: {  	v1 =	vld [tilespmem:s20+$0x160];
	_ =	sdelay $0x4  }
0x1da: {  	v2 =	vshll.u32 v1, $0x10;
	v1 =	vand.u32 $0xFFFF0000, v1  }
0x1db: {  	[tilespmem:s22+$0xFFFFFFB0] =	vst v2  }
0x1dc: {  	[tilespmem:s22+$0xFFFFFFF0] =	vst v1  }
0x1dd: {  	v1 =	vld [tilespmem:s20+$0x170];
	_ =	sdelay $0x4  }
0x1de: {  	v2 =	vshll.u32 v1, $0x10;
	v1 =	vand.u32 $0xFFFF0000, v1  }
0x1df: {  	[tilespmem:s22+$0x0] =	vst v2  }
0x1e0: {  	[tilespmem:s22+$0x40] =	vst v1  }
0x1e1: {  	v1 =	vld [tilespmem:s20+$0x180];
	_ =	sdelay $0x4  }
0x1e2: {  	v2 =	vshll.u32 v1, $0x10;
	v1 =	vand.u32 $0xFFFF0000, v1  }
0x1e3: {  	[tilespmem:s22+$0x10] =	vst v2  }
0x1e4: {  	[tilespmem:s22+$0x50] =	vst v1  }
0x1e5: {  	v1 =	vld [tilespmem:s20+$0x190];
	_ =	sdelay $0x4  }
0x1e6: {  	v2 =	vshll.u32 v1, $0x10;
	v1 =	vand.u32 $0xFFFF0000, v1  }
0x1e7: {  	[tilespmem:s22+$0x20] =	vst v2  }
0x1e8: {  	[tilespmem:s22+$0x60] =	vst v1  }
0x1e9: {  	v1 =	vld [tilespmem:s20+$0x1A0];
	_ =	sdelay $0x4  }
0x1ea: {  	v2 =	vshll.u32 v1, $0x10;
	v1 =	vand.u32 $0xFFFF0000, v1  }
0x1eb: {  	[tilespmem:s22+$0x30] =	vst v2  }
0x1ec: {  	[tilespmem:s22+$0x70] =	vst v1  }
0x1ed: {  	v1 =	vld [tilespmem:s20+$0x1B0];
	_ =	sdelay $0x4  }
0x1ee: {  	v2 =	vshll.u32 v1, $0x10;
	v1 =	vand.u32 $0xFFFF0000, v1  }
0x1ef: {  	[tilespmem:s22+$0x80] =	vst v2  }
0x1f0: {  	[tilespmem:s22+$0xC0] =	vst v1  }
0x1f1: {  	v1 =	vld [tilespmem:s20+$0x1C0];
	_ =	sdelay $0x1  }
.Ltmp3:
0x1f2: {  	(pc) =	sbr.rel @p1 .LBB2_9-.Ltmp3, $3  }
0x1f3: {  	_ =	sdelay $0x1  }
0x1f4: {  	v2 =	vshll.u32 v1, $0x10;
	v1 =	vand.u32 $0xFFFF0000, v1  }
0x1f5: {  	[tilespmem:s22+$0x90] =	vst v2  }
0x1f6: {  	[tilespmem:s19+$0xD0] =	vst v1  }
0x1f7: {  	v1 =	vld [tilespmem:s20+$0x1D0];
	_ =	sdelay $0x4  }
0x1f8: {  	v2 =	vshll.u32 v1, $0x10  }
0x1f9: {  	v1 =	vand.u32 $0xFFFF0000, v1;
	[tilespmem:s19+$0xA0] =	vst v2  }
0x1fa: {  	[tilespmem:s19+$0xE0] =	vst v1  }
0x1fb: {  	v1 =	vld [tilespmem:s20+$0x1E0];
	_ =	sdelay $0x4  }
0x1fc: {  	v2 =	vshll.u32 v1, $0x10  }
0x1fd: {  	v1 =	vand.u32 $0xFFFF0000, v1;
	[tilespmem:s19+$0xB0] =	vst v2  }
0x1fe: {  	[tilespmem:s19+$0xF0] =	vst v1;
	s19 =	simm.s32 @p0 $0x2  }
0x1ff: {  	_ =	swait.ge @p0 [sflag:s19], $0x78  }
0x200: {  	s21 =	simm.s32 @p0 $0x3DE0;
	[sflag:s19] =	ssyncset.done @p0 $0x0  }
0x201: {  	s20 =	simm.s32 @p0 $0xF0;
	[sflag:s19] =	ssyncadd.s32 @p0 $0xFFFFFF88;
	s19 =	simm.s32 @p0 $0x78  }
0x202: {  	[spmem:s1] =	stream.indirect.scatter.add.f32 @p0 [tilespmem:s21], [sflag:$0x3], $0x80, s20, s19, $0xb8;
	[tilespmem:$0x1F5E0] =	vst v63  }
0x203: {  	s19 =	simm.s32 @p0 $0x1  }
0x204: {  	_ =	swait.ge @p0 [sflag:s19], $0x1E00  }
0x205: {  	[sflag:s19] =	ssyncset.done @p0 $0x0  }
0x206: {  	[sflag:s19] =	ssyncadd.s32 @p0 $0xFFFFE200;
	s19 =	simm.s32 @p0 $0x3  }
0x207: {  	_ =	swait.ge @p0 [sflag:s19], $0x3C00  }
0x208: {  	[sflag:s19] =	ssyncset.done @p0 $0x0  }
0x209: {  	[sflag:s19] =	ssyncadd.s32 @p0 $0xFFFFC400;
	s19 =	simm.s32 @!p0 $0x4  }
0x20a: {  	_ =	swait.ge @!p0 [sflag:s19], $0x78  }
0x20b: {  	s20 =	simm.s32 @!p0 $0x0;
	[sflag:s19] =	ssyncset.done @!p0 $0x0  }
0x20c: {  	s21 =	simm.s32 @!p0 $0x1E0;
	[sflag:s19] =	ssyncadd.s32 @!p0 $0xFFFFFF88;
	s19 =	simm.s32 @!p0 $0x78  }
0x20d: {  	[tilespmem:s21], [sflag:$0x1] =	stream.indirect.gather @!p0 [hbm4b:s4+s19], $0x40, s20, s19, $0xb8;
	[tilespmem:$0x1F5E0] =	vst v63  }
0x20e: {  	s21 =	simm.s32 @!p0 $0x2  }
0x20f: {  	_ =	swait.ge @!p0 [sflag:s21], $0x78  }
0x210: {  	[sflag:s21] =	ssyncset.done @!p0 $0x0  }
0x211: {  	s22 =	simm.s32 @!p0 $0x3DE0;
	[sflag:s21] =	ssyncadd.s32 @!p0 $0xFFFFFF88;
	s21 =	simm.s32 @!p0 $0xF0  }
0x212: {  	[spmem:s1] =	stream.indirect.scatter.add.f32 @!p0 [tilespmem:s22], [sflag:$0x3], $0x80, s21, s19, $0xb8;
	[tilespmem:$0x1F5E0] =	vst v63  }
0x213: {  	s21 =	simm.s32 @!p0 $0x1  }
0x214: {  	_ =	swait.ge @!p0 [sflag:s21], $0x1E00  }
0x215: {  	[sflag:s21] =	ssyncset.done @!p0 $0x0  }
0x216: {  	[sflag:s21] =	ssyncadd.s32 @!p0 $0xFFFFE200;
	s21 =	simm.s32 @!p0 $0x3  }
0x217: {  	s22 =	sadd.s32 @!p0 s14, s17;
	_ =	swait.ge @!p0 [sflag:s21], $0x3C00  }
0x218: {  	s23 =	sadd.s32 s14, s18;
	s22 =	sshrl.u32 @!p0 s22, $0x3;
	[sflag:s21] =	ssyncset.done @!p0 $0x0  }
0x219: {  	s14 =	sshrl.u32 s23, $0x3;
	[sflag:s21] =	ssyncadd.s32 @!p0 $0xFFFFC400;
	s21 =	sadd.s32 @!p0 s5, s22  }
0x21a: {  	[tilespmem:s19], [sflag:$0x4] =	stream.linear.gather @!p0 [hbm4b:s21+s20], $0x78, $0x38;
	[tilespmem:$0x1F5E0] =	vst v63  }
0x21b: {  	s14 =	sadd.s32 s6, s14;
	s19 =	simm.s32 $0xF0  }
0x21c: {  	[tilespmem:s11], [sflag:$0x2] =	stream.linear.gather [hbm4b:s14+s3], $0x78, $0x38;
	[tilespmem:$0x1F5E0] =	vst v63  }
0x21d: {  	v1 =	vld [tilespmem:s19+$0x1EF0];
	_ =	sdelay $0x4  }
0x21e: {  	s14 =	simm.s32 $0x7AE0;
	v2 =	vshll.u32 v1, $0x10  }
0x21f: {  	v1 =	vand.u32 $0xFFFF0000, v1;
	[tilespmem:s14+$0xFFFFFF00] =	vst v2  }
0x220: {  	[tilespmem:s14+$0xFFFFFF40] =	vst v1  }
0x221: {  	v1 =	vld [tilespmem:s19+$0x1F00];
	_ =	sdelay $0x4  }
0x222: {  	v2 =	vshll.u32 v1, $0x10  }
0x223: {  	v1 =	vand.u32 $0xFFFF0000, v1;
	[tilespmem:s14+$0xFFFFFF10] =	vst v2  }
0x224: {  	[tilespmem:s14+$0xFFFFFF50] =	vst v1  }
0x225: {  	v1 =	vld [tilespmem:s19+$0x1F10];
	_ =	sdelay $0x4  }
0x226: {  	v2 =	vshll.u32 v1, $0x10  }
0x227: {  	v1 =	vand.u32 $0xFFFF0000, v1;
	[tilespmem:s14+$0xFFFFFF20] =	vst v2  }
0x228: {  	[tilespmem:s14+$0xFFFFFF60] =	vst v1  }
0x229: {  	v1 =	vld [tilespmem:s19+$0x1F20];
	_ =	sdelay $0x4  }
0x22a: {  	v2 =	vshll.u32 v1, $0x10  }
0x22b: {  	v1 =	vand.u32 $0xFFFF0000, v1;
	[tilespmem:s14+$0xFFFFFF30] =	vst v2  }
0x22c: {  	[tilespmem:s14+$0xFFFFFF70] =	vst v1  }
0x22d: {  	v1 =	vld [tilespmem:s19+$0x1F30];
	_ =	sdelay $0x4  }
0x22e: {  	v2 =	vshll.u32 v1, $0x10  }
0x22f: {  	v1 =	vand.u32 $0xFFFF0000, v1;
	[tilespmem:s14+$0xFFFFFF80] =	vst v2  }
0x230: {  	[tilespmem:s14+$0xFFFFFFC0] =	vst v1  }
0x231: {  	v1 =	vld [tilespmem:s19+$0x1F40];
	_ =	sdelay $0x4  }
0x232: {  	v2 =	vshll.u32 v1, $0x10  }
0x233: {  	v1 =	vand.u32 $0xFFFF0000, v1;
	[tilespmem:s14+$0xFFFFFF90] =	vst v2  }
0x234: {  	[tilespmem:s14+$0xFFFFFFD0] =	vst v1  }
0x235: {  	v1 =	vld [tilespmem:s19+$0x1F50];
	_ =	sdelay $0x4  }
0x236: {  	v2 =	vshll.u32 v1, $0x10  }
0x237: {  	v1 =	vand.u32 $0xFFFF0000, v1;
	[tilespmem:s14+$0xFFFFFFA0] =	vst v2  }
0x238: {  	[tilespmem:s14+$0xFFFFFFE0] =	vst v1  }
0x239: {  	v1 =	vld [tilespmem:s19+$0x1F60];
	_ =	sdelay $0x4  }
0x23a: {  	v2 =	vshll.u32 v1, $0x10  }
0x23b: {  	v1 =	vand.u32 $0xFFFF0000, v1;
	[tilespmem:s14+$0xFFFFFFB0] =	vst v2  }
0x23c: {  	[tilespmem:s14+$0xFFFFFFF0] =	vst v1  }
0x23d: {  	v1 =	vld [tilespmem:s19+$0x1F70];
	_ =	sdelay $0x4  }
0x23e: {  	v2 =	vshll.u32 v1, $0x10  }
0x23f: {  	v1 =	vand.u32 $0xFFFF0000, v1;
	[tilespmem:s14+$0x0] =	vst v2  }
0x240: {  	[tilespmem:s14+$0x40] =	vst v1  }
0x241: {  	v1 =	vld [tilespmem:s19+$0x1F80];
	_ =	sdelay $0x4  }
0x242: {  	v2 =	vshll.u32 v1, $0x10  }
0x243: {  	v1 =	vand.u32 $0xFFFF0000, v1;
	[tilespmem:s14+$0x10] =	vst v2  }
0x244: {  	[tilespmem:s14+$0x50] =	vst v1  }
0x245: {  	v1 =	vld [tilespmem:s19+$0x1F90];
	_ =	sdelay $0x4  }
0x246: {  	v2 =	vshll.u32 v1, $0x10  }
0x247: {  	v1 =	vand.u32 $0xFFFF0000, v1;
	[tilespmem:s14+$0x20] =	vst v2  }
0x248: {  	[tilespmem:s14+$0x60] =	vst v1  }
0x249: {  	v1 =	vld [tilespmem:s19+$0x1FA0];
	_ =	sdelay $0x4  }
0x24a: {  	v2 =	vshll.u32 v1, $0x10  }
0x24b: {  	v1 =	vand.u32 $0xFFFF0000, v1;
	[tilespmem:s14+$0x30] =	vst v2  }
0x24c: {  	[tilespmem:s14+$0x70] =	vst v1  }
0x24d: {  	v1 =	vld [tilespmem:s19+$0x1FB0];
	_ =	sdelay $0x4  }
0x24e: {  	v2 =	vshll.u32 v1, $0x10  }
0x24f: {  	v1 =	vand.u32 $0xFFFF0000, v1;
	[tilespmem:s14+$0x80] =	vst v2  }
0x250: {  	[tilespmem:s14+$0xC0] =	vst v1  }
0x251: {  	v1 =	vld [tilespmem:s19+$0x1FC0];
	_ =	sdelay $0x4  }
0x252: {  	v2 =	vshll.u32 v1, $0x10  }
0x253: {  	s20 =	simm.s32 $0x7C0;
	s21 =	simm.s32 $0x7AE0;
	v1 =	vand.u32 $0xFFFF0000, v1;
	[tilespmem:s14+$0x90] =	vst v2  }
.LBB2_11:
0x254: {  	p1 =	sne.s32 s20, $0x77C0  }
0x255: {  	[tilespmem:s14+$0xD0] =	vst v1;
	s21 =	sadd.s32 $0x200, s21;
	s22 =	smov.u32 s20;
	s20 =	sadd.s32 $0x400, s20  }
0x256: {  	v1 =	vld [tilespmem:s19+$0x1FD0];
	_ =	sdelay $0x4  }
0x257: {  	v2 =	vshll.u32 v1, $0x10;
	v1 =	vand.u32 $0xFFFF0000, v1  }
0x258: {  	[tilespmem:s14+$0xA0] =	vst v2  }
0x259: {  	[tilespmem:s14+$0xE0] =	vst v1  }
0x25a: {  	v1 =	vld [tilespmem:s19+$0x1FE0];
	_ =	sdelay $0x4  }
0x25b: {  	v2 =	vshll.u32 v1, $0x10;
	v1 =	vand.u32 $0xFFFF0000, v1  }
0x25c: {  	[tilespmem:s14+$0xB0] =	vst v2  }
0x25d: {  	s19 =	sshra.s32 s22, $0x2;
	[tilespmem:s14+$0xF0] =	vst v1;
	s14 =	smov.u32 s21  }
0x25e: {  	v1 =	vld [tilespmem:s19+$0x1EF0];
	_ =	sdelay $0x4  }
0x25f: {  	v2 =	vshll.u32 v1, $0x10;
	v1 =	vand.u32 $0xFFFF0000, v1  }
0x260: {  	[tilespmem:s21+$0xFFFFFF00] =	vst v2  }
0x261: {  	[tilespmem:s21+$0xFFFFFF40] =	vst v1  }
0x262: {  	v1 =	vld [tilespmem:s19+$0x1F00];
	_ =	sdelay $0x4  }
0x263: {  	v2 =	vshll.u32 v1, $0x10;
	v1 =	vand.u32 $0xFFFF0000, v1  }
0x264: {  	[tilespmem:s21+$0xFFFFFF10] =	vst v2  }
0x265: {  	[tilespmem:s21+$0xFFFFFF50] =	vst v1  }
0x266: {  	v1 =	vld [tilespmem:s19+$0x1F10];
	_ =	sdelay $0x4  }
0x267: {  	v2 =	vshll.u32 v1, $0x10;
	v1 =	vand.u32 $0xFFFF0000, v1  }
0x268: {  	[tilespmem:s21+$0xFFFFFF20] =	vst v2  }
0x269: {  	[tilespmem:s21+$0xFFFFFF60] =	vst v1  }
0x26a: {  	v1 =	vld [tilespmem:s19+$0x1F20];
	_ =	sdelay $0x4  }
0x26b: {  	v2 =	vshll.u32 v1, $0x10;
	v1 =	vand.u32 $0xFFFF0000, v1  }
0x26c: {  	[tilespmem:s21+$0xFFFFFF30] =	vst v2  }
0x26d: {  	[tilespmem:s21+$0xFFFFFF70] =	vst v1  }
0x26e: {  	v1 =	vld [tilespmem:s19+$0x1F30];
	_ =	sdelay $0x4  }
0x26f: {  	v2 =	vshll.u32 v1, $0x10;
	v1 =	vand.u32 $0xFFFF0000, v1  }
0x270: {  	[tilespmem:s21+$0xFFFFFF80] =	vst v2  }
0x271: {  	[tilespmem:s21+$0xFFFFFFC0] =	vst v1  }
0x272: {  	v1 =	vld [tilespmem:s19+$0x1F40];
	_ =	sdelay $0x4  }
0x273: {  	v2 =	vshll.u32 v1, $0x10;
	v1 =	vand.u32 $0xFFFF0000, v1  }
0x274: {  	[tilespmem:s21+$0xFFFFFF90] =	vst v2  }
0x275: {  	[tilespmem:s21+$0xFFFFFFD0] =	vst v1  }
0x276: {  	v1 =	vld [tilespmem:s19+$0x1F50];
	_ =	sdelay $0x4  }
0x277: {  	v2 =	vshll.u32 v1, $0x10;
	v1 =	vand.u32 $0xFFFF0000, v1  }
0x278: {  	[tilespmem:s21+$0xFFFFFFA0] =	vst v2  }
0x279: {  	[tilespmem:s21+$0xFFFFFFE0] =	vst v1  }
0x27a: {  	v1 =	vld [tilespmem:s19+$0x1F60];
	_ =	sdelay $0x4  }
0x27b: {  	v2 =	vshll.u32 v1, $0x10;
	v1 =	vand.u32 $0xFFFF0000, v1  }
0x27c: {  	[tilespmem:s21+$0xFFFFFFB0] =	vst v2  }
0x27d: {  	[tilespmem:s21+$0xFFFFFFF0] =	vst v1  }
0x27e: {  	v1 =	vld [tilespmem:s19+$0x1F70];
	_ =	sdelay $0x4  }
0x27f: {  	v2 =	vshll.u32 v1, $0x10;
	v1 =	vand.u32 $0xFFFF0000, v1  }
0x280: {  	[tilespmem:s21+$0x0] =	vst v2  }
0x281: {  	[tilespmem:s21+$0x40] =	vst v1  }
0x282: {  	v1 =	vld [tilespmem:s19+$0x1F80];
	_ =	sdelay $0x4  }
0x283: {  	v2 =	vshll.u32 v1, $0x10;
	v1 =	vand.u32 $0xFFFF0000, v1  }
0x284: {  	[tilespmem:s21+$0x10] =	vst v2  }
0x285: {  	[tilespmem:s21+$0x50] =	vst v1  }
0x286: {  	v1 =	vld [tilespmem:s19+$0x1F90];
	_ =	sdelay $0x4  }
0x287: {  	v2 =	vshll.u32 v1, $0x10;
	v1 =	vand.u32 $0xFFFF0000, v1  }
0x288: {  	[tilespmem:s21+$0x20] =	vst v2  }
0x289: {  	[tilespmem:s21+$0x60] =	vst v1  }
0x28a: {  	v1 =	vld [tilespmem:s19+$0x1FA0];
	_ =	sdelay $0x4  }
0x28b: {  	v2 =	vshll.u32 v1, $0x10;
	v1 =	vand.u32 $0xFFFF0000, v1  }
0x28c: {  	[tilespmem:s21+$0x30] =	vst v2  }
0x28d: {  	[tilespmem:s21+$0x70] =	vst v1  }
0x28e: {  	v1 =	vld [tilespmem:s19+$0x1FB0];
	_ =	sdelay $0x4  }
0x28f: {  	v2 =	vshll.u32 v1, $0x10;
	v1 =	vand.u32 $0xFFFF0000, v1  }
0x290: {  	[tilespmem:s21+$0x80] =	vst v2  }
0x291: {  	[tilespmem:s21+$0xC0] =	vst v1  }
0x292: {  	v1 =	vld [tilespmem:s19+$0x1FC0];
	_ =	sdelay $0x1  }
.Ltmp4:
0x293: {  	(pc) =	sbr.rel @p1 .LBB2_11-.Ltmp4, $3  }
0x294: {  	_ =	sdelay $0x1  }
0x295: {  	v2 =	vshll.u32 v1, $0x10;
	v1 =	vand.u32 $0xFFFF0000, v1  }
0x296: {  	[tilespmem:s21+$0x90] =	vst v2  }
0x297: {  	[tilespmem:s14+$0xD0] =	vst v1  }
0x298: {  	v1 =	vld [tilespmem:s19+$0x1FD0];
	_ =	sdelay $0x4  }
0x299: {  	v2 =	vshll.u32 v1, $0x10  }
0x29a: {  	v1 =	vand.u32 $0xFFFF0000, v1;
	[tilespmem:s14+$0xA0] =	vst v2  }
0x29b: {  	[tilespmem:s14+$0xE0] =	vst v1  }
0x29c: {  	v1 =	vld [tilespmem:s19+$0x1FE0];
	_ =	sdelay $0x4  }
0x29d: {  	v2 =	vshll.u32 v1, $0x10  }
0x29e: {  	v1 =	vand.u32 $0xFFFF0000, v1;
	[tilespmem:s14+$0xB0] =	vst v2  }
0x29f: {  	[tilespmem:s14+$0xF0] =	vst v1;
	s14 =	simm.s32 @!p0 $0x4  }
0x2a0: {  	_ =	swait.ge @!p0 [sflag:s14], $0x78  }
0x2a1: {  	s13 =	sadd.s32 $0x1, s13;
	[sflag:s14] =	ssyncset.done @!p0 $0x0  }
0x2a2: {  	s19 =	simm.s32 @!p0 $0x1FE0;
	[sflag:s14] =	ssyncadd.s32 @!p0 $0xFFFFFF88;
	s14 =	simm.s32 @!p0 $0x78  }
0x2a3: {  	[tilespmem:s19], [sflag:$0x1] =	stream.indirect.gather @!p0 [hbm4b:s4+s14], $0x40, s14, s14, $0xb8;
	[tilespmem:$0x1F5E0] =	vst v63  }
0x2a4: {  	p0 =	sne.s32 s13, $0x29  }
.Ltmp5:
0x2a5: {  	_ = 	snop;
	(pc) =	sbr.rel @p0 .LBB2_8-.Ltmp5, $4  }
0x2a6: {  	_ =	swait.ge [sflag:s10], $0x78  }
0x2a7: {  	[sflag:s10] =	ssyncset.done $0x0  }
0x2a8: {  	[sflag:s10] =	ssyncadd.s32 $0xFFFFFF88  }
0x2a9: {  	[spmem:s1] =	stream.indirect.scatter.add.f32 [tilespmem:s31], [sflag:$0x3], $0x80, s11, s29, $0xb8;
	[tilespmem:$0x1F5E0] =	vst v63  }
0x2aa: {  	_ =	swait.ge [sflag:s0], $0x3C00  }
0x2ab: {  	[sflag:s0] =	ssyncset.done $0x0  }
0x2ac: {  	[sflag:s0] =	ssyncadd.s32 $0xFFFFC400  }
0x2ad: {  	_ =	swait.ge [sflag:s0], $0x3C00  }
0x2ae: {  	[sflag:s0] =	ssyncset.done $0x0  }
0x2af: {  	s13 =	stileid.u32;
	[sflag:s0] =	ssyncadd.s32 $0xFFFFC400  }
0x2b0: {  	s13 =	sshll.u32 s13, $0x6;
	[bflag:$0x0] =	sbarrier.arrive $0xFFFF  }
0x2b1: {  	s13 =	sor.u32 $0x1C05, s13;
	s14 =	rddreg [dreg:$0x9]  }
0x2b2: {  	[hbm:s14], [sflag:s13] =	dma.local [spmem:s25], $0x2800  }
0x2b3: {  	_ =	swait.ge [sflag:s28], $0x2800  }
0x2b4: {  	s12 =	sadd.s32 $0x1, s12;
	s23 =	rddreg [dreg:$0xa]  }
0x2b5: {  	p0 =	sne.s32 s12, s23  }
.Ltmp6:
0x2b6: {  	_ = 	snop;
	(pc) =	sbr.rel @p0 .LBB2_1-.Ltmp6, $3  }
0x2b7: {  	_ =	sdelay $0x1  }
0x2b8: {  	[sflag:s28] =	ssyncset.done $0x0  }
0x2b9: {  	s22 =	simm.s32 $0x1E0;
	[sflag:s28] =	ssyncadd.s32 $0xFFFFD800;
	s23 =	simm.s32 $0x1FE0  }
0x2ba: {  	_ =	sfence.sel $0x180000  }
0x2bb: {  	[bflag:$0x0] =	sbarrier.arrive $0xFFFF  }
0x2bc: {  	_ =	strace $0x9000004A  }
0x2bd: {  	s0 =	stileid.u32;
	[bflag:$0x2] =	sbarrier.arrive $0xFFFF  }
0x2be: {  	p0 =	sne.s32 s0, $0x0;
	s0 =	rddreg [dreg:$0x2]  }
0x2bf: {  	s0 =	sadd.s32 @!p0 $0x100000, s0  }
0x2c0: {  	[sflag:s0] =	ssyncadd.tile.s32 @!p0 $0x1;
	_ =	shalt  }
.Lfunc_end2:
_tile_overlayer_lowered:
.L_overlay_start_2:
0x2c1: {  	(tag) =	ssettag $0x2  }
0x2c2: {  	s0 =	rddreg [dreg:$0x0];
	s2 =	stileid.u32  }
0x2c3: {  	s1 =	rddreg [dreg:$0x1];
	p0 =	sne.s32 s2, $0x0  }
0x2c4: {  	s3 =	rddreg [dreg:$0x2];
	[bflag:$0x3] =	sbarrier.arrive $0xFFFF;
	s2 =	simm.s32 @!p0 $0x1C05  }
0x2c5: {  	[timem:s3], [sflag:s2] =	dma.local @!p0 [hbm:s0], s1  }
0x2c6: {  	s0 =	simm.s32 @!p0 $0x5  }
0x2c7: {  	_ =	swait.ge @!p0 [sflag:s0], s1  }
0x2c8: {  	s1 =	ssub.s32 @!p0 $0x0, s1;
	[sflag:s0] =	ssyncset.done @!p0 $0x0  }
0x2c9: {  	[sflag:s0] =	ssyncadd.s32 @!p0 s1  }
0x2ca: {  	[bflag:$0x3] =	sbarrier.arrive $0xFFFF  }
0x2cb: {  	_ =	shalt  }

// kernel: kernel.8.cloned.1.call-start
scs
__scs_entry_jumppad:
0x0: {  	(pc) =	sbr.rel $0x88, $3  }
0x1: {  	(tag) =	ssettag $0x0;
	lr =	simm.s32 $0x1  }
0x2: {  	[smem:$0x3F96] =	sst lr;
	_ =	strace $0xD0000000  }
0x3: {  	_ = 	snop  }
0x4: {  	_ = 	snop  }
0x5: {  	_ = 	snop  }
0x6: {  	_ = 	snop  }
0x7: {  	_ = 	snop  }
__scs_overlays_trampoline_lowered:
0x8: {  	[smem:$0x3FA5] =	sst s0  }
0x9: {  	[smem:$0x3FA6] =	sst s1  }
0xa: {  	[smem:$0x3FA7] =	sst s2  }
0xb: {  	[smem:$0x3FA8] =	sst s3  }
0xc: {  	[smem:$0x3FA9] =	sst s4  }
0xd: {  	[smem:$0x3FAA] =	sst s5  }
0xe: {  	[smem:$0x3FAB] =	sst s6  }
0xf: {  	[smem:$0x3FAC] =	sst s7  }
0x10: {  	[smem:$0x3FAD] =	sst s8  }
0x11: {  	[smem:$0x3FAE] =	sst s9;
	s0 =	simm.s32 @!p0 $0x0  }
0x12: {  	s1 =	sld [smem:$0x3F94];
	s0 =	simm.s32 @p0 $0x1  }
0x13: {  	[smem:$0x3FAF] =	sst s0;
	s0 =	simm.s32 @!p1 $0x0  }
0x14: {  	s2 =	sld [smem:$0x3F93];
	s0 =	simm.s32 @p1 $0x1  }
0x15: {  	[smem:$0x3FB0] =	sst s0;
	s0 =	simm.s32 @!p2 $0x0  }
0x16: {  	s3 =	sld [smem:$0x3FDB];
	s0 =	simm.s32 @p2 $0x1  }
0x17: {  	s4 =	simm.s32 $0x1BF5;
	[smem:$0x3FB2] =	sst s0  }
0x18: {  	s0 =	sld [smem:$0x3F95];
	_ =	swait.ge [sflag:s4], $0x0  }
0x19: {  	s7 =	sld [smem:$0x3F96]  }
0x1a: {  	s8 =	sadd.s32 $0xFFFFE003, lr  }
0x1b: {  	s9 =	sadd.s32 $0xFFFFFEF7, lr;
	s5 =	simm.s32 $0xFFFFFFFF;
	p2 =	slt.u32 s8, $0xFFFFF086  }
0x1c: {  	p1 =	slt.u32 s9, $0xF7A;
	s5 =	simm.s32 @!p2 $0x0  }
0x1d: {  	s5 =	simm.s32 @p1 $0x1;
	p0 =	seq.s32 s7, s2  }
0x1e: {  	s7 =	smul.u32 @!p0 $0xF7A, s2;
	p2 =	seq.s32 @!p0 s5, $0x0  }
0x1f: {  	s9 =	smul.u32 $0xF7A, s1;
	s8 =	simm.s32 @!p0 $0x1BF5;
	p2 =	por !p2, p0  }
0x20: {  	[sflag:s8] =	ssyncset.s32 @!p0 $0xFFFFF086;
	s6 =	sadd.s32 @!p0 s3, s7;
	s7 =	simm.s32 @!p0 $0x108  }
0x21: {  	s3 =	sadd.s32 s3, s9;
	s6 =	sadd.s32 @!p0 $0x88, s6;
	s7 =	simm.s32 @p2 $0x1082  }
0x22: {  	[simem:s7], [sflag:s8] =	dma.local @!p0 [hbm:s6], $0xF7A  }
0x23: {  	s9 =	sor.u32 $0xD0000000, s2;
	s6 =	simm.s32 $0x108;
	_ =	swait.ge @!p0 [sflag:s8], $0x0  }
0x24: {  	s3 =	sadd.s32 $0x88, s3;
	s6 =	simm.s32 @!p1 $0x1082;
	[sflag:s4] =	ssyncset.s32 $0xFFFFF086  }
0x25: {  	[simem:s6], [sflag:s4] =	dma.local [hbm:s3], $0xF7A  }
0x26: {  	[smem:$0x3F96] =	sst s1;
	(tag) =	ssettag s2;
	_ =	strace s9  }
0x27: {  	s1 =	sld [smem:$0x3FA6]  }
0x28: {  	s2 =	sld [smem:$0x3FA7]  }
0x29: {  	s4 =	sld [smem:$0x3FA9]  }
0x2a: {  	p0 =	seq.s32 s5, $0x0;
	s5 =	sld [smem:$0x3FAA]  }
0x2b: {  	s6 =	sld [smem:$0x3FAB]  }
0x2c: {  	s7 =	sld [smem:$0x3FAC]  }
0x2d: {  	s3 =	simm.s32 $0x108;
	s8 =	sld [smem:$0x3FAD]  }
0x2e: {  	s3 =	simm.s32 @!p0 $0x1082;
	s9 =	sld [smem:$0x3FAE]  }
0x2f: {  	lr =	sadd.s32 s0, s3;
	s0 =	sld [smem:$0x3FA5]  }
0x30: {  	s3 =	sld [smem:$0x3FA8]  }
0x31: {  	[smem:$0x3FB1] =	sst s10  }
0x32: {  	s10 =	sld [smem:$0x3FAF];
	_ =	sdelay $0x3  }
0x33: {  	p0 =	seq.s32 s10, $0x1;
	s10 =	sld [smem:$0x3FB1];
	_ =	sdelay $0x3  }
0x34: {  	[smem:$0x3FB1] =	sst s10  }
0x35: {  	s10 =	sld [smem:$0x3FB0];
	_ =	sdelay $0x3  }
0x36: {  	p1 =	seq.s32 s10, $0x1;
	s10 =	sld [smem:$0x3FB1];
	_ =	sdelay $0x3  }
0x37: {  	[smem:$0x3FB1] =	sst s10  }
0x38: {  	s10 =	sld [smem:$0x3FB2]  }
0x39: {  	_ = 	snop;
	(pc) =	sbr.ind lr, $3  }
0x3a: {  	_ = 	snop  }
0x3b: {  	_ = 	snop  }
0x3c: {  	p2 =	seq.s32 s10, $0x1;
	s10 =	sld [smem:$0x3FB1]  }
0x3d: {  	_ =	shalt  }
0x3e: {  	_ =	shalt  }
0x3f: {  	_ =	shalt  }
0x40: {  	_ =	shalt  }
0x41: {  	_ =	shalt  }
0x42: {  	_ =	shalt  }
0x43: {  	_ =	shalt  }
0x44: {  	_ =	shalt  }
0x45: {  	_ =	shalt  }
0x46: {  	_ =	shalt  }
0x47: {  	_ =	shalt  }
0x48: {  	_ =	shalt  }
0x49: {  	_ =	shalt  }
0x4a: {  	_ =	shalt  }
0x4b: {  	_ =	shalt  }
0x4c: {  	_ =	shalt  }
0x4d: {  	_ =	shalt  }
0x4e: {  	_ =	shalt  }
0x4f: {  	_ =	shalt  }
0x50: {  	_ =	shalt  }
0x51: {  	_ =	shalt  }
0x52: {  	_ =	shalt  }
0x53: {  	_ =	shalt  }
0x54: {  	_ =	shalt  }
0x55: {  	_ =	shalt  }
0x56: {  	_ =	shalt  }
0x57: {  	_ =	shalt  }
0x58: {  	_ =	shalt  }
0x59: {  	_ =	shalt  }
0x5a: {  	_ =	shalt  }
0x5b: {  	_ =	shalt  }
0x5c: {  	_ =	shalt  }
0x5d: {  	_ =	shalt  }
0x5e: {  	_ =	shalt  }
0x5f: {  	_ =	shalt  }
0x60: {  	_ =	shalt  }
0x61: {  	_ =	shalt  }
0x62: {  	_ =	shalt  }
0x63: {  	_ =	shalt  }
0x64: {  	_ =	shalt  }
0x65: {  	_ =	shalt  }
0x66: {  	_ =	shalt  }
0x67: {  	_ =	shalt  }
0x68: {  	_ =	shalt  }
0x69: {  	_ =	shalt  }
0x6a: {  	_ =	shalt  }
0x6b: {  	_ =	shalt  }
0x6c: {  	_ =	shalt  }
0x6d: {  	_ =	shalt  }
0x6e: {  	_ =	shalt  }
0x6f: {  	_ =	shalt  }
0x70: {  	_ =	shalt  }
0x71: {  	_ =	shalt  }
0x72: {  	_ =	shalt  }
0x73: {  	_ =	shalt  }
0x74: {  	_ =	shalt  }
0x75: {  	_ =	shalt  }
0x76: {  	_ =	shalt  }
0x77: {  	_ =	shalt  }
0x78: {  	_ =	shalt  }
0x79: {  	_ =	shalt  }
0x7a: {  	_ =	shalt  }
0x7b: {  	_ =	shalt  }
0x7c: {  	_ =	shalt  }
0x7d: {  	_ =	shalt  }
0x7e: {  	_ =	shalt  }
0x7f: {  	_ =	shalt  }
0x80: {  	_ =	shalt  }
0x81: {  	_ =	shalt  }
0x82: {  	_ =	shalt  }
0x83: {  	_ =	shalt  }
0x84: {  	_ =	shalt  }
0x85: {  	_ =	shalt  }
0x86: {  	_ =	shalt  }
0x87: {  	_ =	shalt  }
.Lfunc_end0:
.L_simem_size_0:
called_computation.1_lowered:
.L_overlay_start_0:
0x88: {  	s2 =	sld [smem:$0x3FD9]  }
0x89: {  	s3 =	sld [smem:$0x3FFE];
	_ =	sdelay $0x1  }
0x8a: {  	s1 =	srdreg.scid  }
0x8b: {  	s0 =	sand.u32 $0x1, s1  }
0x8c: {  	s16 =	sshll.u32 s0, $0xA;
	s2 =	sadd.s32 s3, s2  }
0x8d: {  	s2 =	sadd.s32 s2, s16  }
0x8e: {  	[smem:$0x3FBD] =	sst s2  }
0x8f: {  	_ = 	snop  }
0x90: {  	(tm) =	ssettm $0x1  }
0x91: {  	s17 =	sld [smem:$0x3FFB];
	_ =	sdelay $0x3  }
0x92: {  	_ =	strace s17  }
0x93: {  	s2 =	sld [smem:$0x3FFC];
	_ =	sdelay $0x3  }
0x94: {  	_ =	strace s2  }
0x95: {  	s2 =	sld [smem:$0x3FFD];
	_ =	sdelay $0x3  }
0x96: {  	_ =	strace s2  }
0x97: {  	_ =	strace $0x8FFFFFFF  }
0x98: {  	s18 =	sld [smem:$0x3FDB];
	_ =	sdelay $0x1  }
0x99: {  	s19 =	simm.s32 $_scs_section_size  }
0x9a: {  	s4 =	simm.s32 $_size__tile_overlayer_lowered;
	s5 =	simm.s32 $_tile_overlayer_lowered  }
0x9b: {  	s22 =	simm.s32 $0x1BFF;
	s21 =	sshll.u32 s5, $0x1;
	s2 =	sadd.s32 s19, s18  }
0x9c: {  	s6 =	simm.s32 $0x0;
	s20 =	sshll.u32 s4, $0x1;
	s4 =	sadd.s32 s21, s2  }
0x9d: {  	[timem:s6], [sflag:s22] =	dma.local [hbm:s4], s20  }
0x9e: {  	_ =	swait.ge [sflag:s22], s20  }
0x9f: {  	s3 =	ssub.s32 $0x0, s20;
	[sflag:s22] =	ssyncset.done $0x0  }
0xa0: {  	[sflag:s22] =	ssyncadd.s32 s3;
	_ =	sdelay $0x1  }
0xa1: {  	s23 =	simm.s32 $0x1B8B  }
0xa2: {  	_ =	swait.ge [sflag:s23], $0x1  }
0xa3: {  	[sflag:s23] =	ssyncset.done $0x0  }
0xa4: {  	s25 =	simm.s32 $0x1B8E;
	s24 =	sld [smem:$0x3FFE];
	[sflag:s23] =	ssyncadd.s32 $0xFFFFFFFF  }
0xa5: {  	s26 =	simm.s32 $execute0_lowered;
	[smem:$0x3FD2] =	sst s25  }
0xa6: {  	s4 =	sshll.u32 s26, $0x1;
	_ =	strace $0x80000046;
	[dreg:$0x1] =	wrdreg $0xFFFFFFFF  }
0xa7: {  	s28 =	simm.s32 $_size_execute0_lowered;
	s2 =	sadd.s32 s2, s4;
	[dreg:$0x0] =	wrdreg $0x0  }
0xa8: {  	s4 =	sshll.u32 s28, $0x1;
	[dreg:$0x2] =	wrdreg s2  }
0xa9: {  	[dreg:$0x3] =	wrdreg s4  }
0xaa: {  	[dreg:$0x4] =	wrdreg $0xC0  }
0xab: {  	_ =	task [dreg:s6], $0x5FFFF  }
0xac: {  	[dreg:$0x1] =	wrdreg $0xFFFFFFFF  }
0xad: {  	[dreg:$0x0] =	wrdreg $0x60  }
0xae: {  	[dreg:$0x2] =	wrdreg s24  }
0xaf: {  	[dreg:$0x3] =	wrdreg $0x1C000  }
0xb0: {  	[dreg:$0x4] =	wrdreg $0xA  }
0xb1: {  	_ =	task.clear_ibuf [dreg:s6], $0x5FFFF;
	_ =	strace $0x90000046  }
0xb2: {  	s29 =	simm.s32 $0xA;
	_ =	strace $0x80000048  }
0xb3: {  	_ =	swait.ge [sflag:s29], $0x1  }
0xb4: {  	[sflag:s29] =	ssyncadd.s32 $0xFFFFFFFF  }
0xb5: {  	_ =	strace $0x90000048  }
0xb6: {  	_ =	sfence  }
0xb7: {  	s30 =	sld [smem:$0x0];
	_ =	sdelay $0x2  }
0xb8: {  	s31 =	sshll.u32 s1, $0xD;
	s1 =	sshrl.u32 s1, $0x2  }
0xb9: {  	s3 =	sand.u32 $0x4000, s31;
	s1 =	sadd.s32 s1, s30  }
0xba: {  	s0 =	sor.u32 s3, s0;
	s1 =	sshll.u32 s1, $0x11  }
0xbb: {  	s0 =	sor.u32 s1, s0  }
0xbc: {  	s0 =	sadd.s32 $0x8F2B, s0  }
0xbd: {  	[sflag:s0] =	ssyncadd.remote.s32 $0x1  }
0xbe: {  	_ =	sfence.sel $0xFFFF  }
0xbf: {  	[dreg:$0x0] =	wrdreg $0xFFFFFFFF;
	(pc) =	sbr.abs _section_cstart, $3  }
0xc0: {  	[dreg:$0x1] =	wrdreg $0xFFFFFFFF  }
0xc1: {  	_ =	task.clear_ibuf [dreg:s6], $0x2FFFF;
	_ =	strace $0x9FFFFFFF  }
0xc2: {  	(tm) =	ssettm $0x7FFFFFFF  }
0xc3: {  	_ =	shalt  }
tec
execute0_lowered:
.L_overlay_start_1:
0x0: {  	(tag) =	ssettag $0x1  }
0x1: {  	s0 =	srdreg.scid;
	s4 =	rddreg [dreg:$0x0]  }
0x2: {  	s2 =	rddreg [dreg:$0x1];
	s5 =	sand.u32 $0x1, s0  }
0x3: {  	s0 =	stileid.u32;
	s6 =	smul.u32 $0x14000, s5  }
0x4: {  	s1 =	rddreg [dreg:$0x2];
	s3 =	simm.s32 $0x0;
	s7 =	smul.u32 $0x1400, s0  }
0x5: {  	s12 =	simm.s32 $0x1400;
	s13 =	simm.s32 $0x1;
	s8 =	smul.u32 $0x28000, s5  }
0x6: {  	s14 =	simm.s32 $0x80;
	[smem:$0x7FF] =	sst s3;
	s30 =	smul.u32 $0x2800, s0  }
0x7: {  	_ =	strace $0x80000047;
	s5 =	ssub.s32 $0x2, s5;
	s15 =	sshll.u32 s0, $0x6  }
0x8: {  	s9 =	smul.u32 $0xA000, s0;
	s10 =	sshrl.u32 s5, $0x1;
	s15 =	sor.u32 $0x1C01, s15  }
0x9: {  	s6 =	sadd.s32 s7, s6;
	s8 =	sadd.s32 s30, s8;
	s10 =	ssub.s32 s5, s10  }
0xa: {  	s31 =	sshrl.u32 s9, $0x2;
	s16 =	sadd.s32 s30, s2;
	s6 =	sshrl.u32 s6, $0x3  }
0xb: {  	s8 =	sshrl.u32 s8, $0x3;
	s7 =	smax.u32 s10, $0x1;
	s16 =	sshrl.u32 s16, $0x3  }
0xc: {  	s6 =	sadd.s32 s6, s4;
	s8 =	sadd.s32 s8, s4;
	s4 =	sadd.s32 s31, s2  }
0xd: {  	s5 =	sadd.s32 $0x2200, s6;
	s6 =	sadd.s32 $0x7200, s8;
	s8 =	sadd.s32 $0x800, s4  }
0xe: {  	v0 =	vimm.f32 $0.0e+00;
	v1 =	vimm.f32 $1.000000000e+00;
	s9 =	sadd.s32 $0x1000, s4;
	s10 =	sadd.s32 $0x1800, s4;
	s11 =	sadd.s32 $0x2000, s4  }
.LBB2_1:
0xf: {  	s17 =	simm.s32 $0x40;
	s18 =	simm.s32 $0x0  }
.LBB2_2:
0x10: {  	p0 =	sne.s32 s17, $0x1FC0;
	[tilespmem:s18+$0x1400] =	vst v0;
	s18 =	smov.u32 s17;
	s17 =	sadd.s32 $0x40, s17  }
.Ltmp0:
0x11: {  	(pc) =	sbr.rel @p0 .LBB2_2-.Ltmp0, $2  }
0x12: {  	_ =	sdelay $0x2  }
0x13: {  	s18 =	sshra.s32 s18, $0x2  }
0x14: {  	[tilespmem:s18+$0x1400] =	vst v0  }
0x15: {  	[spmem:s4] =	stream.linear.scatter [tilespmem:s12], [sflag:$0x1], $0x800, $0x38;
	[tilespmem:$0x4400] =	vst v63  }
0x16: {  	_ =	swait.ge [sflag:s13], $0x800  }
0x17: {  	[sflag:s13] =	ssyncset.done $0x0  }
0x18: {  	[sflag:s13] =	ssyncadd.s32 $0xFFFFF800  }
0x19: {  	[spmem:s8] =	stream.linear.scatter [tilespmem:s12], [sflag:$0x1], $0x800, $0x38;
	[tilespmem:$0x4400] =	vst v63  }
0x1a: {  	_ =	swait.ge [sflag:s13], $0x800  }
0x1b: {  	[sflag:s13] =	ssyncset.done $0x0  }
0x1c: {  	[sflag:s13] =	ssyncadd.s32 $0xFFFFF800  }
0x1d: {  	[spmem:s9] =	stream.linear.scatter [tilespmem:s12], [sflag:$0x1], $0x800, $0x38;
	[tilespmem:$0x4400] =	vst v63  }
0x1e: {  	_ =	swait.ge [sflag:s13], $0x800  }
0x1f: {  	[sflag:s13] =	ssyncset.done $0x0  }
0x20: {  	[sflag:s13] =	ssyncadd.s32 $0xFFFFF800  }
0x21: {  	[spmem:s10] =	stream.linear.scatter [tilespmem:s12], [sflag:$0x1], $0x800, $0x38;
	[tilespmem:$0x4400] =	vst v63  }
0x22: {  	_ =	swait.ge [sflag:s13], $0x800  }
0x23: {  	[sflag:s13] =	ssyncset.done $0x0  }
0x24: {  	[sflag:s13] =	ssyncadd.s32 $0xFFFFF800  }
0x25: {  	[spmem:s11] =	stream.linear.scatter [tilespmem:s12], [sflag:$0x1], $0x800, $0x38;
	[tilespmem:$0x4400] =	vst v63  }
0x26: {  	_ =	swait.ge [sflag:s13], $0x800  }
0x27: {  	[sflag:s13] =	ssyncset.done $0x0  }
0x28: {  	s17 =	simm.s32 $0x40;
	s18 =	simm.s32 $0x0;
	[sflag:s13] =	ssyncadd.s32 $0xFFFFF800  }
.LBB2_4:
0x29: {  	p0 =	sne.s32 s17, $0x1FC0;
	[tilespmem:s18+$0x1400] =	vst v1;
	s18 =	smov.u32 s17;
	s17 =	sadd.s32 $0x40, s17  }
.Ltmp1:
0x2a: {  	(pc) =	sbr.rel @p0 .LBB2_4-.Ltmp1, $2  }
0x2b: {  	_ =	sdelay $0x2  }
0x2c: {  	s18 =	sshra.s32 s18, $0x2  }
0x2d: {  	[tilespmem:s18+$0x1400] =	vst v1  }
0x2e: {  	s17 =	simm.s32 $0x0;
	[bflag:$0x0] =	sbarrier.arrive $0xFFFF  }
0x2f: {  	[tilespmem:s17], [sflag:$0x1] =	stream.linear.gather [hbm4b:s5+s17], $0x1400, $0x38;
	[tilespmem:$0x4400] =	vst v63  }
0x30: {  	_ =	swait.ge [sflag:s13], $0x1400  }
0x31: {  	[sflag:s13] =	ssyncset.done $0x0  }
0x32: {  	s31 =	simm.s32 $0x0;
	[sflag:s13] =	ssyncadd.s32 $0xFFFFEC00  }
0x33: {  	[spmem:s2] =	stream.indirect.scatter.add.f32 [tilespmem:s12], [sflag:$0x1], $0x10, s31, s14, $0xb8;
	[tilespmem:$0x4400] =	vst v63  }
0x34: {  	_ =	swait.ge [sflag:s13], $0x800  }
0x35: {  	s17 =	simm.s32 $0x200;
	[sflag:s13] =	ssyncset.done $0x0  }
.LBB2_6:
0x36: {  	s18 =	sshra.s32 s17, $0x2;
	[sflag:s13] =	ssyncadd.s32 $0xFFFFF800;
	p0 =	sne.s32 s17, $0x4E00  }
0x37: {  	[spmem:s2] =	stream.indirect.scatter.add.f32 [tilespmem:s12], [sflag:$0x1], $0x10, s18, s14, $0xb8;
	[tilespmem:$0x4400] =	vst v63  }
.Ltmp2:
0x38: {  	_ = 	snop;
	(pc) =	sbr.rel @p0 .LBB2_6-.Ltmp2, $4  }
0x39: {  	_ = 	snop  }
0x3a: {  	s17 =	sadd.s32 $0x200, s17  }
0x3b: {  	_ =	swait.ge [sflag:s13], $0x800  }
0x3c: {  	[sflag:s13] =	ssyncset.done $0x0  }
0x3d: {  	s3 =	sadd.s32 $0x1, s3  }
0x3e: {  	[sflag:s13] =	ssyncadd.s32 $0xFFFFF800;
	p0 =	sne.s32 s3, s7  }
.Ltmp3:
0x3f: {  	[bflag:$0x0] =	sbarrier.arrive $0xFFFF;
	(pc) =	sbr.rel @p0 .LBB2_1-.Ltmp3, $4  }
0x40: {  	[hbm:s6], [sflag:s15] =	dma.local [spmem:s16], $0x500  }
0x41: {  	_ =	swait.ge [sflag:s13], $0x500  }
0x42: {  	[sflag:s13] =	ssyncset.done $0x0  }
0x43: {  	[sflag:s13] =	ssyncadd.s32 $0xFFFFFB00  }
0x44: {  	_ =	sfence.sel $0x180000  }
0x45: {  	[bflag:$0x0] =	sbarrier.arrive $0xFFFF  }
0x46: {  	p0 =	sne.s32 s0, $0x0;
	_ =	strace $0x90000047  }
0x47: {  	s0 =	sadd.s32 @!p0 $0x100000, s1;
	[bflag:$0x2] =	sbarrier.arrive $0xFFFF  }
0x48: {  	[sflag:s0] =	ssyncadd.tile.s32 @!p0 $0x1;
	_ =	shalt  }
.Lfunc_end2:
_tile_overlayer_lowered:
.L_overlay_start_2:
0x49: {  	(tag) =	ssettag $0x2  }
0x4a: {  	s0 =	rddreg [dreg:$0x0];
	s2 =	stileid.u32  }
0x4b: {  	s1 =	rddreg [dreg:$0x1];
	p0 =	sne.s32 s2, $0x0  }
0x4c: {  	s3 =	rddreg [dreg:$0x2];
	[bflag:$0x3] =	sbarrier.arrive $0xFFFF;
	s2 =	simm.s32 @!p0 $0x1C01  }
0x4d: {  	[timem:s3], [sflag:s2] =	dma.local @!p0 [hbm:s0], s1  }
0x4e: {  	s0 =	simm.s32 @!p0 $0x1  }
0x4f: {  	_ =	swait.ge @!p0 [sflag:s0], s1  }
0x50: {  	s1 =	ssub.s32 @!p0 $0x0, s1;
	[sflag:s0] =	ssyncset.done @!p0 $0x0  }
0x51: {  	[sflag:s0] =	ssyncadd.s32 @!p0 s1  }
0x52: {  	[bflag:$0x3] =	sbarrier.arrive $0xFFFF  }
0x53: {  	_ =	shalt  }

</sc_bundles>
